<compile_context>
chip_gen: v7x
topology: tpu7x:2x2x1
jax: 0.10.2.dev20260603
libtpu: 0.0.44.dev20260713+nightly
codegen_flags: <defaults>
</compile_context>

<pallas_src>
import functools

import jax
import jax.numpy as jnp
from jax import lax
from jax.experimental import pallas as pl
from jax.experimental.pallas import tpu as pltpu
from jax.experimental.pallas import tpu_sc as plsc

L = 16


def _sc_info():
    try:
        info = plsc.get_sparse_core_info()
        return info.num_cores, info.num_subcores
    except Exception:
        return 2, 16


def _pick_block(n, target):
    b = min(n, target)
    while b > 8 and (n % b or b % 8):
        b -= 8
    return b


def _gelu16(x):
    return x / (1.0 + jnp.exp(-1.702 * x))


def _sc_aggregate(P, Q, src, tgt):
    N, D = P.shape
    E = src.shape[0]
    NC, NS = _sc_info()
    NW = NC * NS
    EPW = E // NW
    assert E % NW == 0 and EPW % 8 == 0
    CH = 72
    NFULL = EPW // CH
    TAIL = EPW - NFULL * CH
    assert NFULL % 2 == 0 and NFULL >= 4
    assert N % NS == 0
    RPT = (N // NS) // 8 * 8
    REM = N - NS * RPT
    VB = D // L

    mesh = plsc.VectorSubcoreMesh(core_axis_name="c", subcore_axis_name="s",
                                  num_cores=NC, num_subcores=NS)

    @functools.partial(
        pl.kernel,
        out_type=(jax.ShapeDtypeStruct((NC, N, D), jnp.float32),
                  jax.ShapeDtypeStruct((NC, N, D), jnp.float32)),
        mesh=mesh,
        scratch_types=[
            pltpu.VMEM((EPW,), jnp.int32),
            pltpu.VMEM((CH,), jnp.int32),
            pltpu.VMEM((CH,), jnp.int32),
            pltpu.VMEM((TAIL,), jnp.int32),
            pltpu.VMEM((CH, D), jnp.float32),
            pltpu.VMEM((CH, D), jnp.float32),
            pltpu.VMEM((CH, D), jnp.float32),
            pltpu.VMEM((CH, D), jnp.float32),
            pltpu.SemaphoreType.DMA,
            pltpu.SemaphoreType.DMA,
            pltpu.SemaphoreType.DMA,
            pltpu.SemaphoreType.DMA,
            pltpu.SemaphoreType.DMA,
            pltpu.VMEM_SHARED((N, D), jnp.float32),
        ],
    )
    def agg_kernel(p_hbm, q_hbm, src_hbm, tgt_hbm, zeros_hbm,
                   out_hbm, cnt_hbm,
                   srcall, tgtv0, tgtv1, tgtt, gv0, gv1, hv0, hv1,
                   gsem0, gsem1, qsem0, qsem1, ssem, accum):
        cid = lax.axis_index("c")
        sid = lax.axis_index("s")
        base = (cid * NS + sid) * EPW
        tgtv = (tgtv0, tgtv1)
        gv = (gv0, gv1)
        hv = (hv0, hv1)
        gsem = (gsem0, gsem1)
        qsem = (qsem0, qsem1)

        r0 = sid * RPT
        pltpu.sync_copy(zeros_hbm.at[pl.ds(r0, RPT), :],
                        accum.at[pl.ds(r0, RPT), :])
        if REM:
            @pl.when(sid == NS - 1)
            def _():
                pltpu.sync_copy(zeros_hbm.at[pl.ds(NS * RPT, REM), :],
                                accum.at[pl.ds(NS * RPT, REM), :])
        pltpu.sync_copy(src_hbm.at[pl.ds(base, EPW)], srcall)
        plsc.subcore_barrier()

        def issue_gather(c, b):
            return pltpu.async_copy(
                p_hbm.at[srcall.at[pl.ds(c * CH, CH)]], gv[b], gsem[b])

        def issue_qt(c, b):
            pltpu.async_copy(tgt_hbm.at[pl.ds(base + c * CH, CH)], tgtv[b],
                             qsem[b])
            pltpu.async_copy(q_hbm.at[pl.ds(base + c * CH, CH), :], hv[b],
                             qsem[b])

        def wait_gather(c, b):
            pltpu.make_async_copy(
                p_hbm.at[srcall.at[pl.ds(c * CH, CH)]], gv[b], gsem[b]).wait()

        def wait_qt(c, b):
            pltpu.make_async_copy(tgt_hbm.at[pl.ds(base + c * CH, CH)],
                                  tgtv[b], qsem[b]).wait()
            pltpu.make_async_copy(q_hbm.at[pl.ds(base + c * CH, CH), :],
                                  hv[b], qsem[b]).wait()

        def compute(b, nrows):
            def row(r, _):
                for cc in range(VB):
                    s = pl.ds(cc * L, L)
                    hv[b][r, s] = _gelu16(gv[b][r, s] + hv[b][r, s])
                return 0
            lax.fori_loop(0, nrows, row, 0)

        for b in (0, 1):
            issue_qt(b, b)
            issue_gather(b, b)

        def step(c, b, prefetch):
            wait_gather(c, b)
            wait_qt(c, b)
            compute(b, CH)
            scat = pltpu.async_copy(hv[b], accum.at[tgtv[b]], ssem,
                                    add=True)
            if prefetch:
                g = issue_gather(c + 2, b)
            scat.wait()
            if prefetch:
                issue_qt(c + 2, b)

        def outer(k, _):
            c = 2 * k
            step(c, 0, True)
            step(c + 1, 1, True)
            return 0
        lax.fori_loop(0, NFULL // 2 - 1, outer, 0)
        step(NFULL - 2, 0, False)
        step(NFULL - 1, 1, False)

        if TAIL:
            off = base + NFULL * CH
            pltpu.sync_copy(tgt_hbm.at[pl.ds(off, TAIL)], tgtt)
            gather = pltpu.async_copy(
                p_hbm.at[srcall.at[pl.ds(NFULL * CH, TAIL)]],
                gv0.at[pl.ds(0, TAIL)], gsem0)
            pltpu.sync_copy(q_hbm.at[pl.ds(off, TAIL), :],
                            hv0.at[pl.ds(0, TAIL), :])
            gather.wait()

            def trow(r, _):
                for cc in range(VB):
                    s = pl.ds(cc * L, L)
                    hv0[r, s] = _gelu16(gv0[r, s] + hv0[r, s])
                return 0
            lax.fori_loop(0, TAIL, trow, 0)
            pltpu.sync_copy(hv0.at[pl.ds(0, TAIL), :], accum.at[tgtt],
                            add=True)

        plsc.subcore_barrier()
        pltpu.sync_copy(accum.at[pl.ds(r0, RPT), :],
                        out_hbm.at[cid, pl.ds(r0, RPT), :])
        pltpu.sync_copy(zeros_hbm.at[pl.ds(r0, RPT), :],
                        accum.at[pl.ds(r0, RPT), :])
        if REM:
            @pl.when(sid == NS - 1)
            def _():
                pltpu.sync_copy(accum.at[pl.ds(NS * RPT, REM), :],
                                out_hbm.at[cid, pl.ds(NS * RPT, REM), :])
                pltpu.sync_copy(zeros_hbm.at[pl.ds(NS * RPT, REM), :],
                                accum.at[pl.ds(NS * RPT, REM), :])

        ones16 = jnp.ones((L,), jnp.float32)

        def orow(r, _):
            for cc in range(VB):
                hv0[r, pl.ds(cc * L, L)] = ones16
            return 0
        lax.fori_loop(0, CH, orow, 0)
        plsc.subcore_barrier()

        def issue_idx2(c, b):
            pltpu.async_copy(tgt_hbm.at[pl.ds(base + c * CH, CH)], tgtv[b],
                             qsem[b])

        def wait_idx2(c, b):
            pltpu.make_async_copy(tgt_hbm.at[pl.ds(base + c * CH, CH)],
                                  tgtv[b], qsem[b]).wait()

        issue_idx2(0, 0)
        issue_idx2(1, 1)

        def step2(c, b, prefetch):
            wait_idx2(c, b)
            scat = pltpu.async_copy(hv0, accum.at[tgtv[b]], gsem[b],
                                    add=True)
            scat.wait()
            if prefetch:
                issue_idx2(c + 2, b)

        def outer2(k, _):
            c = 2 * k
            step2(c, 0, True)
            step2(c + 1, 1, True)
            return 0
        lax.fori_loop(0, NFULL // 2 - 1, outer2, 0)
        step2(NFULL - 2, 0, False)
        step2(NFULL - 1, 1, False)
        if TAIL:
            off = base + NFULL * CH
            pltpu.sync_copy(tgt_hbm.at[pl.ds(off, TAIL)], tgtt)
            pltpu.sync_copy(hv0.at[pl.ds(0, TAIL), :], accum.at[tgtt],
                            add=True)

        plsc.subcore_barrier()
        pltpu.sync_copy(accum.at[pl.ds(r0, RPT), :],
                        cnt_hbm.at[cid, pl.ds(r0, RPT), :])
        if REM:
            @pl.when(sid == NS - 1)
            def _():
                pltpu.sync_copy(accum.at[pl.ds(NS * RPT, REM), :],
                                cnt_hbm.at[cid, pl.ds(NS * RPT, REM), :])

    return agg_kernel(P, Q, src, tgt, jnp.zeros((N, D), jnp.float32))


def _tc_projs(ns, ee, W1n, W1e, b1):
    N, D = ns.shape
    E, DE = ee.shape
    BE = _pick_block(E, 4000)
    BN = _pick_block(N, 2000)
    NQ = E // BE
    NP = N // BN

    def body(ee_ref, w1e_ref, ns_ref, w1n_ref, b_ref, q_ref, p_ref):
        i = pl.program_id(0)

        @pl.when(i < NQ)
        def _():
            q_ref[...] = jnp.dot(ee_ref[...], w1e_ref[...],
                                 preferred_element_type=jnp.float32)

        @pl.when(i >= NQ)
        def _():
            p_ref[...] = jnp.dot(ns_ref[...], w1n_ref[...],
                                 preferred_element_type=jnp.float32) + b_ref[...]

    qmax = NQ - 1
    return pl.pallas_call(
        body,
        grid=(NQ + NP,),
        in_specs=[
            pl.BlockSpec((BE, DE), lambda i: (jnp.minimum(i, qmax), 0)),
            pl.BlockSpec((DE, D), lambda i: (0, 0)),
            pl.BlockSpec((BN, D), lambda i: (jnp.maximum(i - NQ, 0), 0)),
            pl.BlockSpec((D, D), lambda i: (0, 0)),
            pl.BlockSpec((1, D), lambda i: (0, 0)),
        ],
        out_specs=[
            pl.BlockSpec((BE, D), lambda i: (jnp.minimum(i, qmax), 0)),
            pl.BlockSpec((BN, D), lambda i: (jnp.maximum(i - NQ, 0), 0)),
        ],
        out_shape=[jax.ShapeDtypeStruct((E, D), jnp.float32),
                   jax.ShapeDtypeStruct((N, D), jnp.float32)],
    )(ee, W1e, ns, W1n, b1.reshape(1, D))


def _tc_final(ns, part, cntp, W2, b2, Ws, bs, Wa, ba, gamma, beta, eps):
    N, D = ns.shape
    BN = _pick_block(N, 2000)

    def body(ns_ref, p_ref, c_ref, w2_ref, b2_ref, ws_ref, bs_ref,
             wa_ref, ba_ref, g_ref, be_ref, o_ref):
        nsb = ns_ref[...]
        agg = p_ref[0] + p_ref[1]
        cnt = (c_ref[0] + c_ref[1])[:, 0:1]
        w2wa = jnp.dot(w2_ref[...], wa_ref[...],
                       preferred_element_type=jnp.float32)
        b2wa = jnp.dot(b2_ref[...], wa_ref[...],
                       preferred_element_type=jnp.float32)
        a = jnp.dot(agg, w2wa, preferred_element_type=jnp.float32)
        a = a / jnp.maximum(cnt, 1.0)
        a = a + jnp.where(cnt > 0.0, b2wa, 0.0) + ba_ref[...]
        s = jnp.dot(nsb, ws_ref[...],
                    preferred_element_type=jnp.float32) + bs_ref[...]
        u = s + a
        y = nsb + 0.5 * u * (1.0 + lax.erf(u * 0.7071067811865476))
        mean = jnp.mean(y, axis=-1, keepdims=True)
        yc = y - mean
        var = jnp.mean(yc * yc, axis=-1, keepdims=True)
        o_ref[...] = yc * jax.lax.rsqrt(var + eps) * g_ref[...] + be_ref[...]

    full = lambda shape: pl.BlockSpec(shape, lambda i: tuple(0 for _ in shape))
    return pl.pallas_call(
        body,
        grid=(N // BN,),
        in_specs=[pl.BlockSpec((BN, D), lambda i: (i, 0)),
                  pl.BlockSpec((2, BN, D), lambda i: (0, i, 0)),
                  pl.BlockSpec((2, BN, D), lambda i: (0, i, 0)),
                  full((D, D)), full((1, D)), full((D, D)), full((1, D)),
                  full((D, D)), full((1, D)), full((1, D)), full((1, D))],
        out_specs=pl.BlockSpec((BN, D), lambda i: (i, 0)),
        out_shape=jax.ShapeDtypeStruct((N, D), jnp.float32),
    )(ns, part, cntp, W2, b2.reshape(1, D), Ws, bs.reshape(1, D),
      Wa, ba.reshape(1, D), gamma.reshape(1, D), beta.reshape(1, D))


def kernel(node_state, edge_index, edge_embeddings,
           W1, b1, W2, b2, Ws, bs, Wa, ba, gamma, beta):
    N, D = node_state.shape
    src = edge_index[0]
    tgt = edge_index[1]
    Q, P = _tc_projs(node_state, edge_embeddings, W1[:D], W1[D:], b1)
    part, cntp = _sc_aggregate(P, Q, src, tgt)
    return _tc_final(node_state, part, cntp, W2, b2, Ws, bs, Wa, ba,
                     gamma, beta, 1e-5)

# --- scband reference (transcript-rebuilt; emitter-appended) ---
"""Pipeline reference for scband-relational-message-passing-layer-30571577213268 (READ-ONLY COPY).

The authoritative reference and input builder live on the scoring server;
editing this copy changes nothing except your own understanding.
"""

import jax, jax.numpy as jnp
import numpy as np

N = 10000
E = 320000
D = 128
DE = 16
EPS = 1e-5


def _linear_init(key, fan_in, shape):
    bound = 1.0 / np.sqrt(fan_in)
    return jax.random.uniform(key, shape, dtype=jnp.float32, minval=-bound, maxval=bound)


def setup_inputs(seed: int = 0) -> dict:
    key = jax.random.key(seed)
    ks = jax.random.split(key, 16)
    node_state = jax.random.normal(ks[0], (N, D), dtype=jnp.float32)
    edge_index = jax.random.randint(ks[1], (2, E), 0, N, dtype=jnp.int32)
    edge_embeddings = jax.random.normal(ks[2], (E, DE), dtype=jnp.float32)
    # message MLP: Linear(D+DE -> D), GELU, Linear(D -> D)
    W1 = _linear_init(ks[3], D + DE, (D + DE, D))
    b1 = _linear_init(ks[4], D + DE, (D,))
    W2 = _linear_init(ks[5], D, (D, D))
    b2 = _linear_init(ks[6], D, (D,))
    # self_proj and aggregate_proj
    Ws = _linear_init(ks[7], D, (D, D))
    bs = _linear_init(ks[8], D, (D,))
    Wa = _linear_init(ks[9], D, (D, D))
    ba = _linear_init(ks[10], D, (D,))
    # layernorm params
    gamma = jnp.ones((D,), dtype=jnp.float32)
    beta = jnp.zeros((D,), dtype=jnp.float32)
    return {
        "node_state": node_state,
        "edge_index": edge_index,
        "edge_embeddings": edge_embeddings,
        "W1": W1, "b1": b1, "W2": W2, "b2": b2,
        "Ws": Ws, "bs": bs, "Wa": Wa, "ba": ba,
        "gamma": gamma, "beta": beta,
    }


def _layernorm(y, gamma, beta):
    mean = jnp.mean(y, axis=-1, keepdims=True)
    var = jnp.var(y, axis=-1, keepdims=True)
    return (y - mean) / jnp.sqrt(var + EPS) * gamma + beta


def reference(node_state, edge_index, edge_embeddings, W1, b1, W2, b2, Ws, bs, Wa, ba, gamma, beta):
    src = edge_index[0]
    tgt = edge_index[1]
    h = jnp.concatenate([jnp.take(node_state, src, axis=0), edge_embeddings], axis=-1)
    hidden = jax.nn.gelu(h @ W1 + b1, approximate=False)
    messages = hidden @ W2 + b2
    aggregated = jnp.zeros_like(node_state).at[tgt].add(messages)
    counts = jnp.bincount(tgt, minlength=N, length=N)
    counts = jnp.maximum(counts, 1).astype(node_state.dtype)[:, None]
    aggregated = aggregated / counts
    updated = (node_state @ Ws + bs) + (aggregated @ Wa + ba)
    y = node_state + jax.nn.gelu(updated, approximate=False)
    return _layernorm(y, gamma, beta)

if __name__ == "__main__":
    import jax
    _d = setup_inputs()
    print(jax.jit(kernel)(*tuple(_d.values())))

</pallas_src>

<mosaic_0001>
#map = affine_map<(d0, d1) -> (0, 0)>
#map1 = affine_map<(d0, d1) -> (0)>
#map2 = affine_map<(d0, d1) -> (0, 0, 0)>
module attributes {stable_mosaic.version = 14 : i64} {
  func.func @agg_kernel(%arg0: i32, %arg1: i32, %arg2: memref<10000x128xf32, #tpu.memory_space<hbm>>, %arg3: memref<320000x128xf32, #tpu.memory_space<hbm>>, %arg4: memref<320000xi32, #tpu.memory_space<hbm>>, %arg5: memref<320000xi32, #tpu.memory_space<hbm>>, %arg6: memref<10000x128xf32, #tpu.memory_space<hbm>>, %arg7: memref<2x10000x128xf32, #tpu.memory_space<hbm>>, %arg8: memref<2x10000x128xf32, #tpu.memory_space<hbm>>, %arg9: memref<10000xi32, #tpu.memory_space<vmem>>, %arg10: memref<72xi32, #tpu.memory_space<vmem>>, %arg11: memref<72xi32, #tpu.memory_space<vmem>>, %arg12: memref<64xi32, #tpu.memory_space<vmem>>, %arg13: memref<72x128xf32, #tpu.memory_space<vmem>>, %arg14: memref<72x128xf32, #tpu.memory_space<vmem>>, %arg15: memref<72x128xf32, #tpu.memory_space<vmem>>, %arg16: memref<72x128xf32, #tpu.memory_space<vmem>>, %arg17: memref<!tpu.dma_semaphore, #tpu.memory_space<semaphore_mem>>, %arg18: memref<!tpu.dma_semaphore, #tpu.memory_space<semaphore_mem>>, %arg19: memref<!tpu.dma_semaphore, #tpu.memory_space<semaphore_mem>>, %arg20: memref<!tpu.dma_semaphore, #tpu.memory_space<semaphore_mem>>, %arg21: memref<!tpu.dma_semaphore, #tpu.memory_space<semaphore_mem>>, %arg22: memref<10000x128xf32, #tpu.memory_space<vmem_shared>>) attributes {dimension_semantics = [#tpu.dimension_semantics<core_parallel>, #tpu.dimension_semantics<subcore_parallel>], iteration_bounds = array<i64: 2, 16>, scalar_prefetch = 0 : i64, scratch_operands = 14 : i64, tpu.core_type = #tpu.core_type<sc_vector_subcore>, window_params = [{transform_indices = #map}, {transform_indices = #map}, {transform_indices = #map1}, {transform_indices = #map1}, {transform_indices = #map}, {transform_indices = #map2}, {transform_indices = #map2}]} {
    %mul3A = arith.constant 16 : i32
    %mul3A_0 = arith.muli %arg0, %mul3A : i32
    %add3A = arith.addi %mul3A_0, %arg1 : i32
    %mul3A_1 = arith.constant 10000 : i32
    %mul3A_2 = arith.muli %add3A, %mul3A_1 : i32
    %mul3A_3 = arith.constant 624 : i32
    %mul3A_4 = arith.muli %arg1, %mul3A_3 : i32
    "tpu.region"() ({
      %run_scoped3A = tpu.sem_alloc : memref<!tpu.dma_semaphore, #tpu.memory_space<semaphore_mem>>
      %dma_start3A_180 = arith.constant 0 : i32
      %dma_start3A_181 = tpu.memref_slice %arg22[%mul3A_4, %dma_start3A_180] : memref<10000x128xf32, #tpu.memory_space<vmem_shared>> -> memref<624x128xf32, #tpu.memory_space<vmem_shared>>
      %dma_start3A_182 = arith.constant 0 : i32
      %dma_start3A_183 = tpu.memref_slice %arg6[%mul3A_4, %dma_start3A_182] : memref<10000x128xf32, #tpu.memory_space<hbm>> -> memref<624x128xf32, #tpu.memory_space<hbm>>
      tpu.enqueue_dma source(%dma_start3A_183 : memref<624x128xf32, #tpu.memory_space<hbm>>) target(%dma_start3A_181 : memref<624x128xf32, #tpu.memory_space<vmem_shared>>) target_semaphore(%run_scoped3A : memref<!tpu.dma_semaphore, #tpu.memory_space<semaphore_mem>>)
      %dma_wait3A_184 = arith.constant 0 : i32
      %dma_wait3A_185 = tpu.memref_slice %arg22[%mul3A_4, %dma_wait3A_184] : memref<10000x128xf32, #tpu.memory_space<vmem_shared>> -> memref<624x128xf32, #tpu.memory_space<vmem_shared>>
      %dma_wait3A_186 = arith.constant 0 : i32
      %dma_wait3A_187 = tpu.memref_slice %arg6[%mul3A_4, %dma_wait3A_186] : memref<10000x128xf32, #tpu.memory_space<hbm>> -> memref<624x128xf32, #tpu.memory_space<hbm>>
      tpu.wait_dma2 semaphore(%run_scoped3A : memref<!tpu.dma_semaphore, #tpu.memory_space<semaphore_mem>>) src(%dma_wait3A_187 : memref<624x128xf32, #tpu.memory_space<hbm>>) dst(%dma_wait3A_185 : memref<624x128xf32, #tpu.memory_space<vmem_shared>>)
      tpu.yield
    }) : () -> ()
    %eq3A = arith.constant 15 : i32
    %eq3A_5 = arith.cmpi eq, %arg1, %eq3A : i32
    %convert_element_type3A = arith.extui %eq3A_5 : i1 to i32
    %cond3A = arith.constant 0 : i32
    %cond3A_6 = arith.cmpi ne, %convert_element_type3A, %cond3A : i32
    scf.if %cond3A_6 {
      "tpu.region"() ({
        %run_scoped3A = tpu.sem_alloc : memref<!tpu.dma_semaphore, #tpu.memory_space<semaphore_mem>>
        %dma_start3A_180 = arith.constant 9984 : i32
        %dma_start3A_181 = arith.constant 0 : i32
        %dma_start3A_182 = tpu.memref_slice %arg22[%dma_start3A_180, %dma_start3A_181] : memref<10000x128xf32, #tpu.memory_space<vmem_shared>> -> memref<16x128xf32, #tpu.memory_space<vmem_shared>>
        %dma_start3A_183 = arith.constant 9984 : i32
        %dma_start3A_184 = arith.constant 0 : i32
        %dma_start3A_185 = tpu.memref_slice %arg6[%dma_start3A_183, %dma_start3A_184] : memref<10000x128xf32, #tpu.memory_space<hbm>> -> memref<16x128xf32, #tpu.memory_space<hbm>>
        tpu.enqueue_dma source(%dma_start3A_185 : memref<16x128xf32, #tpu.memory_space<hbm>>) target(%dma_start3A_182 : memref<16x128xf32, #tpu.memory_space<vmem_shared>>) target_semaphore(%run_scoped3A : memref<!tpu.dma_semaphore, #tpu.memory_space<semaphore_mem>>)
        %dma_wait3A_186 = arith.constant 9984 : i32
        %dma_wait3A_187 = arith.constant 0 : i32
        %dma_wait3A_188 = tpu.memref_slice %arg22[%dma_wait3A_186, %dma_wait3A_187] : memref<10000x128xf32, #tpu.memory_space<vmem_shared>> -> memref<16x128xf32, #tpu.memory_space<vmem_shared>>
        %dma_wait3A_189 = arith.constant 9984 : i32
        %dma_wait3A_190 = arith.constant 0 : i32
        %dma_wait3A_191 = tpu.memref_slice %arg6[%dma_wait3A_189, %dma_wait3A_190] : memref<10000x128xf32, #tpu.memory_space<hbm>> -> memref<16x128xf32, #tpu.memory_space<hbm>>
        tpu.wait_dma2 semaphore(%run_scoped3A : memref<!tpu.dma_semaphore, #tpu.memory_space<semaphore_mem>>) src(%dma_wait3A_191 : memref<16x128xf32, #tpu.memory_space<hbm>>) dst(%dma_wait3A_188 : memref<16x128xf32, #tpu.memory_space<vmem_shared>>)
        tpu.yield
      }) : () -> ()
    } else {
    }
    "tpu.region"() ({
      %run_scoped3A = tpu.sem_alloc : memref<!tpu.dma_semaphore, #tpu.memory_space<semaphore_mem>>
      %dma_start3A_180 = tpu.memref_slice %arg4[%mul3A_2] : memref<320000xi32, #tpu.memory_space<hbm>> -> memref<10000xi32, #tpu.memory_space<hbm>>
      %dma_start3A_181 = tpu.memref_slice %arg4[%mul3A_2] : memref<320000xi32, #tpu.memory_space<hbm>> -> memref<10000xi32, #tpu.memory_space<hbm>>
      tpu.enqueue_dma source(%dma_start3A_181 : memref<10000xi32, #tpu.memory_space<hbm>>) target(%arg9 : memref<10000xi32, #tpu.memory_space<vmem>>) target_semaphore(%run_scoped3A : memref<!tpu.dma_semaphore, #tpu.memory_space<semaphore_mem>>)
      %dma_wait3A_182 = tpu.memref_slice %arg4[%mul3A_2] : memref<320000xi32, #tpu.memory_space<hbm>> -> memref<10000xi32, #tpu.memory_space<hbm>>
      %dma_wait3A_183 = tpu.memref_slice %arg4[%mul3A_2] : memref<320000xi32, #tpu.memory_space<hbm>> -> memref<10000xi32, #tpu.memory_space<hbm>>
      tpu.wait_dma2 semaphore(%run_scoped3A : memref<!tpu.dma_semaphore, #tpu.memory_space<semaphore_mem>>) src(%dma_wait3A_183 : memref<10000xi32, #tpu.memory_space<hbm>>) dst(%arg9 : memref<10000xi32, #tpu.memory_space<vmem>>)
      tpu.yield
    }) : () -> ()
    %barrier3A = arith.constant 0 : index
    tpu.barrier barrier_id(%barrier3A)
    %add3A_7 = arith.constant 0 : i32
    %add3A_8 = arith.addi %mul3A_2, %add3A_7 : i32
    %dma_start3A = tpu.memref_slice %arg5[%add3A_8] : memref<320000xi32, #tpu.memory_space<hbm>> -> memref<72xi32, #tpu.memory_space<hbm>>
    %dma_start3A_9 = tpu.memref_slice %arg5[%add3A_8] : memref<320000xi32, #tpu.memory_space<hbm>> -> memref<72xi32, #tpu.memory_space<hbm>>
    tpu.enqueue_dma source(%dma_start3A_9 : memref<72xi32, #tpu.memory_space<hbm>>) target(%arg10 : memref<72xi32, #tpu.memory_space<vmem>>) target_semaphore(%arg19 : memref<!tpu.dma_semaphore, #tpu.memory_space<semaphore_mem>>)
    %add3A_10 = arith.constant 0 : i32
    %add3A_11 = arith.addi %mul3A_2, %add3A_10 : i32
    %dma_start3A_12 = arith.constant 0 : i32
    %dma_start3A_13 = tpu.memref_slice %arg3[%add3A_11, %dma_start3A_12] : memref<320000x128xf32, #tpu.memory_space<hbm>> -> memref<72x128xf32, #tpu.memory_space<hbm>>
    %dma_start3A_14 = arith.constant 0 : i32
    %dma_start3A_15 = tpu.memref_slice %arg3[%add3A_11, %dma_start3A_14] : memref<320000x128xf32, #tpu.memory_space<hbm>> -> memref<72x128xf32, #tpu.memory_space<hbm>>
    tpu.enqueue_dma source(%dma_start3A_15 : memref<72x128xf32, #tpu.memory_space<hbm>>) target(%arg15 : memref<72x128xf32, #tpu.memory_space<vmem>>) target_semaphore(%arg19 : memref<!tpu.dma_semaphore, #tpu.memory_space<semaphore_mem>>)
    %dma_start3A_16 = arith.constant 0 : i32
    %dma_start3A_17 = tpu.memref_slice %arg9[%dma_start3A_16] : memref<10000xi32, #tpu.memory_space<vmem>> -> memref<72xi32, #tpu.memory_space<vmem>>
    %dma_start3A_18 = arith.constant 0 : i32
    %dma_start3A_19 = arith.constant 0 : i32
    %dma_start3A_20 = tpu.memref_slice %arg2[%dma_start3A_18, %dma_start3A_19] : memref<10000x128xf32, #tpu.memory_space<hbm>> -> memref<10000x128xf32, #tpu.memory_space<hbm>>
    tpu.enqueue_indirect_dma source(%dma_start3A_20 : memref<10000x128xf32, #tpu.memory_space<hbm>>) target(%arg13 : memref<72x128xf32, #tpu.memory_space<vmem>>) offsets(%dma_start3A_17 : memref<72xi32, #tpu.memory_space<vmem>>) semaphore(%arg17 : memref<!tpu.dma_semaphore, #tpu.memory_space<semaphore_mem>>)
    %add3A_21 = arith.constant 72 : i32
    %add3A_22 = arith.addi %mul3A_2, %add3A_21 : i32
    %dma_start3A_23 = tpu.memref_slice %arg5[%add3A_22] : memref<320000xi32, #tpu.memory_space<hbm>> -> memref<72xi32, #tpu.memory_space<hbm>>
    %dma_start3A_24 = tpu.memref_slice %arg5[%add3A_22] : memref<320000xi32, #tpu.memory_space<hbm>> -> memref<72xi32, #tpu.memory_space<hbm>>
    tpu.enqueue_dma source(%dma_start3A_24 : memref<72xi32, #tpu.memory_space<hbm>>) target(%arg11 : memref<72xi32, #tpu.memory_space<vmem>>) target_semaphore(%arg20 : memref<!tpu.dma_semaphore, #tpu.memory_space<semaphore_mem>>)
    %add3A_25 = arith.constant 72 : i32
    %add3A_26 = arith.addi %mul3A_2, %add3A_25 : i32
    %dma_start3A_27 = arith.constant 0 : i32
    %dma_start3A_28 = tpu.memref_slice %arg3[%add3A_26, %dma_start3A_27] : memref<320000x128xf32, #tpu.memory_space<hbm>> -> memref<72x128xf32, #tpu.memory_space<hbm>>
    %dma_start3A_29 = arith.constant 0 : i32
    %dma_start3A_30 = tpu.memref_slice %arg3[%add3A_26, %dma_start3A_29] : memref<320000x128xf32, #tpu.memory_space<hbm>> -> memref<72x128xf32, #tpu.memory_space<hbm>>
    tpu.enqueue_dma source(%dma_start3A_30 : memref<72x128xf32, #tpu.memory_space<hbm>>) target(%arg16 : memref<72x128xf32, #tpu.memory_space<vmem>>) target_semaphore(%arg20 : memref<!tpu.dma_semaphore, #tpu.memory_space<semaphore_mem>>)
    %dma_start3A_31 = arith.constant 72 : i32
    %dma_start3A_32 = tpu.memref_slice %arg9[%dma_start3A_31] : memref<10000xi32, #tpu.memory_space<vmem>> -> memref<72xi32, #tpu.memory_space<vmem>>
    %dma_start3A_33 = arith.constant 0 : i32
    %dma_start3A_34 = arith.constant 0 : i32
    %dma_start3A_35 = tpu.memref_slice %arg2[%dma_start3A_33, %dma_start3A_34] : memref<10000x128xf32, #tpu.memory_space<hbm>> -> memref<10000x128xf32, #tpu.memory_space<hbm>>
    tpu.enqueue_indirect_dma source(%dma_start3A_35 : memref<10000x128xf32, #tpu.memory_space<hbm>>) target(%arg14 : memref<72x128xf32, #tpu.memory_space<vmem>>) offsets(%dma_start3A_32 : memref<72xi32, #tpu.memory_space<vmem>>) semaphore(%arg18 : memref<!tpu.dma_semaphore, #tpu.memory_space<semaphore_mem>>)
    %scan3A = arith.constant 0 : i32
    %scan3A_36 = arith.constant 0 : i32
    %scan3A_37 = arith.constant 68 : i32
    %scan3A_38 = arith.addi %scan3A_36, %scan3A_37 : i32
    %scan3A_39 = arith.constant 1 : i32
    %scan3A_40 = scf.for %scan3A_180 = %scan3A_36 to %scan3A_38 step %scan3A_39 iter_args(%scan3A_181 = %scan3A) -> (i32)  : i32 {
      %mul3A_182 = arith.constant 2 : i32
      %mul3A_183 = arith.muli %mul3A_182, %scan3A_180 : i32
      %mul3A_184 = arith.constant 72 : i32
      %mul3A_185 = arith.muli %mul3A_183, %mul3A_184 : i32
      %dma_wait3A_186 = tpu.memref_slice %arg9[%mul3A_185] : memref<10000xi32, #tpu.memory_space<vmem>> -> memref<72xi32, #tpu.memory_space<vmem>>
      %dma_wait3A_187 = arith.constant 0 : i32
      %dma_wait3A_188 = arith.constant 0 : i32
      %dma_wait3A_189 = tpu.memref_slice %arg2[%dma_wait3A_187, %dma_wait3A_188] : memref<10000x128xf32, #tpu.memory_space<hbm>> -> memref<10000x128xf32, #tpu.memory_space<hbm>>
      tpu.wait_indirect_dma semaphore(%arg17 : memref<!tpu.dma_semaphore, #tpu.memory_space<semaphore_mem>>) src(%dma_wait3A_189 : memref<10000x128xf32, #tpu.memory_space<hbm>>) dst(%arg13 : memref<72x128xf32, #tpu.memory_space<vmem>>)
      %mul3A_190 = arith.constant 72 : i32
      %mul3A_191 = arith.muli %mul3A_183, %mul3A_190 : i32
      %add3A_192 = arith.addi %mul3A_2, %mul3A_191 : i32
      %dma_wait3A_193 = tpu.memref_slice %arg5[%add3A_192] : memref<320000xi32, #tpu.memory_space<hbm>> -> memref<72xi32, #tpu.memory_space<hbm>>
      %dma_wait3A_194 = tpu.memref_slice %arg5[%add3A_192] : memref<320000xi32, #tpu.memory_space<hbm>> -> memref<72xi32, #tpu.memory_space<hbm>>
      tpu.wait_dma2 semaphore(%arg19 : memref<!tpu.dma_semaphore, #tpu.memory_space<semaphore_mem>>) src(%dma_wait3A_194 : memref<72xi32, #tpu.memory_space<hbm>>) dst(%arg10 : memref<72xi32, #tpu.memory_space<vmem>>)
      %mul3A_195 = arith.constant 72 : i32
      %mul3A_196 = arith.muli %mul3A_183, %mul3A_195 : i32
      %add3A_197 = arith.addi %mul3A_2, %mul3A_196 : i32
      %dma_wait3A_198 = arith.constant 0 : i32
      %dma_wait3A_199 = tpu.memref_slice %arg3[%add3A_197, %dma_wait3A_198] : memref<320000x128xf32, #tpu.memory_space<hbm>> -> memref<72x128xf32, #tpu.memory_space<hbm>>
      %dma_wait3A_200 = arith.constant 0 : i32
      %dma_wait3A_201 = tpu.memref_slice %arg3[%add3A_197, %dma_wait3A_200] : memref<320000x128xf32, #tpu.memory_space<hbm>> -> memref<72x128xf32, #tpu.memory_space<hbm>>
      tpu.wait_dma2 semaphore(%arg19 : memref<!tpu.dma_semaphore, #tpu.memory_space<semaphore_mem>>) src(%dma_wait3A_201 : memref<72x128xf32, #tpu.memory_space<hbm>>) dst(%arg15 : memref<72x128xf32, #tpu.memory_space<vmem>>)
      %scan3A_202 = arith.constant 0 : i32
      %scan3A_203 = arith.constant 0 : i32
      %scan3A_204 = arith.constant 72 : i32
      %scan3A_205 = arith.addi %scan3A_203, %scan3A_204 : i32
      %scan3A_206 = arith.constant 1 : i32
      %scan3A_207 = scf.for %scan3A_293 = %scan3A_203 to %scan3A_205 step %scan3A_206 iter_args(%scan3A_294 = %scan3A_202) -> (i32)  : i32 {
        %get3A = arith.index_cast %scan3A_293 : i32 to index
        %get3A_295 = arith.constant 0 : index
        %get3A_296 = tpu.vector_load %arg13[%get3A, %get3A_295] {strides = array<i32>} : memref<72x128xf32, #tpu.memory_space<vmem>>, vector<1x16xf32>,
        %get3A_297 = vector.shape_cast %get3A_296 : vector<1x16xf32> to vector<16xf32>
        %get3A_298 = arith.index_cast %scan3A_293 : i32 to index
        %get3A_299 = arith.constant 0 : index
        %get3A_300 = tpu.vector_load %arg15[%get3A_298, %get3A_299] {strides = array<i32>} : memref<72x128xf32, #tpu.memory_space<vmem>>, vector<1x16xf32>,
        %get3A_301 = vector.shape_cast %get3A_300 : vector<1x16xf32> to vector<16xf32>
        %add3A_302 = arith.addf %get3A_297, %get3A_301 : vector<16xf32>
        %mul3A_303 = arith.constant -1.702000e+00 : f32
        %mul3A_304 = vector.broadcast %mul3A_303 : f32 to vector<16xf32>
        %mul3A_305 = arith.mulf %mul3A_304, %add3A_302 : vector<16xf32>
        %exp3A = math.exp %mul3A_305 : vector<16xf32>
        %add3A_306 = arith.constant 1.000000e+00 : f32
        %add3A_307 = vector.broadcast %add3A_306 : f32 to vector<16xf32>
        %add3A_308 = arith.addf %add3A_307, %exp3A : vector<16xf32>
        %div3A = arith.divf %add3A_302, %add3A_308 : vector<16xf32>
        %swap3A = arith.index_cast %scan3A_293 : i32 to index
        %swap3A_309 = arith.constant 0 : index
        %swap3A_310 = tpu.vector_load %arg15[%swap3A, %swap3A_309] {strides = array<i32>} : memref<72x128xf32, #tpu.memory_space<vmem>>, vector<1x16xf32>,
        %swap3A_311 = vector.shape_cast %swap3A_310 : vector<1x16xf32> to vector<16xf32>
        %swap3A_312 = vector.shape_cast %div3A : vector<16xf32> to vector<1x16xf32>
        tpu.vector_store %arg15[%swap3A, %swap3A_309], %swap3A_312 {strides = array<i32>} : memref<72x128xf32, #tpu.memory_space<vmem>>, vector<1x16xf32>,
        %get3A_313 = arith.index_cast %scan3A_293 : i32 to index
        %get3A_314 = arith.constant 16 : index
        %get3A_315 = tpu.vector_load %arg13[%get3A_313, %get3A_314] {strides = array<i32>} : memref<72x128xf32, #tpu.memory_space<vmem>>, vector<1x16xf32>,
        %get3A_316 = vector.shape_cast %get3A_315 : vector<1x16xf32> to vector<16xf32>
        %get3A_317 = arith.index_cast %scan3A_293 : i32 to index
        %get3A_318 = arith.constant 16 : index
        %get3A_319 = tpu.vector_load %arg15[%get3A_317, %get3A_318] {strides = array<i32>} : memref<72x128xf32, #tpu.memory_space<vmem>>, vector<1x16xf32>,
        %get3A_320 = vector.shape_cast %get3A_319 : vector<1x16xf32> to vector<16xf32>
        %add3A_321 = arith.addf %get3A_316, %get3A_320 : vector<16xf32>
        %mul3A_322 = arith.constant -1.702000e+00 : f32
        %mul3A_323 = vector.broadcast %mul3A_322 : f32 to vector<16xf32>
        %mul3A_324 = arith.mulf %mul3A_323, %add3A_321 : vector<16xf32>
        %exp3A_325 = math.exp %mul3A_324 : vector<16xf32>
        %add3A_326 = arith.constant 1.000000e+00 : f32
        %add3A_327 = vector.broadcast %add3A_326 : f32 to vector<16xf32>
        %add3A_328 = arith.addf %add3A_327, %exp3A_325 : vector<16xf32>
        %div3A_329 = arith.divf %add3A_321, %add3A_328 : vector<16xf32>
        %swap3A_330 = arith.index_cast %scan3A_293 : i32 to index
        %swap3A_331 = arith.constant 16 : index
        %swap3A_332 = tpu.vector_load %arg15[%swap3A_330, %swap3A_331] {strides = array<i32>} : memref<72x128xf32, #tpu.memory_space<vmem>>, vector<1x16xf32>,
        %swap3A_333 = vector.shape_cast %swap3A_332 : vector<1x16xf32> to vector<16xf32>
        %swap3A_334 = vector.shape_cast %div3A_329 : vector<16xf32> to vector<1x16xf32>
        tpu.vector_store %arg15[%swap3A_330, %swap3A_331], %swap3A_334 {strides = array<i32>} : memref<72x128xf32, #tpu.memory_space<vmem>>, vector<1x16xf32>,
        %get3A_335 = arith.index_cast %scan3A_293 : i32 to index
        %get3A_336 = arith.constant 32 : index
        %get3A_337 = tpu.vector_load %arg13[%get3A_335, %get3A_336] {strides = array<i32>} : memref<72x128xf32, #tpu.memory_space<vmem>>, vector<1x16xf32>,
        %get3A_338 = vector.shape_cast %get3A_337 : vector<1x16xf32> to vector<16xf32>
        %get3A_339 = arith.index_cast %scan3A_293 : i32 to index
        %get3A_340 = arith.constant 32 : index
        %get3A_341 = tpu.vector_load %arg15[%get3A_339, %get3A_340] {strides = array<i32>} : memref<72x128xf32, #tpu.memory_space<vmem>>, vector<1x16xf32>,
        %get3A_342 = vector.shape_cast %get3A_341 : vector<1x16xf32> to vector<16xf32>
        %add3A_343 = arith.addf %get3A_338, %get3A_342 : vector<16xf32>
        %mul3A_344 = arith.constant -1.702000e+00 : f32
        %mul3A_345 = vector.broadcast %mul3A_344 : f32 to vector<16xf32>
        %mul3A_346 = arith.mulf %mul3A_345, %add3A_343 : vector<16xf32>
        %exp3A_347 = math.exp %mul3A_346 : vector<16xf32>
        %add3A_348 = arith.constant 1.000000e+00 : f32
        %add3A_349 = vector.broadcast %add3A_348 : f32 to vector<16xf32>
        %add3A_350 = arith.addf %add3A_349, %exp3A_347 : vector<16xf32>
        %div3A_351 = arith.divf %add3A_343, %add3A_350 : vector<16xf32>
        %swap3A_352 = arith.index_cast %scan3A_293 : i32 to index
        %swap3A_353 = arith.constant 32 : index
        %swap3A_354 = tpu.vector_load %arg15[%swap3A_352, %swap3A_353] {strides = array<i32>} : memref<72x128xf32, #tpu.memory_space<vmem>>, vector<1x16xf32>,
        %swap3A_355 = vector.shape_cast %swap3A_354 : vector<1x16xf32> to vector<16xf32>
        %swap3A_356 = vector.shape_cast %div3A_351 : vector<16xf32> to vector<1x16xf32>
        tpu.vector_store %arg15[%swap3A_352, %swap3A_353], %swap3A_356 {strides = array<i32>} : memref<72x128xf32, #tpu.memory_space<vmem>>, vector<1x16xf32>,
        %get3A_357 = arith.index_cast %scan3A_293 : i32 to index
        %get3A_358 = arith.constant 48 : index
        %get3A_359 = tpu.vector_load %arg13[%get3A_357, %get3A_358] {strides = array<i32>} : memref<72x128xf32, #tpu.memory_space<vmem>>, vector<1x16xf32>,
        %get3A_360 = vector.shape_cast %get3A_359 : vector<1x16xf32> to vector<16xf32>
        %get3A_361 = arith.index_cast %scan3A_293 : i32 to index
        %get3A_362 = arith.constant 48 : index
        %get3A_363 = tpu.vector_load %arg15[%get3A_361, %get3A_362] {strides = array<i32>} : memref<72x128xf32, #tpu.memory_space<vmem>>, vector<1x16xf32>,
        %get3A_364 = vector.shape_cast %get3A_363 : vector<1x16xf32> to vector<16xf32>
        %add3A_365 = arith.addf %get3A_360, %get3A_364 : vector<16xf32>
        %mul3A_366 = arith.constant -1.702000e+00 : f32
        %mul3A_367 = vector.broadcast %mul3A_366 : f32 to vector<16xf32>
        %mul3A_368 = arith.mulf %mul3A_367, %add3A_365 : vector<16xf32>
        %exp3A_369 = math.exp %mul3A_368 : vector<16xf32>
        %add3A_370 = arith.constant 1.000000e+00 : f32
        %add3A_371 = vector.broadcast %add3A_370 : f32 to vector<16xf32>
        %add3A_372 = arith.addf %add3A_371, %exp3A_369 : vector<16xf32>
        %div3A_373 = arith.divf %add3A_365, %add3A_372 : vector<16xf32>
        %swap3A_374 = arith.index_cast %scan3A_293 : i32 to index
        %swap3A_375 = arith.constant 48 : index
        %swap3A_376 = tpu.vector_load %arg15[%swap3A_374, %swap3A_375] {strides = array<i32>} : memref<72x128xf32, #tpu.memory_space<vmem>>, vector<1x16xf32>,
        %swap3A_377 = vector.shape_cast %swap3A_376 : vector<1x16xf32> to vector<16xf32>
        %swap3A_378 = vector.shape_cast %div3A_373 : vector<16xf32> to vector<1x16xf32>
        tpu.vector_store %arg15[%swap3A_374, %swap3A_375], %swap3A_378 {strides = array<i32>} : memref<72x128xf32, #tpu.memory_space<vmem>>, vector<1x16xf32>,
        %get3A_379 = arith.index_cast %scan3A_293 : i32 to index
        %get3A_380 = arith.constant 64 : index
        %get3A_381 = tpu.vector_load %arg13[%get3A_379, %get3A_380] {strides = array<i32>} : memref<72x128xf32, #tpu.memory_space<vmem>>, vector<1x16xf32>,
        %get3A_382 = vector.shape_cast %get3A_381 : vector<1x16xf32> to vector<16xf32>
        %get3A_383 = arith.index_cast %scan3A_293 : i32 to index
        %get3A_384 = arith.constant 64 : index
        %get3A_385 = tpu.vector_load %arg15[%get3A_383, %get3A_384] {strides = array<i32>} : memref<72x128xf32, #tpu.memory_space<vmem>>, vector<1x16xf32>,
        %get3A_386 = vector.shape_cast %get3A_385 : vector<1x16xf32> to vector<16xf32>
        %add3A_387 = arith.addf %get3A_382, %get3A_386 : vector<16xf32>
        %mul3A_388 = arith.constant -1.702000e+00 : f32
        %mul3A_389 = vector.broadcast %mul3A_388 : f32 to vector<16xf32>
        %mul3A_390 = arith.mulf %mul3A_389, %add3A_387 : vector<16xf32>
        %exp3A_391 = math.exp %mul3A_390 : vector<16xf32>
        %add3A_392 = arith.constant 1.000000e+00 : f32
        %add3A_393 = vector.broadcast %add3A_392 : f32 to vector<16xf32>
        %add3A_394 = arith.addf %add3A_393, %exp3A_391 : vector<16xf32>
        %div3A_395 = arith.divf %add3A_387, %add3A_394 : vector<16xf32>
        %swap3A_396 = arith.index_cast %scan3A_293 : i32 to index
        %swap3A_397 = arith.constant 64 : index
        %swap3A_398 = tpu.vector_load %arg15[%swap3A_396, %swap3A_397] {strides = array<i32>} : memref<72x128xf32, #tpu.memory_space<vmem>>, vector<1x16xf32>,
        %swap3A_399 = vector.shape_cast %swap3A_398 : vector<1x16xf32> to vector<16xf32>
        %swap3A_400 = vector.shape_cast %div3A_395 : vector<16xf32> to vector<1x16xf32>
        tpu.vector_store %arg15[%swap3A_396, %swap3A_397], %swap3A_400 {strides = array<i32>} : memref<72x128xf32, #tpu.memory_space<vmem>>, vector<1x16xf32>,
        %get3A_401 = arith.index_cast %scan3A_293 : i32 to index
        %get3A_402 = arith.constant 80 : index
        %get3A_403 = tpu.vector_load %arg13[%get3A_401, %get3A_402] {strides = array<i32>} : memref<72x128xf32, #tpu.memory_space<vmem>>, vector<1x16xf32>,
        %get3A_404 = vector.shape_cast %get3A_403 : vector<1x16xf32> to vector<16xf32>
        %get3A_405 = arith.index_cast %scan3A_293 : i32 to index
        %get3A_406 = arith.constant 80 : index
        %get3A_407 = tpu.vector_load %arg15[%get3A_405, %get3A_406] {strides = array<i32>} : memref<72x128xf32, #tpu.memory_space<vmem>>, vector<1x16xf32>,
        %get3A_408 = vector.shape_cast %get3A_407 : vector<1x16xf32> to vector<16xf32>
        %add3A_409 = arith.addf %get3A_404, %get3A_408 : vector<16xf32>
        %mul3A_410 = arith.constant -1.702000e+00 : f32
        %mul3A_411 = vector.broadcast %mul3A_410 : f32 to vector<16xf32>
        %mul3A_412 = arith.mulf %mul3A_411, %add3A_409 : vector<16xf32>
        %exp3A_413 = math.exp %mul3A_412 : vector<16xf32>
        %add3A_414 = arith.constant 1.000000e+00 : f32
        %add3A_415 = vector.broadcast %add3A_414 : f32 to vector<16xf32>
        %add3A_416 = arith.addf %add3A_415, %exp3A_413 : vector<16xf32>
        %div3A_417 = arith.divf %add3A_409, %add3A_416 : vector<16xf32>
        %swap3A_418 = arith.index_cast %scan3A_293 : i32 to index
        %swap3A_419 = arith.constant 80 : index
        %swap3A_420 = tpu.vector_load %arg15[%swap3A_418, %swap3A_419] {strides = array<i32>} : memref<72x128xf32, #tpu.memory_space<vmem>>, vector<1x16xf32>,
        %swap3A_421 = vector.shape_cast %swap3A_420 : vector<1x16xf32> to vector<16xf32>
        %swap3A_422 = vector.shape_cast %div3A_417 : vector<16xf32> to vector<1x16xf32>
        tpu.vector_store %arg15[%swap3A_418, %swap3A_419], %swap3A_422 {strides = array<i32>} : memref<72x128xf32, #tpu.memory_space<vmem>>, vector<1x16xf32>,
        %get3A_423 = arith.index_cast %scan3A_293 : i32 to index
        %get3A_424 = arith.constant 96 : index
        %get3A_425 = tpu.vector_load %arg13[%get3A_423, %get3A_424] {strides = array<i32>} : memref<72x128xf32, #tpu.memory_space<vmem>>, vector<1x16xf32>,
        %get3A_426 = vector.shape_cast %get3A_425 : vector<1x16xf32> to vector<16xf32>
        %get3A_427 = arith.index_cast %scan3A_293 : i32 to index
        %get3A_428 = arith.constant 96 : index
        %get3A_429 = tpu.vector_load %arg15[%get3A_427, %get3A_428] {strides = array<i32>} : memref<72x128xf32, #tpu.memory_space<vmem>>, vector<1x16xf32>,
        %get3A_430 = vector.shape_cast %get3A_429 : vector<1x16xf32> to vector<16xf32>
        %add3A_431 = arith.addf %get3A_426, %get3A_430 : vector<16xf32>
        %mul3A_432 = arith.constant -1.702000e+00 : f32
        %mul3A_433 = vector.broadcast %mul3A_432 : f32 to vector<16xf32>
        %mul3A_434 = arith.mulf %mul3A_433, %add3A_431 : vector<16xf32>
        %exp3A_435 = math.exp %mul3A_434 : vector<16xf32>
        %add3A_436 = arith.constant 1.000000e+00 : f32
        %add3A_437 = vector.broadcast %add3A_436 : f32 to vector<16xf32>
        %add3A_438 = arith.addf %add3A_437, %exp3A_435 : vector<16xf32>
        %div3A_439 = arith.divf %add3A_431, %add3A_438 : vector<16xf32>
        %swap3A_440 = arith.index_cast %scan3A_293 : i32 to index
        %swap3A_441 = arith.constant 96 : index
        %swap3A_442 = tpu.vector_load %arg15[%swap3A_440, %swap3A_441] {strides = array<i32>} : memref<72x128xf32, #tpu.memory_space<vmem>>, vector<1x16xf32>,
        %swap3A_443 = vector.shape_cast %swap3A_442 : vector<1x16xf32> to vector<16xf32>
        %swap3A_444 = vector.shape_cast %div3A_439 : vector<16xf32> to vector<1x16xf32>
        tpu.vector_store %arg15[%swap3A_440, %swap3A_441], %swap3A_444 {strides = array<i32>} : memref<72x128xf32, #tpu.memory_space<vmem>>, vector<1x16xf32>,
        %get3A_445 = arith.index_cast %scan3A_293 : i32 to index
        %get3A_446 = arith.constant 112 : index
        %get3A_447 = tpu.vector_load %arg13[%get3A_445, %get3A_446] {strides = array<i32>} : memref<72x128xf32, #tpu.memory_space<vmem>>, vector<1x16xf32>,
        %get3A_448 = vector.shape_cast %get3A_447 : vector<1x16xf32> to vector<16xf32>
        %get3A_449 = arith.index_cast %scan3A_293 : i32 to index
        %get3A_450 = arith.constant 112 : index
        %get3A_451 = tpu.vector_load %arg15[%get3A_449, %get3A_450] {strides = array<i32>} : memref<72x128xf32, #tpu.memory_space<vmem>>, vector<1x16xf32>,
        %get3A_452 = vector.shape_cast %get3A_451 : vector<1x16xf32> to vector<16xf32>
        %add3A_453 = arith.addf %get3A_448, %get3A_452 : vector<16xf32>
        %mul3A_454 = arith.constant -1.702000e+00 : f32
        %mul3A_455 = vector.broadcast %mul3A_454 : f32 to vector<16xf32>
        %mul3A_456 = arith.mulf %mul3A_455, %add3A_453 : vector<16xf32>
        %exp3A_457 = math.exp %mul3A_456 : vector<16xf32>
        %add3A_458 = arith.constant 1.000000e+00 : f32
        %add3A_459 = vector.broadcast %add3A_458 : f32 to vector<16xf32>
        %add3A_460 = arith.addf %add3A_459, %exp3A_457 : vector<16xf32>
        %div3A_461 = arith.divf %add3A_453, %add3A_460 : vector<16xf32>
        %swap3A_462 = arith.index_cast %scan3A_293 : i32 to index
        %swap3A_463 = arith.constant 112 : index
        %swap3A_464 = tpu.vector_load %arg15[%swap3A_462, %swap3A_463] {strides = array<i32>} : memref<72x128xf32, #tpu.memory_space<vmem>>, vector<1x16xf32>,
        %swap3A_465 = vector.shape_cast %swap3A_464 : vector<1x16xf32> to vector<16xf32>
        %swap3A_466 = vector.shape_cast %div3A_461 : vector<16xf32> to vector<1x16xf32>
        tpu.vector_store %arg15[%swap3A_462, %swap3A_463], %swap3A_466 {strides = array<i32>} : memref<72x128xf32, #tpu.memory_space<vmem>>, vector<1x16xf32>,
        %scan3A_467 = arith.constant 0 : i32
        scf.yield %scan3A_467 : i32
      }
      %scan3A_208 = arith.constant 72 : i32
      %dma_start3A_209 = arith.constant 0 : i32
      %dma_start3A_210 = arith.constant 0 : i32
      %dma_start3A_211 = tpu.memref_slice %arg22[%dma_start3A_209, %dma_start3A_210] : memref<10000x128xf32, #tpu.memory_space<vmem_shared>> -> memref<10000x128xf32, #tpu.memory_space<vmem_shared>>
      tpu.enqueue_indirect_dma source(%arg15 : memref<72x128xf32, #tpu.memory_space<vmem>>) target(%dma_start3A_211 : memref<10000x128xf32, #tpu.memory_space<vmem_shared>>) offsets(%arg10 : memref<72xi32, #tpu.memory_space<vmem>>) semaphore(%arg21 : memref<!tpu.dma_semaphore, #tpu.memory_space<semaphore_mem>>) {add = true}
      %add3A_212 = arith.constant 2 : i32
      %add3A_213 = arith.addi %mul3A_183, %add3A_212 : i32
      %mul3A_214 = arith.constant 72 : i32
      %mul3A_215 = arith.muli %add3A_213, %mul3A_214 : i32
      %dma_start3A_216 = tpu.memref_slice %arg9[%mul3A_215] : memref<10000xi32, #tpu.memory_space<vmem>> -> memref<72xi32, #tpu.memory_space<vmem>>
      %dma_start3A_217 = arith.constant 0 : i32
      %dma_start3A_218 = arith.constant 0 : i32
      %dma_start3A_219 = tpu.memref_slice %arg2[%dma_start3A_217, %dma_start3A_218] : memref<10000x128xf32, #tpu.memory_space<hbm>> -> memref<10000x128xf32, #tpu.memory_space<hbm>>
      tpu.enqueue_indirect_dma source(%dma_start3A_219 : memref<10000x128xf32, #tpu.memory_space<hbm>>) target(%arg13 : memref<72x128xf32, #tpu.memory_space<vmem>>) offsets(%dma_start3A_216 : memref<72xi32, #tpu.memory_space<vmem>>) semaphore(%arg17 : memref<!tpu.dma_semaphore, #tpu.memory_space<semaphore_mem>>)
      %dma_wait3A_220 = arith.constant 0 : i32
      %dma_wait3A_221 = arith.constant 0 : i32
      %dma_wait3A_222 = tpu.memref_slice %arg22[%dma_wait3A_220, %dma_wait3A_221] : memref<10000x128xf32, #tpu.memory_space<vmem_shared>> -> memref<10000x128xf32, #tpu.memory_space<vmem_shared>>
      tpu.wait_indirect_dma semaphore(%arg21 : memref<!tpu.dma_semaphore, #tpu.memory_space<semaphore_mem>>) src(%arg15 : memref<72x128xf32, #tpu.memory_space<vmem>>) dst(%dma_wait3A_222 : memref<10000x128xf32, #tpu.memory_space<vmem_shared>>)
      %add3A_223 = arith.constant 2 : i32
      %add3A_224 = arith.addi %mul3A_183, %add3A_223 : i32
      %mul3A_225 = arith.constant 72 : i32
      %mul3A_226 = arith.muli %add3A_224, %mul3A_225 : i32
      %add3A_227 = arith.addi %mul3A_2, %mul3A_226 : i32
      %dma_start3A_228 = tpu.memref_slice %arg5[%add3A_227] : memref<320000xi32, #tpu.memory_space<hbm>> -> memref<72xi32, #tpu.memory_space<hbm>>
      %dma_start3A_229 = tpu.memref_slice %arg5[%add3A_227] : memref<320000xi32, #tpu.memory_space<hbm>> -> memref<72xi32, #tpu.memory_space<hbm>>
      tpu.enqueue_dma source(%dma_start3A_229 : memref<72xi32, #tpu.memory_space<hbm>>) target(%arg10 : memref<72xi32, #tpu.memory_space<vmem>>) target_semaphore(%arg19 : memref<!tpu.dma_semaphore, #tpu.memory_space<semaphore_mem>>)
      %mul3A_230 = arith.constant 72 : i32
      %mul3A_231 = arith.muli %add3A_224, %mul3A_230 : i32
      %add3A_232 = arith.addi %mul3A_2, %mul3A_231 : i32
      %dma_start3A_233 = arith.constant 0 : i32
      %dma_start3A_234 = tpu.memref_slice %arg3[%add3A_232, %dma_start3A_233] : memref<320000x128xf32, #tpu.memory_space<hbm>> -> memref<72x128xf32, #tpu.memory_space<hbm>>
      %dma_start3A_235 = arith.constant 0 : i32
      %dma_start3A_236 = tpu.memref_slice %arg3[%add3A_232, %dma_start3A_235] : memref<320000x128xf32, #tpu.memory_space<hbm>> -> memref<72x128xf32, #tpu.memory_space<hbm>>
      tpu.enqueue_dma source(%dma_start3A_236 : memref<72x128xf32, #tpu.memory_space<hbm>>) target(%arg15 : memref<72x128xf32, #tpu.memory_space<vmem>>) target_semaphore(%arg19 : memref<!tpu.dma_semaphore, #tpu.memory_space<semaphore_mem>>)
      %add3A_237 = arith.constant 1 : i32
      %add3A_238 = arith.addi %mul3A_183, %add3A_237 : i32
      %mul3A_239 = arith.constant 72 : i32
      %mul3A_240 = arith.muli %add3A_238, %mul3A_239 : i32
      %dma_wait3A_241 = tpu.memref_slice %arg9[%mul3A_240] : memref<10000xi32, #tpu.memory_space<vmem>> -> memref<72xi32, #tpu.memory_space<vmem>>
      %dma_wait3A_242 = arith.constant 0 : i32
      %dma_wait3A_243 = arith.constant 0 : i32
      %dma_wait3A_244 = tpu.memref_slice %arg2[%dma_wait3A_242, %dma_wait3A_243] : memref<10000x128xf32, #tpu.memory_space<hbm>> -> memref<10000x128xf32, #tpu.memory_space<hbm>>
      tpu.wait_indirect_dma semaphore(%arg18 : memref<!tpu.dma_semaphore, #tpu.memory_space<semaphore_mem>>) src(%dma_wait3A_244 : memref<10000x128xf32, #tpu.memory_space<hbm>>) dst(%arg14 : memref<72x128xf32, #tpu.memory_space<vmem>>)
      %mul3A_245 = arith.constant 72 : i32
      %mul3A_246 = arith.muli %add3A_238, %mul3A_245 : i32
      %add3A_247 = arith.addi %mul3A_2, %mul3A_246 : i32
      %dma_wait3A_248 = tpu.memref_slice %arg5[%add3A_247] : memref<320000xi32, #tpu.memory_space<hbm>> -> memref<72xi32, #tpu.memory_space<hbm>>
      %dma_wait3A_249 = tpu.memref_slice %arg5[%add3A_247] : memref<320000xi32, #tpu.memory_space<hbm>> -> memref<72xi32, #tpu.memory_space<hbm>>
      tpu.wait_dma2 semaphore(%arg20 : memref<!tpu.dma_semaphore, #tpu.memory_space<semaphore_mem>>) src(%dma_wait3A_249 : memref<72xi32, #tpu.memory_space<hbm>>) dst(%arg11 : memref<72xi32, #tpu.memory_space<vmem>>)
      %mul3A_250 = arith.constant 72 : i32
      %mul3A_251 = arith.muli %add3A_238, %mul3A_250 : i32
      %add3A_252 = arith.addi %mul3A_2, %mul3A_251 : i32
      %dma_wait3A_253 = arith.constant 0 : i32
      %dma_wait3A_254 = tpu.memref_slice %arg3[%add3A_252, %dma_wait3A_253] : memref<320000x128xf32, #tpu.memory_space<hbm>> -> memref<72x128xf32, #tpu.memory_space<hbm>>
      %dma_wait3A_255 = arith.constant 0 : i32
      %dma_wait3A_256 = tpu.memref_slice %arg3[%add3A_252, %dma_wait3A_255] : memref<320000x128xf32, #tpu.memory_space<hbm>> -> memref<72x128xf32, #tpu.memory_space<hbm>>
      tpu.wait_dma2 semaphore(%arg20 : memref<!tpu.dma_semaphore, #tpu.memory_space<semaphore_mem>>) src(%dma_wait3A_256 : memref<72x128xf32, #tpu.memory_space<hbm>>) dst(%arg16 : memref<72x128xf32, #tpu.memory_space<vmem>>)
      %scan3A_257 = arith.constant 0 : i32
      %scan3A_258 = arith.constant 0 : i32
      %scan3A_259 = arith.constant 72 : i32
      %scan3A_260 = arith.addi %scan3A_258, %scan3A_259 : i32
      %scan3A_261 = arith.constant 1 : i32
      %scan3A_262 = scf.for %scan3A_293 = %scan3A_258 to %scan3A_260 step %scan3A_261 iter_args(%scan3A_294 = %scan3A_257) -> (i32)  : i32 {
        %get3A = arith.index_cast %scan3A_293 : i32 to index
        %get3A_295 = arith.constant 0 : index
        %get3A_296 = tpu.vector_load %arg14[%get3A, %get3A_295] {strides = array<i32>} : memref<72x128xf32, #tpu.memory_space<vmem>>, vector<1x16xf32>,
        %get3A_297 = vector.shape_cast %get3A_296 : vector<1x16xf32> to vector<16xf32>
        %get3A_298 = arith.index_cast %scan3A_293 : i32 to index
        %get3A_299 = arith.constant 0 : index
        %get3A_300 = tpu.vector_load %arg16[%get3A_298, %get3A_299] {strides = array<i32>} : memref<72x128xf32, #tpu.memory_space<vmem>>, vector<1x16xf32>,
        %get3A_301 = vector.shape_cast %get3A_300 : vector<1x16xf32> to vector<16xf32>
        %add3A_302 = arith.addf %get3A_297, %get3A_301 : vector<16xf32>
        %mul3A_303 = arith.constant -1.702000e+00 : f32
        %mul3A_304 = vector.broadcast %mul3A_303 : f32 to vector<16xf32>
        %mul3A_305 = arith.mulf %mul3A_304, %add3A_302 : vector<16xf32>
        %exp3A = math.exp %mul3A_305 : vector<16xf32>
        %add3A_306 = arith.constant 1.000000e+00 : f32
        %add3A_307 = vector.broadcast %add3A_306 : f32 to vector<16xf32>
        %add3A_308 = arith.addf %add3A_307, %exp3A : vector<16xf32>
        %div3A = arith.divf %add3A_302, %add3A_308 : vector<16xf32>
        %swap3A = arith.index_cast %scan3A_293 : i32 to index
        %swap3A_309 = arith.constant 0 : index
        %swap3A_310 = tpu.vector_load %arg16[%swap3A, %swap3A_309] {strides = array<i32>} : memref<72x128xf32, #tpu.memory_space<vmem>>, vector<1x16xf32>,
        %swap3A_311 = vector.shape_cast %swap3A_310 : vector<1x16xf32> to vector<16xf32>
        %swap3A_312 = vector.shape_cast %div3A : vector<16xf32> to vector<1x16xf32>
        tpu.vector_store %arg16[%swap3A, %swap3A_309], %swap3A_312 {strides = array<i32>} : memref<72x128xf32, #tpu.memory_space<vmem>>, vector<1x16xf32>,
        %get3A_313 = arith.index_cast %scan3A_293 : i32 to index
        %get3A_314 = arith.constant 16 : index
        %get3A_315 = tpu.vector_load %arg14[%get3A_313, %get3A_314] {strides = array<i32>} : memref<72x128xf32, #tpu.memory_space<vmem>>, vector<1x16xf32>,
        %get3A_316 = vector.shape_cast %get3A_315 : vector<1x16xf32> to vector<16xf32>
        %get3A_317 = arith.index_cast %scan3A_293 : i32 to index
        %get3A_318 = arith.constant 16 : index
        %get3A_319 = tpu.vector_load %arg16[%get3A_317, %get3A_318] {strides = array<i32>} : memref<72x128xf32, #tpu.memory_space<vmem>>, vector<1x16xf32>,
        %get3A_320 = vector.shape_cast %get3A_319 : vector<1x16xf32> to vector<16xf32>
        %add3A_321 = arith.addf %get3A_316, %get3A_320 : vector<16xf32>
        %mul3A_322 = arith.constant -1.702000e+00 : f32
        %mul3A_323 = vector.broadcast %mul3A_322 : f32 to vector<16xf32>
        %mul3A_324 = arith.mulf %mul3A_323, %add3A_321 : vector<16xf32>
        %exp3A_325 = math.exp %mul3A_324 : vector<16xf32>
        %add3A_326 = arith.constant 1.000000e+00 : f32
        %add3A_327 = vector.broadcast %add3A_326 : f32 to vector<16xf32>
        %add3A_328 = arith.addf %add3A_327, %exp3A_325 : vector<16xf32>
        %div3A_329 = arith.divf %add3A_321, %add3A_328 : vector<16xf32>
        %swap3A_330 = arith.index_cast %scan3A_293 : i32 to index
        %swap3A_331 = arith.constant 16 : index
        %swap3A_332 = tpu.vector_load %arg16[%swap3A_330, %swap3A_331] {strides = array<i32>} : memref<72x128xf32, #tpu.memory_space<vmem>>, vector<1x16xf32>,
        %swap3A_333 = vector.shape_cast %swap3A_332 : vector<1x16xf32> to vector<16xf32>
        %swap3A_334 = vector.shape_cast %div3A_329 : vector<16xf32> to vector<1x16xf32>
        tpu.vector_store %arg16[%swap3A_330, %swap3A_331], %swap3A_334 {strides = array<i32>} : memref<72x128xf32, #tpu.memory_space<vmem>>, vector<1x16xf32>,
        %get3A_335 = arith.index_cast %scan3A_293 : i32 to index
        %get3A_336 = arith.constant 32 : index
        %get3A_337 = tpu.vector_load %arg14[%get3A_335, %get3A_336] {strides = array<i32>} : memref<72x128xf32, #tpu.memory_space<vmem>>, vector<1x16xf32>,
        %get3A_338 = vector.shape_cast %get3A_337 : vector<1x16xf32> to vector<16xf32>
        %get3A_339 = arith.index_cast %scan3A_293 : i32 to index
        %get3A_340 = arith.constant 32 : index
        %get3A_341 = tpu.vector_load %arg16[%get3A_339, %get3A_340] {strides = array<i32>} : memref<72x128xf32, #tpu.memory_space<vmem>>, vector<1x16xf32>,
        %get3A_342 = vector.shape_cast %get3A_341 : vector<1x16xf32> to vector<16xf32>
        %add3A_343 = arith.addf %get3A_338, %get3A_342 : vector<16xf32>
        %mul3A_344 = arith.constant -1.702000e+00 : f32
        %mul3A_345 = vector.broadcast %mul3A_344 : f32 to vector<16xf32>
        %mul3A_346 = arith.mulf %mul3A_345, %add3A_343 : vector<16xf32>
        %exp3A_347 = math.exp %mul3A_346 : vector<16xf32>
        %add3A_348 = arith.constant 1.000000e+00 : f32
        %add3A_349 = vector.broadcast %add3A_348 : f32 to vector<16xf32>
        %add3A_350 = arith.addf %add3A_349, %exp3A_347 : vector<16xf32>
        %div3A_351 = arith.divf %add3A_343, %add3A_350 : vector<16xf32>
        %swap3A_352 = arith.index_cast %scan3A_293 : i32 to index
        %swap3A_353 = arith.constant 32 : index
        %swap3A_354 = tpu.vector_load %arg16[%swap3A_352, %swap3A_353] {strides = array<i32>} : memref<72x128xf32, #tpu.memory_space<vmem>>, vector<1x16xf32>,
        %swap3A_355 = vector.shape_cast %swap3A_354 : vector<1x16xf32> to vector<16xf32>
        %swap3A_356 = vector.shape_cast %div3A_351 : vector<16xf32> to vector<1x16xf32>
        tpu.vector_store %arg16[%swap3A_352, %swap3A_353], %swap3A_356 {strides = array<i32>} : memref<72x128xf32, #tpu.memory_space<vmem>>, vector<1x16xf32>,
        %get3A_357 = arith.index_cast %scan3A_293 : i32 to index
        %get3A_358 = arith.constant 48 : index
        %get3A_359 = tpu.vector_load %arg14[%get3A_357, %get3A_358] {strides = array<i32>} : memref<72x128xf32, #tpu.memory_space<vmem>>, vector<1x16xf32>,
        %get3A_360 = vector.shape_cast %get3A_359 : vector<1x16xf32> to vector<16xf32>
        %get3A_361 = arith.index_cast %scan3A_293 : i32 to index
        %get3A_362 = arith.constant 48 : index
        %get3A_363 = tpu.vector_load %arg16[%get3A_361, %get3A_362] {strides = array<i32>} : memref<72x128xf32, #tpu.memory_space<vmem>>, vector<1x16xf32>,
        %get3A_364 = vector.shape_cast %get3A_363 : vector<1x16xf32> to vector<16xf32>
        %add3A_365 = arith.addf %get3A_360, %get3A_364 : vector<16xf32>
        %mul3A_366 = arith.constant -1.702000e+00 : f32
        %mul3A_367 = vector.broadcast %mul3A_366 : f32 to vector<16xf32>
        %mul3A_368 = arith.mulf %mul3A_367, %add3A_365 : vector<16xf32>
        %exp3A_369 = math.exp %mul3A_368 : vector<16xf32>
        %add3A_370 = arith.constant 1.000000e+00 : f32
        %add3A_371 = vector.broadcast %add3A_370 : f32 to vector<16xf32>
        %add3A_372 = arith.addf %add3A_371, %exp3A_369 : vector<16xf32>
        %div3A_373 = arith.divf %add3A_365, %add3A_372 : vector<16xf32>
        %swap3A_374 = arith.index_cast %scan3A_293 : i32 to index
        %swap3A_375 = arith.constant 48 : index
        %swap3A_376 = tpu.vector_load %arg16[%swap3A_374, %swap3A_375] {strides = array<i32>} : memref<72x128xf32, #tpu.memory_space<vmem>>, vector<1x16xf32>,
        %swap3A_377 = vector.shape_cast %swap3A_376 : vector<1x16xf32> to vector<16xf32>
        %swap3A_378 = vector.shape_cast %div3A_373 : vector<16xf32> to vector<1x16xf32>
        tpu.vector_store %arg16[%swap3A_374, %swap3A_375], %swap3A_378 {strides = array<i32>} : memref<72x128xf32, #tpu.memory_space<vmem>>, vector<1x16xf32>,
        %get3A_379 = arith.index_cast %scan3A_293 : i32 to index
        %get3A_380 = arith.constant 64 : index
        %get3A_381 = tpu.vector_load %arg14[%get3A_379, %get3A_380] {strides = array<i32>} : memref<72x128xf32, #tpu.memory_space<vmem>>, vector<1x16xf32>,
        %get3A_382 = vector.shape_cast %get3A_381 : vector<1x16xf32> to vector<16xf32>
        %get3A_383 = arith.index_cast %scan3A_293 : i32 to index
        %get3A_384 = arith.constant 64 : index
        %get3A_385 = tpu.vector_load %arg16[%get3A_383, %get3A_384] {strides = array<i32>} : memref<72x128xf32, #tpu.memory_space<vmem>>, vector<1x16xf32>,
        %get3A_386 = vector.shape_cast %get3A_385 : vector<1x16xf32> to vector<16xf32>
        %add3A_387 = arith.addf %get3A_382, %get3A_386 : vector<16xf32>
        %mul3A_388 = arith.constant -1.702000e+00 : f32
        %mul3A_389 = vector.broadcast %mul3A_388 : f32 to vector<16xf32>
        %mul3A_390 = arith.mulf %mul3A_389, %add3A_387 : vector<16xf32>
        %exp3A_391 = math.exp %mul3A_390 : vector<16xf32>
        %add3A_392 = arith.constant 1.000000e+00 : f32
        %add3A_393 = vector.broadcast %add3A_392 : f32 to vector<16xf32>
        %add3A_394 = arith.addf %add3A_393, %exp3A_391 : vector<16xf32>
        %div3A_395 = arith.divf %add3A_387, %add3A_394 : vector<16xf32>
        %swap3A_396 = arith.index_cast %scan3A_293 : i32 to index
        %swap3A_397 = arith.constant 64 : index
        %swap3A_398 = tpu.vector_load %arg16[%swap3A_396, %swap3A_397] {strides = array<i32>} : memref<72x128xf32, #tpu.memory_space<vmem>>, vector<1x16xf32>,
        %swap3A_399 = vector.shape_cast %swap3A_398 : vector<1x16xf32> to vector<16xf32>
        %swap3A_400 = vector.shape_cast %div3A_395 : vector<16xf32> to vector<1x16xf32>
        tpu.vector_store %arg16[%swap3A_396, %swap3A_397], %swap3A_400 {strides = array<i32>} : memref<72x128xf32, #tpu.memory_space<vmem>>, vector<1x16xf32>,
        %get3A_401 = arith.index_cast %scan3A_293 : i32 to index
        %get3A_402 = arith.constant 80 : index
        %get3A_403 = tpu.vector_load %arg14[%get3A_401, %get3A_402] {strides = array<i32>} : memref<72x128xf32, #tpu.memory_space<vmem>>, vector<1x16xf32>,
        %get3A_404 = vector.shape_cast %get3A_403 : vector<1x16xf32> to vector<16xf32>
        %get3A_405 = arith.index_cast %scan3A_293 : i32 to index
        %get3A_406 = arith.constant 80 : index
        %get3A_407 = tpu.vector_load %arg16[%get3A_405, %get3A_406] {strides = array<i32>} : memref<72x128xf32, #tpu.memory_space<vmem>>, vector<1x16xf32>,
        %get3A_408 = vector.shape_cast %get3A_407 : vector<1x16xf32> to vector<16xf32>
        %add3A_409 = arith.addf %get3A_404, %get3A_408 : vector<16xf32>
        %mul3A_410 = arith.constant -1.702000e+00 : f32
        %mul3A_411 = vector.broadcast %mul3A_410 : f32 to vector<16xf32>
        %mul3A_412 = arith.mulf %mul3A_411, %add3A_409 : vector<16xf32>
        %exp3A_413 = math.exp %mul3A_412 : vector<16xf32>
        %add3A_414 = arith.constant 1.000000e+00 : f32
        %add3A_415 = vector.broadcast %add3A_414 : f32 to vector<16xf32>
        %add3A_416 = arith.addf %add3A_415, %exp3A_413 : vector<16xf32>
        %div3A_417 = arith.divf %add3A_409, %add3A_416 : vector<16xf32>
        %swap3A_418 = arith.index_cast %scan3A_293 : i32 to index
        %swap3A_419 = arith.constant 80 : index
        %swap3A_420 = tpu.vector_load %arg16[%swap3A_418, %swap3A_419] {strides = array<i32>} : memref<72x128xf32, #tpu.memory_space<vmem>>, vector<1x16xf32>,
        %swap3A_421 = vector.shape_cast %swap3A_420 : vector<1x16xf32> to vector<16xf32>
        %swap3A_422 = vector.shape_cast %div3A_417 : vector<16xf32> to vector<1x16xf32>
        tpu.vector_store %arg16[%swap3A_418, %swap3A_419], %swap3A_422 {strides = array<i32>} : memref<72x128xf32, #tpu.memory_space<vmem>>, vector<1x16xf32>,
        %get3A_423 = arith.index_cast %scan3A_293 : i32 to index
        %get3A_424 = arith.constant 96 : index
        %get3A_425 = tpu.vector_load %arg14[%get3A_423, %get3A_424] {strides = array<i32>} : memref<72x128xf32, #tpu.memory_space<vmem>>, vector<1x16xf32>,
        %get3A_426 = vector.shape_cast %get3A_425 : vector<1x16xf32> to vector<16xf32>
        %get3A_427 = arith.index_cast %scan3A_293 : i32 to index
        %get3A_428 = arith.constant 96 : index
        %get3A_429 = tpu.vector_load %arg16[%get3A_427, %get3A_428] {strides = array<i32>} : memref<72x128xf32, #tpu.memory_space<vmem>>, vector<1x16xf32>,
        %get3A_430 = vector.shape_cast %get3A_429 : vector<1x16xf32> to vector<16xf32>
        %add3A_431 = arith.addf %get3A_426, %get3A_430 : vector<16xf32>
        %mul3A_432 = arith.constant -1.702000e+00 : f32
        %mul3A_433 = vector.broadcast %mul3A_432 : f32 to vector<16xf32>
        %mul3A_434 = arith.mulf %mul3A_433, %add3A_431 : vector<16xf32>
        %exp3A_435 = math.exp %mul3A_434 : vector<16xf32>
        %add3A_436 = arith.constant 1.000000e+00 : f32
        %add3A_437 = vector.broadcast %add3A_436 : f32 to vector<16xf32>
        %add3A_438 = arith.addf %add3A_437, %exp3A_435 : vector<16xf32>
        %div3A_439 = arith.divf %add3A_431, %add3A_438 : vector<16xf32>
        %swap3A_440 = arith.index_cast %scan3A_293 : i32 to index
        %swap3A_441 = arith.constant 96 : index
        %swap3A_442 = tpu.vector_load %arg16[%swap3A_440, %swap3A_441] {strides = array<i32>} : memref<72x128xf32, #tpu.memory_space<vmem>>, vector<1x16xf32>,
        %swap3A_443 = vector.shape_cast %swap3A_442 : vector<1x16xf32> to vector<16xf32>
        %swap3A_444 = vector.shape_cast %div3A_439 : vector<16xf32> to vector<1x16xf32>
        tpu.vector_store %arg16[%swap3A_440, %swap3A_441], %swap3A_444 {strides = array<i32>} : memref<72x128xf32, #tpu.memory_space<vmem>>, vector<1x16xf32>,
        %get3A_445 = arith.index_cast %scan3A_293 : i32 to index
        %get3A_446 = arith.constant 112 : index
        %get3A_447 = tpu.vector_load %arg14[%get3A_445, %get3A_446] {strides = array<i32>} : memref<72x128xf32, #tpu.memory_space<vmem>>, vector<1x16xf32>,
        %get3A_448 = vector.shape_cast %get3A_447 : vector<1x16xf32> to vector<16xf32>
        %get3A_449 = arith.index_cast %scan3A_293 : i32 to index
        %get3A_450 = arith.constant 112 : index
        %get3A_451 = tpu.vector_load %arg16[%get3A_449, %get3A_450] {strides = array<i32>} : memref<72x128xf32, #tpu.memory_space<vmem>>, vector<1x16xf32>,
        %get3A_452 = vector.shape_cast %get3A_451 : vector<1x16xf32> to vector<16xf32>
        %add3A_453 = arith.addf %get3A_448, %get3A_452 : vector<16xf32>
        %mul3A_454 = arith.constant -1.702000e+00 : f32
        %mul3A_455 = vector.broadcast %mul3A_454 : f32 to vector<16xf32>
        %mul3A_456 = arith.mulf %mul3A_455, %add3A_453 : vector<16xf32>
        %exp3A_457 = math.exp %mul3A_456 : vector<16xf32>
        %add3A_458 = arith.constant 1.000000e+00 : f32
        %add3A_459 = vector.broadcast %add3A_458 : f32 to vector<16xf32>
        %add3A_460 = arith.addf %add3A_459, %exp3A_457 : vector<16xf32>
        %div3A_461 = arith.divf %add3A_453, %add3A_460 : vector<16xf32>
        %swap3A_462 = arith.index_cast %scan3A_293 : i32 to index
        %swap3A_463 = arith.constant 112 : index
        %swap3A_464 = tpu.vector_load %arg16[%swap3A_462, %swap3A_463] {strides = array<i32>} : memref<72x128xf32, #tpu.memory_space<vmem>>, vector<1x16xf32>,
        %swap3A_465 = vector.shape_cast %swap3A_464 : vector<1x16xf32> to vector<16xf32>
        %swap3A_466 = vector.shape_cast %div3A_461 : vector<16xf32> to vector<1x16xf32>
        tpu.vector_store %arg16[%swap3A_462, %swap3A_463], %swap3A_466 {strides = array<i32>} : memref<72x128xf32, #tpu.memory_space<vmem>>, vector<1x16xf32>,
        %scan3A_467 = arith.constant 0 : i32
        scf.yield %scan3A_467 : i32
      }
      %scan3A_263 = arith.constant 72 : i32
      %dma_start3A_264 = arith.constant 0 : i32
      %dma_start3A_265 = arith.constant 0 : i32
      %dma_start3A_266 = tpu.memref_slice %arg22[%dma_start3A_264, %dma_start3A_265] : memref<10000x128xf32, #tpu.memory_space<vmem_shared>> -> memref<10000x128xf32, #tpu.memory_space<vmem_shared>>
      tpu.enqueue_indirect_dma source(%arg16 : memref<72x128xf32, #tpu.memory_space<vmem>>) target(%dma_start3A_266 : memref<10000x128xf32, #tpu.memory_space<vmem_shared>>) offsets(%arg11 : memref<72xi32, #tpu.memory_space<vmem>>) semaphore(%arg21 : memref<!tpu.dma_semaphore, #tpu.memory_space<semaphore_mem>>) {add = true}
      %add3A_267 = arith.constant 2 : i32
      %add3A_268 = arith.addi %add3A_238, %add3A_267 : i32
      %mul3A_269 = arith.constant 72 : i32
      %mul3A_270 = arith.muli %add3A_268, %mul3A_269 : i32
      %dma_start3A_271 = tpu.memref_slice %arg9[%mul3A_270] : memref<10000xi32, #tpu.memory_space<vmem>> -> memref<72xi32, #tpu.memory_space<vmem>>
      %dma_start3A_272 = arith.constant 0 : i32
      %dma_start3A_273 = arith.constant 0 : i32
      %dma_start3A_274 = tpu.memref_slice %arg2[%dma_start3A_272, %dma_start3A_273] : memref<10000x128xf32, #tpu.memory_space<hbm>> -> memref<10000x128xf32, #tpu.memory_space<hbm>>
      tpu.enqueue_indirect_dma source(%dma_start3A_274 : memref<10000x128xf32, #tpu.memory_space<hbm>>) target(%arg14 : memref<72x128xf32, #tpu.memory_space<vmem>>) offsets(%dma_start3A_271 : memref<72xi32, #tpu.memory_space<vmem>>) semaphore(%arg18 : memref<!tpu.dma_semaphore, #tpu.memory_space<semaphore_mem>>)
      %dma_wait3A_275 = arith.constant 0 : i32
      %dma_wait3A_276 = arith.constant 0 : i32
      %dma_wait3A_277 = tpu.memref_slice %arg22[%dma_wait3A_275, %dma_wait3A_276] : memref<10000x128xf32, #tpu.memory_space<vmem_shared>> -> memref<10000x128xf32, #tpu.memory_space<vmem_shared>>
      tpu.wait_indirect_dma semaphore(%arg21 : memref<!tpu.dma_semaphore, #tpu.memory_space<semaphore_mem>>) src(%arg16 : memref<72x128xf32, #tpu.memory_space<vmem>>) dst(%dma_wait3A_277 : memref<10000x128xf32, #tpu.memory_space<vmem_shared>>)
      %add3A_278 = arith.constant 2 : i32
      %add3A_279 = arith.addi %add3A_238, %add3A_278 : i32
      %mul3A_280 = arith.constant 72 : i32
      %mul3A_281 = arith.muli %add3A_279, %mul3A_280 : i32
      %add3A_282 = arith.addi %mul3A_2, %mul3A_281 : i32
      %dma_start3A_283 = tpu.memref_slice %arg5[%add3A_282] : memref<320000xi32, #tpu.memory_space<hbm>> -> memref<72xi32, #tpu.memory_space<hbm>>
      %dma_start3A_284 = tpu.memref_slice %arg5[%add3A_282] : memref<320000xi32, #tpu.memory_space<hbm>> -> memref<72xi32, #tpu.memory_space<hbm>>
      tpu.enqueue_dma source(%dma_start3A_284 : memref<72xi32, #tpu.memory_space<hbm>>) target(%arg11 : memref<72xi32, #tpu.memory_space<vmem>>) target_semaphore(%arg20 : memref<!tpu.dma_semaphore, #tpu.memory_space<semaphore_mem>>)
      %mul3A_285 = arith.constant 72 : i32
      %mul3A_286 = arith.muli %add3A_279, %mul3A_285 : i32
      %add3A_287 = arith.addi %mul3A_2, %mul3A_286 : i32
      %dma_start3A_288 = arith.constant 0 : i32
      %dma_start3A_289 = tpu.memref_slice %arg3[%add3A_287, %dma_start3A_288] : memref<320000x128xf32, #tpu.memory_space<hbm>> -> memref<72x128xf32, #tpu.memory_space<hbm>>
      %dma_start3A_290 = arith.constant 0 : i32
      %dma_start3A_291 = tpu.memref_slice %arg3[%add3A_287, %dma_start3A_290] : memref<320000x128xf32, #tpu.memory_space<hbm>> -> memref<72x128xf32, #tpu.memory_space<hbm>>
      tpu.enqueue_dma source(%dma_start3A_291 : memref<72x128xf32, #tpu.memory_space<hbm>>) target(%arg16 : memref<72x128xf32, #tpu.memory_space<vmem>>) target_semaphore(%arg20 : memref<!tpu.dma_semaphore, #tpu.memory_space<semaphore_mem>>)
      %scan3A_292 = arith.constant 0 : i32
      scf.yield %scan3A_292 : i32
    }
    %scan3A_41 = arith.constant 68 : i32
    %dma_wait3A = arith.constant 9792 : i32
    %dma_wait3A_42 = tpu.memref_slice %arg9[%dma_wait3A] : memref<10000xi32, #tpu.memory_space<vmem>> -> memref<72xi32, #tpu.memory_space<vmem>>
    %dma_wait3A_43 = arith.constant 0 : i32
    %dma_wait3A_44 = arith.constant 0 : i32
    %dma_wait3A_45 = tpu.memref_slice %arg2[%dma_wait3A_43, %dma_wait3A_44] : memref<10000x128xf32, #tpu.memory_space<hbm>> -> memref<10000x128xf32, #tpu.memory_space<hbm>>
    tpu.wait_indirect_dma semaphore(%arg17 : memref<!tpu.dma_semaphore, #tpu.memory_space<semaphore_mem>>) src(%dma_wait3A_45 : memref<10000x128xf32, #tpu.memory_space<hbm>>) dst(%arg13 : memref<72x128xf32, #tpu.memory_space<vmem>>)
    %add3A_46 = arith.constant 9792 : i32
    %add3A_47 = arith.addi %mul3A_2, %add3A_46 : i32
    %dma_wait3A_48 = tpu.memref_slice %arg5[%add3A_47] : memref<320000xi32, #tpu.memory_space<hbm>> -> memref<72xi32, #tpu.memory_space<hbm>>
    %dma_wait3A_49 = tpu.memref_slice %arg5[%add3A_47] : memref<320000xi32, #tpu.memory_space<hbm>> -> memref<72xi32, #tpu.memory_space<hbm>>
    tpu.wait_dma2 semaphore(%arg19 : memref<!tpu.dma_semaphore, #tpu.memory_space<semaphore_mem>>) src(%dma_wait3A_49 : memref<72xi32, #tpu.memory_space<hbm>>) dst(%arg10 : memref<72xi32, #tpu.memory_space<vmem>>)
    %add3A_50 = arith.constant 9792 : i32
    %add3A_51 = arith.addi %mul3A_2, %add3A_50 : i32
    %dma_wait3A_52 = arith.constant 0 : i32
    %dma_wait3A_53 = tpu.memref_slice %arg3[%add3A_51, %dma_wait3A_52] : memref<320000x128xf32, #tpu.memory_space<hbm>> -> memref<72x128xf32, #tpu.memory_space<hbm>>
    %dma_wait3A_54 = arith.constant 0 : i32
    %dma_wait3A_55 = tpu.memref_slice %arg3[%add3A_51, %dma_wait3A_54] : memref<320000x128xf32, #tpu.memory_space<hbm>> -> memref<72x128xf32, #tpu.memory_space<hbm>>
    tpu.wait_dma2 semaphore(%arg19 : memref<!tpu.dma_semaphore, #tpu.memory_space<semaphore_mem>>) src(%dma_wait3A_55 : memref<72x128xf32, #tpu.memory_space<hbm>>) dst(%arg15 : memref<72x128xf32, #tpu.memory_space<vmem>>)
    %scan3A_56 = arith.constant 0 : i32
    %scan3A_57 = arith.constant 0 : i32
    %scan3A_58 = arith.constant 72 : i32
    %scan3A_59 = arith.addi %scan3A_57, %scan3A_58 : i32
    %scan3A_60 = arith.constant 1 : i32
    %scan3A_61 = scf.for %scan3A_180 = %scan3A_57 to %scan3A_59 step %scan3A_60 iter_args(%scan3A_181 = %scan3A_56) -> (i32)  : i32 {
      %get3A = arith.index_cast %scan3A_180 : i32 to index
      %get3A_182 = arith.constant 0 : index
      %get3A_183 = tpu.vector_load %arg13[%get3A, %get3A_182] {strides = array<i32>} : memref<72x128xf32, #tpu.memory_space<vmem>>, vector<1x16xf32>,
      %get3A_184 = vector.shape_cast %get3A_183 : vector<1x16xf32> to vector<16xf32>
      %get3A_185 = arith.index_cast %scan3A_180 : i32 to index
      %get3A_186 = arith.constant 0 : index
      %get3A_187 = tpu.vector_load %arg15[%get3A_185, %get3A_186] {strides = array<i32>} : memref<72x128xf32, #tpu.memory_space<vmem>>, vector<1x16xf32>,
      %get3A_188 = vector.shape_cast %get3A_187 : vector<1x16xf32> to vector<16xf32>
      %add3A_189 = arith.addf %get3A_184, %get3A_188 : vector<16xf32>
      %mul3A_190 = arith.constant -1.702000e+00 : f32
      %mul3A_191 = vector.broadcast %mul3A_190 : f32 to vector<16xf32>
      %mul3A_192 = arith.mulf %mul3A_191, %add3A_189 : vector<16xf32>
      %exp3A = math.exp %mul3A_192 : vector<16xf32>
      %add3A_193 = arith.constant 1.000000e+00 : f32
      %add3A_194 = vector.broadcast %add3A_193 : f32 to vector<16xf32>
      %add3A_195 = arith.addf %add3A_194, %exp3A : vector<16xf32>
      %div3A = arith.divf %add3A_189, %add3A_195 : vector<16xf32>
      %swap3A = arith.index_cast %scan3A_180 : i32 to index
      %swap3A_196 = arith.constant 0 : index
      %swap3A_197 = tpu.vector_load %arg15[%swap3A, %swap3A_196] {strides = array<i32>} : memref<72x128xf32, #tpu.memory_space<vmem>>, vector<1x16xf32>,
      %swap3A_198 = vector.shape_cast %swap3A_197 : vector<1x16xf32> to vector<16xf32>
      %swap3A_199 = vector.shape_cast %div3A : vector<16xf32> to vector<1x16xf32>
      tpu.vector_store %arg15[%swap3A, %swap3A_196], %swap3A_199 {strides = array<i32>} : memref<72x128xf32, #tpu.memory_space<vmem>>, vector<1x16xf32>,
      %get3A_200 = arith.index_cast %scan3A_180 : i32 to index
      %get3A_201 = arith.constant 16 : index
      %get3A_202 = tpu.vector_load %arg13[%get3A_200, %get3A_201] {strides = array<i32>} : memref<72x128xf32, #tpu.memory_space<vmem>>, vector<1x16xf32>,
      %get3A_203 = vector.shape_cast %get3A_202 : vector<1x16xf32> to vector<16xf32>
      %get3A_204 = arith.index_cast %scan3A_180 : i32 to index
      %get3A_205 = arith.constant 16 : index
      %get3A_206 = tpu.vector_load %arg15[%get3A_204, %get3A_205] {strides = array<i32>} : memref<72x128xf32, #tpu.memory_space<vmem>>, vector<1x16xf32>,
      %get3A_207 = vector.shape_cast %get3A_206 : vector<1x16xf32> to vector<16xf32>
      %add3A_208 = arith.addf %get3A_203, %get3A_207 : vector<16xf32>
      %mul3A_209 = arith.constant -1.702000e+00 : f32
      %mul3A_210 = vector.broadcast %mul3A_209 : f32 to vector<16xf32>
      %mul3A_211 = arith.mulf %mul3A_210, %add3A_208 : vector<16xf32>
      %exp3A_212 = math.exp %mul3A_211 : vector<16xf32>
      %add3A_213 = arith.constant 1.000000e+00 : f32
      %add3A_214 = vector.broadcast %add3A_213 : f32 to vector<16xf32>
      %add3A_215 = arith.addf %add3A_214, %exp3A_212 : vector<16xf32>
      %div3A_216 = arith.divf %add3A_208, %add3A_215 : vector<16xf32>
      %swap3A_217 = arith.index_cast %scan3A_180 : i32 to index
      %swap3A_218 = arith.constant 16 : index
      %swap3A_219 = tpu.vector_load %arg15[%swap3A_217, %swap3A_218] {strides = array<i32>} : memref<72x128xf32, #tpu.memory_space<vmem>>, vector<1x16xf32>,
      %swap3A_220 = vector.shape_cast %swap3A_219 : vector<1x16xf32> to vector<16xf32>
      %swap3A_221 = vector.shape_cast %div3A_216 : vector<16xf32> to vector<1x16xf32>
      tpu.vector_store %arg15[%swap3A_217, %swap3A_218], %swap3A_221 {strides = array<i32>} : memref<72x128xf32, #tpu.memory_space<vmem>>, vector<1x16xf32>,
      %get3A_222 = arith.index_cast %scan3A_180 : i32 to index
      %get3A_223 = arith.constant 32 : index
      %get3A_224 = tpu.vector_load %arg13[%get3A_222, %get3A_223] {strides = array<i32>} : memref<72x128xf32, #tpu.memory_space<vmem>>, vector<1x16xf32>,
      %get3A_225 = vector.shape_cast %get3A_224 : vector<1x16xf32> to vector<16xf32>
      %get3A_226 = arith.index_cast %scan3A_180 : i32 to index
      %get3A_227 = arith.constant 32 : index
      %get3A_228 = tpu.vector_load %arg15[%get3A_226, %get3A_227] {strides = array<i32>} : memref<72x128xf32, #tpu.memory_space<vmem>>, vector<1x16xf32>,
      %get3A_229 = vector.shape_cast %get3A_228 : vector<1x16xf32> to vector<16xf32>
      %add3A_230 = arith.addf %get3A_225, %get3A_229 : vector<16xf32>
      %mul3A_231 = arith.constant -1.702000e+00 : f32
      %mul3A_232 = vector.broadcast %mul3A_231 : f32 to vector<16xf32>
      %mul3A_233 = arith.mulf %mul3A_232, %add3A_230 : vector<16xf32>
      %exp3A_234 = math.exp %mul3A_233 : vector<16xf32>
      %add3A_235 = arith.constant 1.000000e+00 : f32
      %add3A_236 = vector.broadcast %add3A_235 : f32 to vector<16xf32>
      %add3A_237 = arith.addf %add3A_236, %exp3A_234 : vector<16xf32>
      %div3A_238 = arith.divf %add3A_230, %add3A_237 : vector<16xf32>
      %swap3A_239 = arith.index_cast %scan3A_180 : i32 to index
      %swap3A_240 = arith.constant 32 : index
      %swap3A_241 = tpu.vector_load %arg15[%swap3A_239, %swap3A_240] {strides = array<i32>} : memref<72x128xf32, #tpu.memory_space<vmem>>, vector<1x16xf32>,
      %swap3A_242 = vector.shape_cast %swap3A_241 : vector<1x16xf32> to vector<16xf32>
      %swap3A_243 = vector.shape_cast %div3A_238 : vector<16xf32> to vector<1x16xf32>
      tpu.vector_store %arg15[%swap3A_239, %swap3A_240], %swap3A_243 {strides = array<i32>} : memref<72x128xf32, #tpu.memory_space<vmem>>, vector<1x16xf32>,
      %get3A_244 = arith.index_cast %scan3A_180 : i32 to index
      %get3A_245 = arith.constant 48 : index
      %get3A_246 = tpu.vector_load %arg13[%get3A_244, %get3A_245] {strides = array<i32>} : memref<72x128xf32, #tpu.memory_space<vmem>>, vector<1x16xf32>,
      %get3A_247 = vector.shape_cast %get3A_246 : vector<1x16xf32> to vector<16xf32>
      %get3A_248 = arith.index_cast %scan3A_180 : i32 to index
      %get3A_249 = arith.constant 48 : index
      %get3A_250 = tpu.vector_load %arg15[%get3A_248, %get3A_249] {strides = array<i32>} : memref<72x128xf32, #tpu.memory_space<vmem>>, vector<1x16xf32>,
      %get3A_251 = vector.shape_cast %get3A_250 : vector<1x16xf32> to vector<16xf32>
      %add3A_252 = arith.addf %get3A_247, %get3A_251 : vector<16xf32>
      %mul3A_253 = arith.constant -1.702000e+00 : f32
      %mul3A_254 = vector.broadcast %mul3A_253 : f32 to vector<16xf32>
      %mul3A_255 = arith.mulf %mul3A_254, %add3A_252 : vector<16xf32>
      %exp3A_256 = math.exp %mul3A_255 : vector<16xf32>
      %add3A_257 = arith.constant 1.000000e+00 : f32
      %add3A_258 = vector.broadcast %add3A_257 : f32 to vector<16xf32>
      %add3A_259 = arith.addf %add3A_258, %exp3A_256 : vector<16xf32>
      %div3A_260 = arith.divf %add3A_252, %add3A_259 : vector<16xf32>
      %swap3A_261 = arith.index_cast %scan3A_180 : i32 to index
      %swap3A_262 = arith.constant 48 : index
      %swap3A_263 = tpu.vector_load %arg15[%swap3A_261, %swap3A_262] {strides = array<i32>} : memref<72x128xf32, #tpu.memory_space<vmem>>, vector<1x16xf32>,
      %swap3A_264 = vector.shape_cast %swap3A_263 : vector<1x16xf32> to vector<16xf32>
      %swap3A_265 = vector.shape_cast %div3A_260 : vector<16xf32> to vector<1x16xf32>
      tpu.vector_store %arg15[%swap3A_261, %swap3A_262], %swap3A_265 {strides = array<i32>} : memref<72x128xf32, #tpu.memory_space<vmem>>, vector<1x16xf32>,
      %get3A_266 = arith.index_cast %scan3A_180 : i32 to index
      %get3A_267 = arith.constant 64 : index
      %get3A_268 = tpu.vector_load %arg13[%get3A_266, %get3A_267] {strides = array<i32>} : memref<72x128xf32, #tpu.memory_space<vmem>>, vector<1x16xf32>,
      %get3A_269 = vector.shape_cast %get3A_268 : vector<1x16xf32> to vector<16xf32>
      %get3A_270 = arith.index_cast %scan3A_180 : i32 to index
      %get3A_271 = arith.constant 64 : index
      %get3A_272 = tpu.vector_load %arg15[%get3A_270, %get3A_271] {strides = array<i32>} : memref<72x128xf32, #tpu.memory_space<vmem>>, vector<1x16xf32>,
      %get3A_273 = vector.shape_cast %get3A_272 : vector<1x16xf32> to vector<16xf32>
      %add3A_274 = arith.addf %get3A_269, %get3A_273 : vector<16xf32>
      %mul3A_275 = arith.constant -1.702000e+00 : f32
      %mul3A_276 = vector.broadcast %mul3A_275 : f32 to vector<16xf32>
      %mul3A_277 = arith.mulf %mul3A_276, %add3A_274 : vector<16xf32>
      %exp3A_278 = math.exp %mul3A_277 : vector<16xf32>
      %add3A_279 = arith.constant 1.000000e+00 : f32
      %add3A_280 = vector.broadcast %add3A_279 : f32 to vector<16xf32>
      %add3A_281 = arith.addf %add3A_280, %exp3A_278 : vector<16xf32>
      %div3A_282 = arith.divf %add3A_274, %add3A_281 : vector<16xf32>
      %swap3A_283 = arith.index_cast %scan3A_180 : i32 to index
      %swap3A_284 = arith.constant 64 : index
      %swap3A_285 = tpu.vector_load %arg15[%swap3A_283, %swap3A_284] {strides = array<i32>} : memref<72x128xf32, #tpu.memory_space<vmem>>, vector<1x16xf32>,
      %swap3A_286 = vector.shape_cast %swap3A_285 : vector<1x16xf32> to vector<16xf32>
      %swap3A_287 = vector.shape_cast %div3A_282 : vector<16xf32> to vector<1x16xf32>
      tpu.vector_store %arg15[%swap3A_283, %swap3A_284], %swap3A_287 {strides = array<i32>} : memref<72x128xf32, #tpu.memory_space<vmem>>, vector<1x16xf32>,
      %get3A_288 = arith.index_cast %scan3A_180 : i32 to index
      %get3A_289 = arith.constant 80 : index
      %get3A_290 = tpu.vector_load %arg13[%get3A_288, %get3A_289] {strides = array<i32>} : memref<72x128xf32, #tpu.memory_space<vmem>>, vector<1x16xf32>,
      %get3A_291 = vector.shape_cast %get3A_290 : vector<1x16xf32> to vector<16xf32>
      %get3A_292 = arith.index_cast %scan3A_180 : i32 to index
      %get3A_293 = arith.constant 80 : index
      %get3A_294 = tpu.vector_load %arg15[%get3A_292, %get3A_293] {strides = array<i32>} : memref<72x128xf32, #tpu.memory_space<vmem>>, vector<1x16xf32>,
      %get3A_295 = vector.shape_cast %get3A_294 : vector<1x16xf32> to vector<16xf32>
      %add3A_296 = arith.addf %get3A_291, %get3A_295 : vector<16xf32>
      %mul3A_297 = arith.constant -1.702000e+00 : f32
      %mul3A_298 = vector.broadcast %mul3A_297 : f32 to vector<16xf32>
      %mul3A_299 = arith.mulf %mul3A_298, %add3A_296 : vector<16xf32>
      %exp3A_300 = math.exp %mul3A_299 : vector<16xf32>
      %add3A_301 = arith.constant 1.000000e+00 : f32
      %add3A_302 = vector.broadcast %add3A_301 : f32 to vector<16xf32>
      %add3A_303 = arith.addf %add3A_302, %exp3A_300 : vector<16xf32>
      %div3A_304 = arith.divf %add3A_296, %add3A_303 : vector<16xf32>
      %swap3A_305 = arith.index_cast %scan3A_180 : i32 to index
      %swap3A_306 = arith.constant 80 : index
      %swap3A_307 = tpu.vector_load %arg15[%swap3A_305, %swap3A_306] {strides = array<i32>} : memref<72x128xf32, #tpu.memory_space<vmem>>, vector<1x16xf32>,
      %swap3A_308 = vector.shape_cast %swap3A_307 : vector<1x16xf32> to vector<16xf32>
      %swap3A_309 = vector.shape_cast %div3A_304 : vector<16xf32> to vector<1x16xf32>
      tpu.vector_store %arg15[%swap3A_305, %swap3A_306], %swap3A_309 {strides = array<i32>} : memref<72x128xf32, #tpu.memory_space<vmem>>, vector<1x16xf32>,
      %get3A_310 = arith.index_cast %scan3A_180 : i32 to index
      %get3A_311 = arith.constant 96 : index
      %get3A_312 = tpu.vector_load %arg13[%get3A_310, %get3A_311] {strides = array<i32>} : memref<72x128xf32, #tpu.memory_space<vmem>>, vector<1x16xf32>,
      %get3A_313 = vector.shape_cast %get3A_312 : vector<1x16xf32> to vector<16xf32>
      %get3A_314 = arith.index_cast %scan3A_180 : i32 to index
      %get3A_315 = arith.constant 96 : index
      %get3A_316 = tpu.vector_load %arg15[%get3A_314, %get3A_315] {strides = array<i32>} : memref<72x128xf32, #tpu.memory_space<vmem>>, vector<1x16xf32>,
      %get3A_317 = vector.shape_cast %get3A_316 : vector<1x16xf32> to vector<16xf32>
      %add3A_318 = arith.addf %get3A_313, %get3A_317 : vector<16xf32>
      %mul3A_319 = arith.constant -1.702000e+00 : f32
      %mul3A_320 = vector.broadcast %mul3A_319 : f32 to vector<16xf32>
      %mul3A_321 = arith.mulf %mul3A_320, %add3A_318 : vector<16xf32>
      %exp3A_322 = math.exp %mul3A_321 : vector<16xf32>
      %add3A_323 = arith.constant 1.000000e+00 : f32
      %add3A_324 = vector.broadcast %add3A_323 : f32 to vector<16xf32>
      %add3A_325 = arith.addf %add3A_324, %exp3A_322 : vector<16xf32>
      %div3A_326 = arith.divf %add3A_318, %add3A_325 : vector<16xf32>
      %swap3A_327 = arith.index_cast %scan3A_180 : i32 to index
      %swap3A_328 = arith.constant 96 : index
      %swap3A_329 = tpu.vector_load %arg15[%swap3A_327, %swap3A_328] {strides = array<i32>} : memref<72x128xf32, #tpu.memory_space<vmem>>, vector<1x16xf32>,
      %swap3A_330 = vector.shape_cast %swap3A_329 : vector<1x16xf32> to vector<16xf32>
      %swap3A_331 = vector.shape_cast %div3A_326 : vector<16xf32> to vector<1x16xf32>
      tpu.vector_store %arg15[%swap3A_327, %swap3A_328], %swap3A_331 {strides = array<i32>} : memref<72x128xf32, #tpu.memory_space<vmem>>, vector<1x16xf32>,
      %get3A_332 = arith.index_cast %scan3A_180 : i32 to index
      %get3A_333 = arith.constant 112 : index
      %get3A_334 = tpu.vector_load %arg13[%get3A_332, %get3A_333] {strides = array<i32>} : memref<72x128xf32, #tpu.memory_space<vmem>>, vector<1x16xf32>,
      %get3A_335 = vector.shape_cast %get3A_334 : vector<1x16xf32> to vector<16xf32>
      %get3A_336 = arith.index_cast %scan3A_180 : i32 to index
      %get3A_337 = arith.constant 112 : index
      %get3A_338 = tpu.vector_load %arg15[%get3A_336, %get3A_337] {strides = array<i32>} : memref<72x128xf32, #tpu.memory_space<vmem>>, vector<1x16xf32>,
      %get3A_339 = vector.shape_cast %get3A_338 : vector<1x16xf32> to vector<16xf32>
      %add3A_340 = arith.addf %get3A_335, %get3A_339 : vector<16xf32>
      %mul3A_341 = arith.constant -1.702000e+00 : f32
      %mul3A_342 = vector.broadcast %mul3A_341 : f32 to vector<16xf32>
      %mul3A_343 = arith.mulf %mul3A_342, %add3A_340 : vector<16xf32>
      %exp3A_344 = math.exp %mul3A_343 : vector<16xf32>
      %add3A_345 = arith.constant 1.000000e+00 : f32
      %add3A_346 = vector.broadcast %add3A_345 : f32 to vector<16xf32>
      %add3A_347 = arith.addf %add3A_346, %exp3A_344 : vector<16xf32>
      %div3A_348 = arith.divf %add3A_340, %add3A_347 : vector<16xf32>
      %swap3A_349 = arith.index_cast %scan3A_180 : i32 to index
      %swap3A_350 = arith.constant 112 : index
      %swap3A_351 = tpu.vector_load %arg15[%swap3A_349, %swap3A_350] {strides = array<i32>} : memref<72x128xf32, #tpu.memory_space<vmem>>, vector<1x16xf32>,
      %swap3A_352 = vector.shape_cast %swap3A_351 : vector<1x16xf32> to vector<16xf32>
      %swap3A_353 = vector.shape_cast %div3A_348 : vector<16xf32> to vector<1x16xf32>
      tpu.vector_store %arg15[%swap3A_349, %swap3A_350], %swap3A_353 {strides = array<i32>} : memref<72x128xf32, #tpu.memory_space<vmem>>, vector<1x16xf32>,
      %scan3A_354 = arith.constant 0 : i32
      scf.yield %scan3A_354 : i32
    }
    %scan3A_62 = arith.constant 72 : i32
    %dma_start3A_63 = arith.constant 0 : i32
    %dma_start3A_64 = arith.constant 0 : i32
    %dma_start3A_65 = tpu.memref_slice %arg22[%dma_start3A_63, %dma_start3A_64] : memref<10000x128xf32, #tpu.memory_space<vmem_shared>> -> memref<10000x128xf32, #tpu.memory_space<vmem_shared>>
    tpu.enqueue_indirect_dma source(%arg15 : memref<72x128xf32, #tpu.memory_space<vmem>>) target(%dma_start3A_65 : memref<10000x128xf32, #tpu.memory_space<vmem_shared>>) offsets(%arg10 : memref<72xi32, #tpu.memory_space<vmem>>) semaphore(%arg21 : memref<!tpu.dma_semaphore, #tpu.memory_space<semaphore_mem>>) {add = true}
    %dma_wait3A_66 = arith.constant 0 : i32
    %dma_wait3A_67 = arith.constant 0 : i32
    %dma_wait3A_68 = tpu.memref_slice %arg22[%dma_wait3A_66, %dma_wait3A_67] : memref<10000x128xf32, #tpu.memory_space<vmem_shared>> -> memref<10000x128xf32, #tpu.memory_space<vmem_shared>>
    tpu.wait_indirect_dma semaphore(%arg21 : memref<!tpu.dma_semaphore, #tpu.memory_space<semaphore_mem>>) src(%arg15 : memref<72x128xf32, #tpu.memory_space<vmem>>) dst(%dma_wait3A_68 : memref<10000x128xf32, #tpu.memory_space<vmem_shared>>)
    %dma_wait3A_69 = arith.constant 9864 : i32
    %dma_wait3A_70 = tpu.memref_slice %arg9[%dma_wait3A_69] : memref<10000xi32, #tpu.memory_space<vmem>> -> memref<72xi32, #tpu.memory_space<vmem>>
    %dma_wait3A_71 = arith.constant 0 : i32
    %dma_wait3A_72 = arith.constant 0 : i32
    %dma_wait3A_73 = tpu.memref_slice %arg2[%dma_wait3A_71, %dma_wait3A_72] : memref<10000x128xf32, #tpu.memory_space<hbm>> -> memref<10000x128xf32, #tpu.memory_space<hbm>>
    tpu.wait_indirect_dma semaphore(%arg18 : memref<!tpu.dma_semaphore, #tpu.memory_space<semaphore_mem>>) src(%dma_wait3A_73 : memref<10000x128xf32, #tpu.memory_space<hbm>>) dst(%arg14 : memref<72x128xf32, #tpu.memory_space<vmem>>)
    %add3A_74 = arith.constant 9864 : i32
    %add3A_75 = arith.addi %mul3A_2, %add3A_74 : i32
    %dma_wait3A_76 = tpu.memref_slice %arg5[%add3A_75] : memref<320000xi32, #tpu.memory_space<hbm>> -> memref<72xi32, #tpu.memory_space<hbm>>
    %dma_wait3A_77 = tpu.memref_slice %arg5[%add3A_75] : memref<320000xi32, #tpu.memory_space<hbm>> -> memref<72xi32, #tpu.memory_space<hbm>>
    tpu.wait_dma2 semaphore(%arg20 : memref<!tpu.dma_semaphore, #tpu.memory_space<semaphore_mem>>) src(%dma_wait3A_77 : memref<72xi32, #tpu.memory_space<hbm>>) dst(%arg11 : memref<72xi32, #tpu.memory_space<vmem>>)
    %add3A_78 = arith.constant 9864 : i32
    %add3A_79 = arith.addi %mul3A_2, %add3A_78 : i32
    %dma_wait3A_80 = arith.constant 0 : i32
    %dma_wait3A_81 = tpu.memref_slice %arg3[%add3A_79, %dma_wait3A_80] : memref<320000x128xf32, #tpu.memory_space<hbm>> -> memref<72x128xf32, #tpu.memory_space<hbm>>
    %dma_wait3A_82 = arith.constant 0 : i32
    %dma_wait3A_83 = tpu.memref_slice %arg3[%add3A_79, %dma_wait3A_82] : memref<320000x128xf32, #tpu.memory_space<hbm>> -> memref<72x128xf32, #tpu.memory_space<hbm>>
    tpu.wait_dma2 semaphore(%arg20 : memref<!tpu.dma_semaphore, #tpu.memory_space<semaphore_mem>>) src(%dma_wait3A_83 : memref<72x128xf32, #tpu.memory_space<hbm>>) dst(%arg16 : memref<72x128xf32, #tpu.memory_space<vmem>>)
    %scan3A_84 = arith.constant 0 : i32
    %scan3A_85 = arith.constant 0 : i32
    %scan3A_86 = arith.constant 72 : i32
    %scan3A_87 = arith.addi %scan3A_85, %scan3A_86 : i32
    %scan3A_88 = arith.constant 1 : i32
    %scan3A_89 = scf.for %scan3A_180 = %scan3A_85 to %scan3A_87 step %scan3A_88 iter_args(%scan3A_181 = %scan3A_84) -> (i32)  : i32 {
      %get3A = arith.index_cast %scan3A_180 : i32 to index
      %get3A_182 = arith.constant 0 : index
      %get3A_183 = tpu.vector_load %arg14[%get3A, %get3A_182] {strides = array<i32>} : memref<72x128xf32, #tpu.memory_space<vmem>>, vector<1x16xf32>,
      %get3A_184 = vector.shape_cast %get3A_183 : vector<1x16xf32> to vector<16xf32>
      %get3A_185 = arith.index_cast %scan3A_180 : i32 to index
      %get3A_186 = arith.constant 0 : index
      %get3A_187 = tpu.vector_load %arg16[%get3A_185, %get3A_186] {strides = array<i32>} : memref<72x128xf32, #tpu.memory_space<vmem>>, vector<1x16xf32>,
      %get3A_188 = vector.shape_cast %get3A_187 : vector<1x16xf32> to vector<16xf32>
      %add3A_189 = arith.addf %get3A_184, %get3A_188 : vector<16xf32>
      %mul3A_190 = arith.constant -1.702000e+00 : f32
      %mul3A_191 = vector.broadcast %mul3A_190 : f32 to vector<16xf32>
      %mul3A_192 = arith.mulf %mul3A_191, %add3A_189 : vector<16xf32>
      %exp3A = math.exp %mul3A_192 : vector<16xf32>
      %add3A_193 = arith.constant 1.000000e+00 : f32
      %add3A_194 = vector.broadcast %add3A_193 : f32 to vector<16xf32>
      %add3A_195 = arith.addf %add3A_194, %exp3A : vector<16xf32>
      %div3A = arith.divf %add3A_189, %add3A_195 : vector<16xf32>
      %swap3A = arith.index_cast %scan3A_180 : i32 to index
      %swap3A_196 = arith.constant 0 : index
      %swap3A_197 = tpu.vector_load %arg16[%swap3A, %swap3A_196] {strides = array<i32>} : memref<72x128xf32, #tpu.memory_space<vmem>>, vector<1x16xf32>,
      %swap3A_198 = vector.shape_cast %swap3A_197 : vector<1x16xf32> to vector<16xf32>
      %swap3A_199 = vector.shape_cast %div3A : vector<16xf32> to vector<1x16xf32>
      tpu.vector_store %arg16[%swap3A, %swap3A_196], %swap3A_199 {strides = array<i32>} : memref<72x128xf32, #tpu.memory_space<vmem>>, vector<1x16xf32>,
      %get3A_200 = arith.index_cast %scan3A_180 : i32 to index
      %get3A_201 = arith.constant 16 : index
      %get3A_202 = tpu.vector_load %arg14[%get3A_200, %get3A_201] {strides = array<i32>} : memref<72x128xf32, #tpu.memory_space<vmem>>, vector<1x16xf32>,
      %get3A_203 = vector.shape_cast %get3A_202 : vector<1x16xf32> to vector<16xf32>
      %get3A_204 = arith.index_cast %scan3A_180 : i32 to index
      %get3A_205 = arith.constant 16 : index
      %get3A_206 = tpu.vector_load %arg16[%get3A_204, %get3A_205] {strides = array<i32>} : memref<72x128xf32, #tpu.memory_space<vmem>>, vector<1x16xf32>,
      %get3A_207 = vector.shape_cast %get3A_206 : vector<1x16xf32> to vector<16xf32>
      %add3A_208 = arith.addf %get3A_203, %get3A_207 : vector<16xf32>
      %mul3A_209 = arith.constant -1.702000e+00 : f32
      %mul3A_210 = vector.broadcast %mul3A_209 : f32 to vector<16xf32>
      %mul3A_211 = arith.mulf %mul3A_210, %add3A_208 : vector<16xf32>
      %exp3A_212 = math.exp %mul3A_211 : vector<16xf32>
      %add3A_213 = arith.constant 1.000000e+00 : f32
      %add3A_214 = vector.broadcast %add3A_213 : f32 to vector<16xf32>
      %add3A_215 = arith.addf %add3A_214, %exp3A_212 : vector<16xf32>
      %div3A_216 = arith.divf %add3A_208, %add3A_215 : vector<16xf32>
      %swap3A_217 = arith.index_cast %scan3A_180 : i32 to index
      %swap3A_218 = arith.constant 16 : index
      %swap3A_219 = tpu.vector_load %arg16[%swap3A_217, %swap3A_218] {strides = array<i32>} : memref<72x128xf32, #tpu.memory_space<vmem>>, vector<1x16xf32>,
      %swap3A_220 = vector.shape_cast %swap3A_219 : vector<1x16xf32> to vector<16xf32>
      %swap3A_221 = vector.shape_cast %div3A_216 : vector<16xf32> to vector<1x16xf32>
      tpu.vector_store %arg16[%swap3A_217, %swap3A_218], %swap3A_221 {strides = array<i32>} : memref<72x128xf32, #tpu.memory_space<vmem>>, vector<1x16xf32>,
      %get3A_222 = arith.index_cast %scan3A_180 : i32 to index
      %get3A_223 = arith.constant 32 : index
      %get3A_224 = tpu.vector_load %arg14[%get3A_222, %get3A_223] {strides = array<i32>} : memref<72x128xf32, #tpu.memory_space<vmem>>, vector<1x16xf32>,
      %get3A_225 = vector.shape_cast %get3A_224 : vector<1x16xf32> to vector<16xf32>
      %get3A_226 = arith.index_cast %scan3A_180 : i32 to index
      %get3A_227 = arith.constant 32 : index
      %get3A_228 = tpu.vector_load %arg16[%get3A_226, %get3A_227] {strides = array<i32>} : memref<72x128xf32, #tpu.memory_space<vmem>>, vector<1x16xf32>,
      %get3A_229 = vector.shape_cast %get3A_228 : vector<1x16xf32> to vector<16xf32>
      %add3A_230 = arith.addf %get3A_225, %get3A_229 : vector<16xf32>
      %mul3A_231 = arith.constant -1.702000e+00 : f32
      %mul3A_232 = vector.broadcast %mul3A_231 : f32 to vector<16xf32>
      %mul3A_233 = arith.mulf %mul3A_232, %add3A_230 : vector<16xf32>
      %exp3A_234 = math.exp %mul3A_233 : vector<16xf32>
      %add3A_235 = arith.constant 1.000000e+00 : f32
      %add3A_236 = vector.broadcast %add3A_235 : f32 to vector<16xf32>
      %add3A_237 = arith.addf %add3A_236, %exp3A_234 : vector<16xf32>
      %div3A_238 = arith.divf %add3A_230, %add3A_237 : vector<16xf32>
      %swap3A_239 = arith.index_cast %scan3A_180 : i32 to index
      %swap3A_240 = arith.constant 32 : index
      %swap3A_241 = tpu.vector_load %arg16[%swap3A_239, %swap3A_240] {strides = array<i32>} : memref<72x128xf32, #tpu.memory_space<vmem>>, vector<1x16xf32>,
      %swap3A_242 = vector.shape_cast %swap3A_241 : vector<1x16xf32> to vector<16xf32>
      %swap3A_243 = vector.shape_cast %div3A_238 : vector<16xf32> to vector<1x16xf32>
      tpu.vector_store %arg16[%swap3A_239, %swap3A_240], %swap3A_243 {strides = array<i32>} : memref<72x128xf32, #tpu.memory_space<vmem>>, vector<1x16xf32>,
      %get3A_244 = arith.index_cast %scan3A_180 : i32 to index
      %get3A_245 = arith.constant 48 : index
      %get3A_246 = tpu.vector_load %arg14[%get3A_244, %get3A_245] {strides = array<i32>} : memref<72x128xf32, #tpu.memory_space<vmem>>, vector<1x16xf32>,
      %get3A_247 = vector.shape_cast %get3A_246 : vector<1x16xf32> to vector<16xf32>
      %get3A_248 = arith.index_cast %scan3A_180 : i32 to index
      %get3A_249 = arith.constant 48 : index
      %get3A_250 = tpu.vector_load %arg16[%get3A_248, %get3A_249] {strides = array<i32>} : memref<72x128xf32, #tpu.memory_space<vmem>>, vector<1x16xf32>,
      %get3A_251 = vector.shape_cast %get3A_250 : vector<1x16xf32> to vector<16xf32>
      %add3A_252 = arith.addf %get3A_247, %get3A_251 : vector<16xf32>
      %mul3A_253 = arith.constant -1.702000e+00 : f32
      %mul3A_254 = vector.broadcast %mul3A_253 : f32 to vector<16xf32>
      %mul3A_255 = arith.mulf %mul3A_254, %add3A_252 : vector<16xf32>
      %exp3A_256 = math.exp %mul3A_255 : vector<16xf32>
      %add3A_257 = arith.constant 1.000000e+00 : f32
      %add3A_258 = vector.broadcast %add3A_257 : f32 to vector<16xf32>
      %add3A_259 = arith.addf %add3A_258, %exp3A_256 : vector<16xf32>
      %div3A_260 = arith.divf %add3A_252, %add3A_259 : vector<16xf32>
      %swap3A_261 = arith.index_cast %scan3A_180 : i32 to index
      %swap3A_262 = arith.constant 48 : index
      %swap3A_263 = tpu.vector_load %arg16[%swap3A_261, %swap3A_262] {strides = array<i32>} : memref<72x128xf32, #tpu.memory_space<vmem>>, vector<1x16xf32>,
      %swap3A_264 = vector.shape_cast %swap3A_263 : vector<1x16xf32> to vector<16xf32>
      %swap3A_265 = vector.shape_cast %div3A_260 : vector<16xf32> to vector<1x16xf32>
      tpu.vector_store %arg16[%swap3A_261, %swap3A_262], %swap3A_265 {strides = array<i32>} : memref<72x128xf32, #tpu.memory_space<vmem>>, vector<1x16xf32>,
      %get3A_266 = arith.index_cast %scan3A_180 : i32 to index
      %get3A_267 = arith.constant 64 : index
      %get3A_268 = tpu.vector_load %arg14[%get3A_266, %get3A_267] {strides = array<i32>} : memref<72x128xf32, #tpu.memory_space<vmem>>, vector<1x16xf32>,
      %get3A_269 = vector.shape_cast %get3A_268 : vector<1x16xf32> to vector<16xf32>
      %get3A_270 = arith.index_cast %scan3A_180 : i32 to index
      %get3A_271 = arith.constant 64 : index
      %get3A_272 = tpu.vector_load %arg16[%get3A_270, %get3A_271] {strides = array<i32>} : memref<72x128xf32, #tpu.memory_space<vmem>>, vector<1x16xf32>,
      %get3A_273 = vector.shape_cast %get3A_272 : vector<1x16xf32> to vector<16xf32>
      %add3A_274 = arith.addf %get3A_269, %get3A_273 : vector<16xf32>
      %mul3A_275 = arith.constant -1.702000e+00 : f32
      %mul3A_276 = vector.broadcast %mul3A_275 : f32 to vector<16xf32>
      %mul3A_277 = arith.mulf %mul3A_276, %add3A_274 : vector<16xf32>
      %exp3A_278 = math.exp %mul3A_277 : vector<16xf32>
      %add3A_279 = arith.constant 1.000000e+00 : f32
      %add3A_280 = vector.broadcast %add3A_279 : f32 to vector<16xf32>
      %add3A_281 = arith.addf %add3A_280, %exp3A_278 : vector<16xf32>
      %div3A_282 = arith.divf %add3A_274, %add3A_281 : vector<16xf32>
      %swap3A_283 = arith.index_cast %scan3A_180 : i32 to index
      %swap3A_284 = arith.constant 64 : index
      %swap3A_285 = tpu.vector_load %arg16[%swap3A_283, %swap3A_284] {strides = array<i32>} : memref<72x128xf32, #tpu.memory_space<vmem>>, vector<1x16xf32>,
      %swap3A_286 = vector.shape_cast %swap3A_285 : vector<1x16xf32> to vector<16xf32>
      %swap3A_287 = vector.shape_cast %div3A_282 : vector<16xf32> to vector<1x16xf32>
      tpu.vector_store %arg16[%swap3A_283, %swap3A_284], %swap3A_287 {strides = array<i32>} : memref<72x128xf32, #tpu.memory_space<vmem>>, vector<1x16xf32>,
      %get3A_288 = arith.index_cast %scan3A_180 : i32 to index
      %get3A_289 = arith.constant 80 : index
      %get3A_290 = tpu.vector_load %arg14[%get3A_288, %get3A_289] {strides = array<i32>} : memref<72x128xf32, #tpu.memory_space<vmem>>, vector<1x16xf32>,
      %get3A_291 = vector.shape_cast %get3A_290 : vector<1x16xf32> to vector<16xf32>
      %get3A_292 = arith.index_cast %scan3A_180 : i32 to index
      %get3A_293 = arith.constant 80 : index
      %get3A_294 = tpu.vector_load %arg16[%get3A_292, %get3A_293] {strides = array<i32>} : memref<72x128xf32, #tpu.memory_space<vmem>>, vector<1x16xf32>,
      %get3A_295 = vector.shape_cast %get3A_294 : vector<1x16xf32> to vector<16xf32>
      %add3A_296 = arith.addf %get3A_291, %get3A_295 : vector<16xf32>
      %mul3A_297 = arith.constant -1.702000e+00 : f32
      %mul3A_298 = vector.broadcast %mul3A_297 : f32 to vector<16xf32>
      %mul3A_299 = arith.mulf %mul3A_298, %add3A_296 : vector<16xf32>
      %exp3A_300 = math.exp %mul3A_299 : vector<16xf32>
      %add3A_301 = arith.constant 1.000000e+00 : f32
      %add3A_302 = vector.broadcast %add3A_301 : f32 to vector<16xf32>
      %add3A_303 = arith.addf %add3A_302, %exp3A_300 : vector<16xf32>
      %div3A_304 = arith.divf %add3A_296, %add3A_303 : vector<16xf32>
      %swap3A_305 = arith.index_cast %scan3A_180 : i32 to index
      %swap3A_306 = arith.constant 80 : index
      %swap3A_307 = tpu.vector_load %arg16[%swap3A_305, %swap3A_306] {strides = array<i32>} : memref<72x128xf32, #tpu.memory_space<vmem>>, vector<1x16xf32>,
      %swap3A_308 = vector.shape_cast %swap3A_307 : vector<1x16xf32> to vector<16xf32>
      %swap3A_309 = vector.shape_cast %div3A_304 : vector<16xf32> to vector<1x16xf32>
      tpu.vector_store %arg16[%swap3A_305, %swap3A_306], %swap3A_309 {strides = array<i32>} : memref<72x128xf32, #tpu.memory_space<vmem>>, vector<1x16xf32>,
      %get3A_310 = arith.index_cast %scan3A_180 : i32 to index
      %get3A_311 = arith.constant 96 : index
      %get3A_312 = tpu.vector_load %arg14[%get3A_310, %get3A_311] {strides = array<i32>} : memref<72x128xf32, #tpu.memory_space<vmem>>, vector<1x16xf32>,
      %get3A_313 = vector.shape_cast %get3A_312 : vector<1x16xf32> to vector<16xf32>
      %get3A_314 = arith.index_cast %scan3A_180 : i32 to index
      %get3A_315 = arith.constant 96 : index
      %get3A_316 = tpu.vector_load %arg16[%get3A_314, %get3A_315] {strides = array<i32>} : memref<72x128xf32, #tpu.memory_space<vmem>>, vector<1x16xf32>,
      %get3A_317 = vector.shape_cast %get3A_316 : vector<1x16xf32> to vector<16xf32>
      %add3A_318 = arith.addf %get3A_313, %get3A_317 : vector<16xf32>
      %mul3A_319 = arith.constant -1.702000e+00 : f32
      %mul3A_320 = vector.broadcast %mul3A_319 : f32 to vector<16xf32>
      %mul3A_321 = arith.mulf %mul3A_320, %add3A_318 : vector<16xf32>
      %exp3A_322 = math.exp %mul3A_321 : vector<16xf32>
      %add3A_323 = arith.constant 1.000000e+00 : f32
      %add3A_324 = vector.broadcast %add3A_323 : f32 to vector<16xf32>
      %add3A_325 = arith.addf %add3A_324, %exp3A_322 : vector<16xf32>
      %div3A_326 = arith.divf %add3A_318, %add3A_325 : vector<16xf32>
      %swap3A_327 = arith.index_cast %scan3A_180 : i32 to index
      %swap3A_328 = arith.constant 96 : index
      %swap3A_329 = tpu.vector_load %arg16[%swap3A_327, %swap3A_328] {strides = array<i32>} : memref<72x128xf32, #tpu.memory_space<vmem>>, vector<1x16xf32>,
      %swap3A_330 = vector.shape_cast %swap3A_329 : vector<1x16xf32> to vector<16xf32>
      %swap3A_331 = vector.shape_cast %div3A_326 : vector<16xf32> to vector<1x16xf32>
      tpu.vector_store %arg16[%swap3A_327, %swap3A_328], %swap3A_331 {strides = array<i32>} : memref<72x128xf32, #tpu.memory_space<vmem>>, vector<1x16xf32>,
      %get3A_332 = arith.index_cast %scan3A_180 : i32 to index
      %get3A_333 = arith.constant 112 : index
      %get3A_334 = tpu.vector_load %arg14[%get3A_332, %get3A_333] {strides = array<i32>} : memref<72x128xf32, #tpu.memory_space<vmem>>, vector<1x16xf32>,
      %get3A_335 = vector.shape_cast %get3A_334 : vector<1x16xf32> to vector<16xf32>
      %get3A_336 = arith.index_cast %scan3A_180 : i32 to index
      %get3A_337 = arith.constant 112 : index
      %get3A_338 = tpu.vector_load %arg16[%get3A_336, %get3A_337] {strides = array<i32>} : memref<72x128xf32, #tpu.memory_space<vmem>>, vector<1x16xf32>,
      %get3A_339 = vector.shape_cast %get3A_338 : vector<1x16xf32> to vector<16xf32>
      %add3A_340 = arith.addf %get3A_335, %get3A_339 : vector<16xf32>
      %mul3A_341 = arith.constant -1.702000e+00 : f32
      %mul3A_342 = vector.broadcast %mul3A_341 : f32 to vector<16xf32>
      %mul3A_343 = arith.mulf %mul3A_342, %add3A_340 : vector<16xf32>
      %exp3A_344 = math.exp %mul3A_343 : vector<16xf32>
      %add3A_345 = arith.constant 1.000000e+00 : f32
      %add3A_346 = vector.broadcast %add3A_345 : f32 to vector<16xf32>
      %add3A_347 = arith.addf %add3A_346, %exp3A_344 : vector<16xf32>
      %div3A_348 = arith.divf %add3A_340, %add3A_347 : vector<16xf32>
      %swap3A_349 = arith.index_cast %scan3A_180 : i32 to index
      %swap3A_350 = arith.constant 112 : index
      %swap3A_351 = tpu.vector_load %arg16[%swap3A_349, %swap3A_350] {strides = array<i32>} : memref<72x128xf32, #tpu.memory_space<vmem>>, vector<1x16xf32>,
      %swap3A_352 = vector.shape_cast %swap3A_351 : vector<1x16xf32> to vector<16xf32>
      %swap3A_353 = vector.shape_cast %div3A_348 : vector<16xf32> to vector<1x16xf32>
      tpu.vector_store %arg16[%swap3A_349, %swap3A_350], %swap3A_353 {strides = array<i32>} : memref<72x128xf32, #tpu.memory_space<vmem>>, vector<1x16xf32>,
      %scan3A_354 = arith.constant 0 : i32
      scf.yield %scan3A_354 : i32
    }
    %scan3A_90 = arith.constant 72 : i32
    %dma_start3A_91 = arith.constant 0 : i32
    %dma_start3A_92 = arith.constant 0 : i32
    %dma_start3A_93 = tpu.memref_slice %arg22[%dma_start3A_91, %dma_start3A_92] : memref<10000x128xf32, #tpu.memory_space<vmem_shared>> -> memref<10000x128xf32, #tpu.memory_space<vmem_shared>>
    tpu.enqueue_indirect_dma source(%arg16 : memref<72x128xf32, #tpu.memory_space<vmem>>) target(%dma_start3A_93 : memref<10000x128xf32, #tpu.memory_space<vmem_shared>>) offsets(%arg11 : memref<72xi32, #tpu.memory_space<vmem>>) semaphore(%arg21 : memref<!tpu.dma_semaphore, #tpu.memory_space<semaphore_mem>>) {add = true}
    %dma_wait3A_94 = arith.constant 0 : i32
    %dma_wait3A_95 = arith.constant 0 : i32
    %dma_wait3A_96 = tpu.memref_slice %arg22[%dma_wait3A_94, %dma_wait3A_95] : memref<10000x128xf32, #tpu.memory_space<vmem_shared>> -> memref<10000x128xf32, #tpu.memory_space<vmem_shared>>
    tpu.wait_indirect_dma semaphore(%arg21 : memref<!tpu.dma_semaphore, #tpu.memory_space<semaphore_mem>>) src(%arg16 : memref<72x128xf32, #tpu.memory_space<vmem>>) dst(%dma_wait3A_96 : memref<10000x128xf32, #tpu.memory_space<vmem_shared>>)
    %add3A_97 = arith.constant 9936 : i32
    %add3A_98 = arith.addi %mul3A_2, %add3A_97 : i32
    "tpu.region"() ({
      %run_scoped3A = tpu.sem_alloc : memref<!tpu.dma_semaphore, #tpu.memory_space<semaphore_mem>>
      %dma_start3A_180 = tpu.memref_slice %arg5[%add3A_98] : memref<320000xi32, #tpu.memory_space<hbm>> -> memref<64xi32, #tpu.memory_space<hbm>>
      %dma_start3A_181 = tpu.memref_slice %arg5[%add3A_98] : memref<320000xi32, #tpu.memory_space<hbm>> -> memref<64xi32, #tpu.memory_space<hbm>>
      tpu.enqueue_dma source(%dma_start3A_181 : memref<64xi32, #tpu.memory_space<hbm>>) target(%arg12 : memref<64xi32, #tpu.memory_space<vmem>>) target_semaphore(%run_scoped3A : memref<!tpu.dma_semaphore, #tpu.memory_space<semaphore_mem>>)
      %dma_wait3A_182 = tpu.memref_slice %arg5[%add3A_98] : memref<320000xi32, #tpu.memory_space<hbm>> -> memref<64xi32, #tpu.memory_space<hbm>>
      %dma_wait3A_183 = tpu.memref_slice %arg5[%add3A_98] : memref<320000xi32, #tpu.memory_space<hbm>> -> memref<64xi32, #tpu.memory_space<hbm>>
      tpu.wait_dma2 semaphore(%run_scoped3A : memref<!tpu.dma_semaphore, #tpu.memory_space<semaphore_mem>>) src(%dma_wait3A_183 : memref<64xi32, #tpu.memory_space<hbm>>) dst(%arg12 : memref<64xi32, #tpu.memory_space<vmem>>)
      tpu.yield
    }) : () -> ()
    %dma_start3A_99 = arith.constant 0 : i32
    %dma_start3A_100 = arith.constant 0 : i32
    %dma_start3A_101 = tpu.memref_slice %arg13[%dma_start3A_99, %dma_start3A_100] : memref<72x128xf32, #tpu.memory_space<vmem>> -> memref<64x128xf32, #tpu.memory_space<vmem>>
    %dma_start3A_102 = arith.constant 9936 : i32
    %dma_start3A_103 = tpu.memref_slice %arg9[%dma_start3A_102] : memref<10000xi32, #tpu.memory_space<vmem>> -> memref<64xi32, #tpu.memory_space<vmem>>
    %dma_start3A_104 = arith.constant 0 : i32
    %dma_start3A_105 = arith.constant 0 : i32
    %dma_start3A_106 = tpu.memref_slice %arg2[%dma_start3A_104, %dma_start3A_105] : memref<10000x128xf32, #tpu.memory_space<hbm>> -> memref<10000x128xf32, #tpu.memory_space<hbm>>
    tpu.enqueue_indirect_dma source(%dma_start3A_106 : memref<10000x128xf32, #tpu.memory_space<hbm>>) target(%dma_start3A_101 : memref<64x128xf32, #tpu.memory_space<vmem>>) offsets(%dma_start3A_103 : memref<64xi32, #tpu.memory_space<vmem>>) semaphore(%arg17 : memref<!tpu.dma_semaphore, #tpu.memory_space<semaphore_mem>>)
    "tpu.region"() ({
      %run_scoped3A = tpu.sem_alloc : memref<!tpu.dma_semaphore, #tpu.memory_space<semaphore_mem>>
      %dma_start3A_180 = arith.constant 0 : i32
      %dma_start3A_181 = arith.constant 0 : i32
      %dma_start3A_182 = tpu.memref_slice %arg15[%dma_start3A_180, %dma_start3A_181] : memref<72x128xf32, #tpu.memory_space<vmem>> -> memref<64x128xf32, #tpu.memory_space<vmem>>
      %dma_start3A_183 = arith.constant 0 : i32
      %dma_start3A_184 = tpu.memref_slice %arg3[%add3A_98, %dma_start3A_183] : memref<320000x128xf32, #tpu.memory_space<hbm>> -> memref<64x128xf32, #tpu.memory_space<hbm>>
      %dma_start3A_185 = arith.constant 0 : i32
      %dma_start3A_186 = arith.constant 0 : i32
      %dma_start3A_187 = tpu.memref_slice %arg15[%dma_start3A_185, %dma_start3A_186] : memref<72x128xf32, #tpu.memory_space<vmem>> -> memref<64x128xf32, #tpu.memory_space<vmem>>
      %dma_start3A_188 = arith.constant 0 : i32
      %dma_start3A_189 = tpu.memref_slice %arg3[%add3A_98, %dma_start3A_188] : memref<320000x128xf32, #tpu.memory_space<hbm>> -> memref<64x128xf32, #tpu.memory_space<hbm>>
      tpu.enqueue_dma source(%dma_start3A_189 : memref<64x128xf32, #tpu.memory_space<hbm>>) target(%dma_start3A_187 : memref<64x128xf32, #tpu.memory_space<vmem>>) target_semaphore(%run_scoped3A : memref<!tpu.dma_semaphore, #tpu.memory_space<semaphore_mem>>)
      %dma_wait3A_190 = arith.constant 0 : i32
      %dma_wait3A_191 = arith.constant 0 : i32
      %dma_wait3A_192 = tpu.memref_slice %arg15[%dma_wait3A_190, %dma_wait3A_191] : memref<72x128xf32, #tpu.memory_space<vmem>> -> memref<64x128xf32, #tpu.memory_space<vmem>>
      %dma_wait3A_193 = arith.constant 0 : i32
      %dma_wait3A_194 = tpu.memref_slice %arg3[%add3A_98, %dma_wait3A_193] : memref<320000x128xf32, #tpu.memory_space<hbm>> -> memref<64x128xf32, #tpu.memory_space<hbm>>
      %dma_wait3A_195 = arith.constant 0 : i32
      %dma_wait3A_196 = arith.constant 0 : i32
      %dma_wait3A_197 = tpu.memref_slice %arg15[%dma_wait3A_195, %dma_wait3A_196] : memref<72x128xf32, #tpu.memory_space<vmem>> -> memref<64x128xf32, #tpu.memory_space<vmem>>
      %dma_wait3A_198 = arith.constant 0 : i32
      %dma_wait3A_199 = tpu.memref_slice %arg3[%add3A_98, %dma_wait3A_198] : memref<320000x128xf32, #tpu.memory_space<hbm>> -> memref<64x128xf32, #tpu.memory_space<hbm>>
      tpu.wait_dma2 semaphore(%run_scoped3A : memref<!tpu.dma_semaphore, #tpu.memory_space<semaphore_mem>>) src(%dma_wait3A_199 : memref<64x128xf32, #tpu.memory_space<hbm>>) dst(%dma_wait3A_197 : memref<64x128xf32, #tpu.memory_space<vmem>>)
      tpu.yield
    }) : () -> ()
    %dma_wait3A_107 = arith.constant 0 : i32
    %dma_wait3A_108 = arith.constant 0 : i32
    %dma_wait3A_109 = tpu.memref_slice %arg13[%dma_wait3A_107, %dma_wait3A_108] : memref<72x128xf32, #tpu.memory_space<vmem>> -> memref<64x128xf32, #tpu.memory_space<vmem>>
    %dma_wait3A_110 = arith.constant 9936 : i32
    %dma_wait3A_111 = tpu.memref_slice %arg9[%dma_wait3A_110] : memref<10000xi32, #tpu.memory_space<vmem>> -> memref<64xi32, #tpu.memory_space<vmem>>
    %dma_wait3A_112 = arith.constant 0 : i32
    %dma_wait3A_113 = arith.constant 0 : i32
    %dma_wait3A_114 = tpu.memref_slice %arg2[%dma_wait3A_112, %dma_wait3A_113] : memref<10000x128xf32, #tpu.memory_space<hbm>> -> memref<10000x128xf32, #tpu.memory_space<hbm>>
    tpu.wait_indirect_dma semaphore(%arg17 : memref<!tpu.dma_semaphore, #tpu.memory_space<semaphore_mem>>) src(%dma_wait3A_114 : memref<10000x128xf32, #tpu.memory_space<hbm>>) dst(%dma_wait3A_109 : memref<64x128xf32, #tpu.memory_space<vmem>>)
    %scan3A_115 = arith.constant 0 : i32
    %scan3A_116 = arith.constant 0 : i32
    %scan3A_117 = arith.constant 64 : i32
    %scan3A_118 = arith.addi %scan3A_116, %scan3A_117 : i32
    %scan3A_119 = arith.constant 1 : i32
    %scan3A_120 = scf.for %scan3A_180 = %scan3A_116 to %scan3A_118 step %scan3A_119 iter_args(%scan3A_181 = %scan3A_115) -> (i32)  : i32 {
      %get3A = arith.index_cast %scan3A_180 : i32 to index
      %get3A_182 = arith.constant 0 : index
      %get3A_183 = tpu.vector_load %arg13[%get3A, %get3A_182] {strides = array<i32>} : memref<72x128xf32, #tpu.memory_space<vmem>>, vector<1x16xf32>,
      %get3A_184 = vector.shape_cast %get3A_183 : vector<1x16xf32> to vector<16xf32>
      %get3A_185 = arith.index_cast %scan3A_180 : i32 to index
      %get3A_186 = arith.constant 0 : index
      %get3A_187 = tpu.vector_load %arg15[%get3A_185, %get3A_186] {strides = array<i32>} : memref<72x128xf32, #tpu.memory_space<vmem>>, vector<1x16xf32>,
      %get3A_188 = vector.shape_cast %get3A_187 : vector<1x16xf32> to vector<16xf32>
      %add3A_189 = arith.addf %get3A_184, %get3A_188 : vector<16xf32>
      %mul3A_190 = arith.constant -1.702000e+00 : f32
      %mul3A_191 = vector.broadcast %mul3A_190 : f32 to vector<16xf32>
      %mul3A_192 = arith.mulf %mul3A_191, %add3A_189 : vector<16xf32>
      %exp3A = math.exp %mul3A_192 : vector<16xf32>
      %add3A_193 = arith.constant 1.000000e+00 : f32
      %add3A_194 = vector.broadcast %add3A_193 : f32 to vector<16xf32>
      %add3A_195 = arith.addf %add3A_194, %exp3A : vector<16xf32>
      %div3A = arith.divf %add3A_189, %add3A_195 : vector<16xf32>
      %swap3A = arith.index_cast %scan3A_180 : i32 to index
      %swap3A_196 = arith.constant 0 : index
      %swap3A_197 = tpu.vector_load %arg15[%swap3A, %swap3A_196] {strides = array<i32>} : memref<72x128xf32, #tpu.memory_space<vmem>>, vector<1x16xf32>,
      %swap3A_198 = vector.shape_cast %swap3A_197 : vector<1x16xf32> to vector<16xf32>
      %swap3A_199 = vector.shape_cast %div3A : vector<16xf32> to vector<1x16xf32>
      tpu.vector_store %arg15[%swap3A, %swap3A_196], %swap3A_199 {strides = array<i32>} : memref<72x128xf32, #tpu.memory_space<vmem>>, vector<1x16xf32>,
      %get3A_200 = arith.index_cast %scan3A_180 : i32 to index
      %get3A_201 = arith.constant 16 : index
      %get3A_202 = tpu.vector_load %arg13[%get3A_200, %get3A_201] {strides = array<i32>} : memref<72x128xf32, #tpu.memory_space<vmem>>, vector<1x16xf32>,
      %get3A_203 = vector.shape_cast %get3A_202 : vector<1x16xf32> to vector<16xf32>
      %get3A_204 = arith.index_cast %scan3A_180 : i32 to index
      %get3A_205 = arith.constant 16 : index
      %get3A_206 = tpu.vector_load %arg15[%get3A_204, %get3A_205] {strides = array<i32>} : memref<72x128xf32, #tpu.memory_space<vmem>>, vector<1x16xf32>,
      %get3A_207 = vector.shape_cast %get3A_206 : vector<1x16xf32> to vector<16xf32>
      %add3A_208 = arith.addf %get3A_203, %get3A_207 : vector<16xf32>
      %mul3A_209 = arith.constant -1.702000e+00 : f32
      %mul3A_210 = vector.broadcast %mul3A_209 : f32 to vector<16xf32>
      %mul3A_211 = arith.mulf %mul3A_210, %add3A_208 : vector<16xf32>
      %exp3A_212 = math.exp %mul3A_211 : vector<16xf32>
      %add3A_213 = arith.constant 1.000000e+00 : f32
      %add3A_214 = vector.broadcast %add3A_213 : f32 to vector<16xf32>
      %add3A_215 = arith.addf %add3A_214, %exp3A_212 : vector<16xf32>
      %div3A_216 = arith.divf %add3A_208, %add3A_215 : vector<16xf32>
      %swap3A_217 = arith.index_cast %scan3A_180 : i32 to index
      %swap3A_218 = arith.constant 16 : index
      %swap3A_219 = tpu.vector_load %arg15[%swap3A_217, %swap3A_218] {strides = array<i32>} : memref<72x128xf32, #tpu.memory_space<vmem>>, vector<1x16xf32>,
      %swap3A_220 = vector.shape_cast %swap3A_219 : vector<1x16xf32> to vector<16xf32>
      %swap3A_221 = vector.shape_cast %div3A_216 : vector<16xf32> to vector<1x16xf32>
      tpu.vector_store %arg15[%swap3A_217, %swap3A_218], %swap3A_221 {strides = array<i32>} : memref<72x128xf32, #tpu.memory_space<vmem>>, vector<1x16xf32>,
      %get3A_222 = arith.index_cast %scan3A_180 : i32 to index
      %get3A_223 = arith.constant 32 : index
      %get3A_224 = tpu.vector_load %arg13[%get3A_222, %get3A_223] {strides = array<i32>} : memref<72x128xf32, #tpu.memory_space<vmem>>, vector<1x16xf32>,
      %get3A_225 = vector.shape_cast %get3A_224 : vector<1x16xf32> to vector<16xf32>
      %get3A_226 = arith.index_cast %scan3A_180 : i32 to index
      %get3A_227 = arith.constant 32 : index
      %get3A_228 = tpu.vector_load %arg15[%get3A_226, %get3A_227] {strides = array<i32>} : memref<72x128xf32, #tpu.memory_space<vmem>>, vector<1x16xf32>,
      %get3A_229 = vector.shape_cast %get3A_228 : vector<1x16xf32> to vector<16xf32>
      %add3A_230 = arith.addf %get3A_225, %get3A_229 : vector<16xf32>
      %mul3A_231 = arith.constant -1.702000e+00 : f32
      %mul3A_232 = vector.broadcast %mul3A_231 : f32 to vector<16xf32>
      %mul3A_233 = arith.mulf %mul3A_232, %add3A_230 : vector<16xf32>
      %exp3A_234 = math.exp %mul3A_233 : vector<16xf32>
      %add3A_235 = arith.constant 1.000000e+00 : f32
      %add3A_236 = vector.broadcast %add3A_235 : f32 to vector<16xf32>
      %add3A_237 = arith.addf %add3A_236, %exp3A_234 : vector<16xf32>
      %div3A_238 = arith.divf %add3A_230, %add3A_237 : vector<16xf32>
      %swap3A_239 = arith.index_cast %scan3A_180 : i32 to index
      %swap3A_240 = arith.constant 32 : index
      %swap3A_241 = tpu.vector_load %arg15[%swap3A_239, %swap3A_240] {strides = array<i32>} : memref<72x128xf32, #tpu.memory_space<vmem>>, vector<1x16xf32>,
      %swap3A_242 = vector.shape_cast %swap3A_241 : vector<1x16xf32> to vector<16xf32>
      %swap3A_243 = vector.shape_cast %div3A_238 : vector<16xf32> to vector<1x16xf32>
      tpu.vector_store %arg15[%swap3A_239, %swap3A_240], %swap3A_243 {strides = array<i32>} : memref<72x128xf32, #tpu.memory_space<vmem>>, vector<1x16xf32>,
      %get3A_244 = arith.index_cast %scan3A_180 : i32 to index
      %get3A_245 = arith.constant 48 : index
      %get3A_246 = tpu.vector_load %arg13[%get3A_244, %get3A_245] {strides = array<i32>} : memref<72x128xf32, #tpu.memory_space<vmem>>, vector<1x16xf32>,
      %get3A_247 = vector.shape_cast %get3A_246 : vector<1x16xf32> to vector<16xf32>
      %get3A_248 = arith.index_cast %scan3A_180 : i32 to index
      %get3A_249 = arith.constant 48 : index
      %get3A_250 = tpu.vector_load %arg15[%get3A_248, %get3A_249] {strides = array<i32>} : memref<72x128xf32, #tpu.memory_space<vmem>>, vector<1x16xf32>,
      %get3A_251 = vector.shape_cast %get3A_250 : vector<1x16xf32> to vector<16xf32>
      %add3A_252 = arith.addf %get3A_247, %get3A_251 : vector<16xf32>
      %mul3A_253 = arith.constant -1.702000e+00 : f32
      %mul3A_254 = vector.broadcast %mul3A_253 : f32 to vector<16xf32>
      %mul3A_255 = arith.mulf %mul3A_254, %add3A_252 : vector<16xf32>
      %exp3A_256 = math.exp %mul3A_255 : vector<16xf32>
      %add3A_257 = arith.constant 1.000000e+00 : f32
      %add3A_258 = vector.broadcast %add3A_257 : f32 to vector<16xf32>
      %add3A_259 = arith.addf %add3A_258, %exp3A_256 : vector<16xf32>
      %div3A_260 = arith.divf %add3A_252, %add3A_259 : vector<16xf32>
      %swap3A_261 = arith.index_cast %scan3A_180 : i32 to index
      %swap3A_262 = arith.constant 48 : index
      %swap3A_263 = tpu.vector_load %arg15[%swap3A_261, %swap3A_262] {strides = array<i32>} : memref<72x128xf32, #tpu.memory_space<vmem>>, vector<1x16xf32>,
      %swap3A_264 = vector.shape_cast %swap3A_263 : vector<1x16xf32> to vector<16xf32>
      %swap3A_265 = vector.shape_cast %div3A_260 : vector<16xf32> to vector<1x16xf32>
      tpu.vector_store %arg15[%swap3A_261, %swap3A_262], %swap3A_265 {strides = array<i32>} : memref<72x128xf32, #tpu.memory_space<vmem>>, vector<1x16xf32>,
      %get3A_266 = arith.index_cast %scan3A_180 : i32 to index
      %get3A_267 = arith.constant 64 : index
      %get3A_268 = tpu.vector_load %arg13[%get3A_266, %get3A_267] {strides = array<i32>} : memref<72x128xf32, #tpu.memory_space<vmem>>, vector<1x16xf32>,
      %get3A_269 = vector.shape_cast %get3A_268 : vector<1x16xf32> to vector<16xf32>
      %get3A_270 = arith.index_cast %scan3A_180 : i32 to index
      %get3A_271 = arith.constant 64 : index
      %get3A_272 = tpu.vector_load %arg15[%get3A_270, %get3A_271] {strides = array<i32>} : memref<72x128xf32, #tpu.memory_space<vmem>>, vector<1x16xf32>,
      %get3A_273 = vector.shape_cast %get3A_272 : vector<1x16xf32> to vector<16xf32>
      %add3A_274 = arith.addf %get3A_269, %get3A_273 : vector<16xf32>
      %mul3A_275 = arith.constant -1.702000e+00 : f32
      %mul3A_276 = vector.broadcast %mul3A_275 : f32 to vector<16xf32>
      %mul3A_277 = arith.mulf %mul3A_276, %add3A_274 : vector<16xf32>
      %exp3A_278 = math.exp %mul3A_277 : vector<16xf32>
      %add3A_279 = arith.constant 1.000000e+00 : f32
      %add3A_280 = vector.broadcast %add3A_279 : f32 to vector<16xf32>
      %add3A_281 = arith.addf %add3A_280, %exp3A_278 : vector<16xf32>
      %div3A_282 = arith.divf %add3A_274, %add3A_281 : vector<16xf32>
      %swap3A_283 = arith.index_cast %scan3A_180 : i32 to index
      %swap3A_284 = arith.constant 64 : index
      %swap3A_285 = tpu.vector_load %arg15[%swap3A_283, %swap3A_284] {strides = array<i32>} : memref<72x128xf32, #tpu.memory_space<vmem>>, vector<1x16xf32>,
      %swap3A_286 = vector.shape_cast %swap3A_285 : vector<1x16xf32> to vector<16xf32>
      %swap3A_287 = vector.shape_cast %div3A_282 : vector<16xf32> to vector<1x16xf32>
      tpu.vector_store %arg15[%swap3A_283, %swap3A_284], %swap3A_287 {strides = array<i32>} : memref<72x128xf32, #tpu.memory_space<vmem>>, vector<1x16xf32>,
      %get3A_288 = arith.index_cast %scan3A_180 : i32 to index
      %get3A_289 = arith.constant 80 : index
      %get3A_290 = tpu.vector_load %arg13[%get3A_288, %get3A_289] {strides = array<i32>} : memref<72x128xf32, #tpu.memory_space<vmem>>, vector<1x16xf32>,
      %get3A_291 = vector.shape_cast %get3A_290 : vector<1x16xf32> to vector<16xf32>
      %get3A_292 = arith.index_cast %scan3A_180 : i32 to index
      %get3A_293 = arith.constant 80 : index
      %get3A_294 = tpu.vector_load %arg15[%get3A_292, %get3A_293] {strides = array<i32>} : memref<72x128xf32, #tpu.memory_space<vmem>>, vector<1x16xf32>,
      %get3A_295 = vector.shape_cast %get3A_294 : vector<1x16xf32> to vector<16xf32>
      %add3A_296 = arith.addf %get3A_291, %get3A_295 : vector<16xf32>
      %mul3A_297 = arith.constant -1.702000e+00 : f32
      %mul3A_298 = vector.broadcast %mul3A_297 : f32 to vector<16xf32>
      %mul3A_299 = arith.mulf %mul3A_298, %add3A_296 : vector<16xf32>
      %exp3A_300 = math.exp %mul3A_299 : vector<16xf32>
      %add3A_301 = arith.constant 1.000000e+00 : f32
      %add3A_302 = vector.broadcast %add3A_301 : f32 to vector<16xf32>
      %add3A_303 = arith.addf %add3A_302, %exp3A_300 : vector<16xf32>
      %div3A_304 = arith.divf %add3A_296, %add3A_303 : vector<16xf32>
      %swap3A_305 = arith.index_cast %scan3A_180 : i32 to index
      %swap3A_306 = arith.constant 80 : index
      %swap3A_307 = tpu.vector_load %arg15[%swap3A_305, %swap3A_306] {strides = array<i32>} : memref<72x128xf32, #tpu.memory_space<vmem>>, vector<1x16xf32>,
      %swap3A_308 = vector.shape_cast %swap3A_307 : vector<1x16xf32> to vector<16xf32>
      %swap3A_309 = vector.shape_cast %div3A_304 : vector<16xf32> to vector<1x16xf32>
      tpu.vector_store %arg15[%swap3A_305, %swap3A_306], %swap3A_309 {strides = array<i32>} : memref<72x128xf32, #tpu.memory_space<vmem>>, vector<1x16xf32>,
      %get3A_310 = arith.index_cast %scan3A_180 : i32 to index
      %get3A_311 = arith.constant 96 : index
      %get3A_312 = tpu.vector_load %arg13[%get3A_310, %get3A_311] {strides = array<i32>} : memref<72x128xf32, #tpu.memory_space<vmem>>, vector<1x16xf32>,
      %get3A_313 = vector.shape_cast %get3A_312 : vector<1x16xf32> to vector<16xf32>
      %get3A_314 = arith.index_cast %scan3A_180 : i32 to index
      %get3A_315 = arith.constant 96 : index
      %get3A_316 = tpu.vector_load %arg15[%get3A_314, %get3A_315] {strides = array<i32>} : memref<72x128xf32, #tpu.memory_space<vmem>>, vector<1x16xf32>,
      %get3A_317 = vector.shape_cast %get3A_316 : vector<1x16xf32> to vector<16xf32>
      %add3A_318 = arith.addf %get3A_313, %get3A_317 : vector<16xf32>
      %mul3A_319 = arith.constant -1.702000e+00 : f32
      %mul3A_320 = vector.broadcast %mul3A_319 : f32 to vector<16xf32>
      %mul3A_321 = arith.mulf %mul3A_320, %add3A_318 : vector<16xf32>
      %exp3A_322 = math.exp %mul3A_321 : vector<16xf32>
      %add3A_323 = arith.constant 1.000000e+00 : f32
      %add3A_324 = vector.broadcast %add3A_323 : f32 to vector<16xf32>
      %add3A_325 = arith.addf %add3A_324, %exp3A_322 : vector<16xf32>
      %div3A_326 = arith.divf %add3A_318, %add3A_325 : vector<16xf32>
      %swap3A_327 = arith.index_cast %scan3A_180 : i32 to index
      %swap3A_328 = arith.constant 96 : index
      %swap3A_329 = tpu.vector_load %arg15[%swap3A_327, %swap3A_328] {strides = array<i32>} : memref<72x128xf32, #tpu.memory_space<vmem>>, vector<1x16xf32>,
      %swap3A_330 = vector.shape_cast %swap3A_329 : vector<1x16xf32> to vector<16xf32>
      %swap3A_331 = vector.shape_cast %div3A_326 : vector<16xf32> to vector<1x16xf32>
      tpu.vector_store %arg15[%swap3A_327, %swap3A_328], %swap3A_331 {strides = array<i32>} : memref<72x128xf32, #tpu.memory_space<vmem>>, vector<1x16xf32>,
      %get3A_332 = arith.index_cast %scan3A_180 : i32 to index
      %get3A_333 = arith.constant 112 : index
      %get3A_334 = tpu.vector_load %arg13[%get3A_332, %get3A_333] {strides = array<i32>} : memref<72x128xf32, #tpu.memory_space<vmem>>, vector<1x16xf32>,
      %get3A_335 = vector.shape_cast %get3A_334 : vector<1x16xf32> to vector<16xf32>
      %get3A_336 = arith.index_cast %scan3A_180 : i32 to index
      %get3A_337 = arith.constant 112 : index
      %get3A_338 = tpu.vector_load %arg15[%get3A_336, %get3A_337] {strides = array<i32>} : memref<72x128xf32, #tpu.memory_space<vmem>>, vector<1x16xf32>,
      %get3A_339 = vector.shape_cast %get3A_338 : vector<1x16xf32> to vector<16xf32>
      %add3A_340 = arith.addf %get3A_335, %get3A_339 : vector<16xf32>
      %mul3A_341 = arith.constant -1.702000e+00 : f32
      %mul3A_342 = vector.broadcast %mul3A_341 : f32 to vector<16xf32>
      %mul3A_343 = arith.mulf %mul3A_342, %add3A_340 : vector<16xf32>
      %exp3A_344 = math.exp %mul3A_343 : vector<16xf32>
      %add3A_345 = arith.constant 1.000000e+00 : f32
      %add3A_346 = vector.broadcast %add3A_345 : f32 to vector<16xf32>
      %add3A_347 = arith.addf %add3A_346, %exp3A_344 : vector<16xf32>
      %div3A_348 = arith.divf %add3A_340, %add3A_347 : vector<16xf32>
      %swap3A_349 = arith.index_cast %scan3A_180 : i32 to index
      %swap3A_350 = arith.constant 112 : index
      %swap3A_351 = tpu.vector_load %arg15[%swap3A_349, %swap3A_350] {strides = array<i32>} : memref<72x128xf32, #tpu.memory_space<vmem>>, vector<1x16xf32>,
      %swap3A_352 = vector.shape_cast %swap3A_351 : vector<1x16xf32> to vector<16xf32>
      %swap3A_353 = vector.shape_cast %div3A_348 : vector<16xf32> to vector<1x16xf32>
      tpu.vector_store %arg15[%swap3A_349, %swap3A_350], %swap3A_353 {strides = array<i32>} : memref<72x128xf32, #tpu.memory_space<vmem>>, vector<1x16xf32>,
      %scan3A_354 = arith.constant 0 : i32
      scf.yield %scan3A_354 : i32
    }
    %scan3A_121 = arith.constant 64 : i32
    "tpu.region"() ({
      %run_scoped3A = tpu.sem_alloc : memref<!tpu.dma_semaphore, #tpu.memory_space<semaphore_mem>>
      %dma_start3A_180 = arith.constant 0 : i32
      %dma_start3A_181 = arith.constant 0 : i32
      %dma_start3A_182 = tpu.memref_slice %arg15[%dma_start3A_180, %dma_start3A_181] : memref<72x128xf32, #tpu.memory_space<vmem>> -> memref<64x128xf32, #tpu.memory_space<vmem>>
      %dma_start3A_183 = arith.constant 0 : i32
      %dma_start3A_184 = arith.constant 0 : i32
      %dma_start3A_185 = tpu.memref_slice %arg22[%dma_start3A_183, %dma_start3A_184] : memref<10000x128xf32, #tpu.memory_space<vmem_shared>> -> memref<10000x128xf32, #tpu.memory_space<vmem_shared>>
      tpu.enqueue_indirect_dma source(%dma_start3A_182 : memref<64x128xf32, #tpu.memory_space<vmem>>) target(%dma_start3A_185 : memref<10000x128xf32, #tpu.memory_space<vmem_shared>>) offsets(%arg12 : memref<64xi32, #tpu.memory_space<vmem>>) semaphore(%run_scoped3A : memref<!tpu.dma_semaphore, #tpu.memory_space<semaphore_mem>>) {add = true}
      %dma_wait3A_186 = arith.constant 0 : i32
      %dma_wait3A_187 = arith.constant 0 : i32
      %dma_wait3A_188 = tpu.memref_slice %arg15[%dma_wait3A_186, %dma_wait3A_187] : memref<72x128xf32, #tpu.memory_space<vmem>> -> memref<64x128xf32, #tpu.memory_space<vmem>>
      %dma_wait3A_189 = arith.constant 0 : i32
      %dma_wait3A_190 = arith.constant 0 : i32
      %dma_wait3A_191 = tpu.memref_slice %arg22[%dma_wait3A_189, %dma_wait3A_190] : memref<10000x128xf32, #tpu.memory_space<vmem_shared>> -> memref<10000x128xf32, #tpu.memory_space<vmem_shared>>
      tpu.wait_indirect_dma semaphore(%run_scoped3A : memref<!tpu.dma_semaphore, #tpu.memory_space<semaphore_mem>>) src(%dma_wait3A_188 : memref<64x128xf32, #tpu.memory_space<vmem>>) dst(%dma_wait3A_191 : memref<10000x128xf32, #tpu.memory_space<vmem_shared>>)
      tpu.yield
    }) : () -> ()
    %barrier3A_122 = arith.constant 0 : index
    tpu.barrier barrier_id(%barrier3A_122)
    "tpu.region"() ({
      %run_scoped3A = tpu.sem_alloc : memref<!tpu.dma_semaphore, #tpu.memory_space<semaphore_mem>>
      %dma_start3A_180 = arith.constant 0 : i32
      %dma_start3A_181 = tpu.memref_slice %arg7[%arg0, %mul3A_4, %dma_start3A_180] : memref<2x10000x128xf32, #tpu.memory_space<hbm>> -> memref<1x624x128xf32, #tpu.memory_space<hbm>>
      %dma_start3A_182 = tpu.memref_squeeze %dma_start3A_181 : memref<1x624x128xf32, #tpu.memory_space<hbm>> -> memref<624x128xf32, #tpu.memory_space<hbm>>
      %dma_start3A_183 = arith.constant 0 : i32
      %dma_start3A_184 = tpu.memref_slice %arg22[%mul3A_4, %dma_start3A_183] : memref<10000x128xf32, #tpu.memory_space<vmem_shared>> -> memref<624x128xf32, #tpu.memory_space<vmem_shared>>
      tpu.enqueue_dma source(%dma_start3A_184 : memref<624x128xf32, #tpu.memory_space<vmem_shared>>) target(%dma_start3A_182 : memref<624x128xf32, #tpu.memory_space<hbm>>) target_semaphore(%run_scoped3A : memref<!tpu.dma_semaphore, #tpu.memory_space<semaphore_mem>>)
      %dma_wait3A_185 = arith.constant 0 : i32
      %dma_wait3A_186 = tpu.memref_slice %arg7[%arg0, %mul3A_4, %dma_wait3A_185] : memref<2x10000x128xf32, #tpu.memory_space<hbm>> -> memref<1x624x128xf32, #tpu.memory_space<hbm>>
      %dma_wait3A_187 = tpu.memref_squeeze %dma_wait3A_186 : memref<1x624x128xf32, #tpu.memory_space<hbm>> -> memref<624x128xf32, #tpu.memory_space<hbm>>
      %dma_wait3A_188 = arith.constant 0 : i32
      %dma_wait3A_189 = tpu.memref_slice %arg22[%mul3A_4, %dma_wait3A_188] : memref<10000x128xf32, #tpu.memory_space<vmem_shared>> -> memref<624x128xf32, #tpu.memory_space<vmem_shared>>
      tpu.wait_dma2 semaphore(%run_scoped3A : memref<!tpu.dma_semaphore, #tpu.memory_space<semaphore_mem>>) src(%dma_wait3A_189 : memref<624x128xf32, #tpu.memory_space<vmem_shared>>) dst(%dma_wait3A_187 : memref<624x128xf32, #tpu.memory_space<hbm>>)
      tpu.yield
    }) : () -> ()
    "tpu.region"() ({
      %run_scoped3A = tpu.sem_alloc : memref<!tpu.dma_semaphore, #tpu.memory_space<semaphore_mem>>
      %dma_start3A_180 = arith.constant 0 : i32
      %dma_start3A_181 = tpu.memref_slice %arg22[%mul3A_4, %dma_start3A_180] : memref<10000x128xf32, #tpu.memory_space<vmem_shared>> -> memref<624x128xf32, #tpu.memory_space<vmem_shared>>
      %dma_start3A_182 = arith.constant 0 : i32
      %dma_start3A_183 = tpu.memref_slice %arg6[%mul3A_4, %dma_start3A_182] : memref<10000x128xf32, #tpu.memory_space<hbm>> -> memref<624x128xf32, #tpu.memory_space<hbm>>
      tpu.enqueue_dma source(%dma_start3A_183 : memref<624x128xf32, #tpu.memory_space<hbm>>) target(%dma_start3A_181 : memref<624x128xf32, #tpu.memory_space<vmem_shared>>) target_semaphore(%run_scoped3A : memref<!tpu.dma_semaphore, #tpu.memory_space<semaphore_mem>>)
      %dma_wait3A_184 = arith.constant 0 : i32
      %dma_wait3A_185 = tpu.memref_slice %arg22[%mul3A_4, %dma_wait3A_184] : memref<10000x128xf32, #tpu.memory_space<vmem_shared>> -> memref<624x128xf32, #tpu.memory_space<vmem_shared>>
      %dma_wait3A_186 = arith.constant 0 : i32
      %dma_wait3A_187 = tpu.memref_slice %arg6[%mul3A_4, %dma_wait3A_186] : memref<10000x128xf32, #tpu.memory_space<hbm>> -> memref<624x128xf32, #tpu.memory_space<hbm>>
      tpu.wait_dma2 semaphore(%run_scoped3A : memref<!tpu.dma_semaphore, #tpu.memory_space<semaphore_mem>>) src(%dma_wait3A_187 : memref<624x128xf32, #tpu.memory_space<hbm>>) dst(%dma_wait3A_185 : memref<624x128xf32, #tpu.memory_space<vmem_shared>>)
      tpu.yield
    }) : () -> ()
    %eq3A_123 = arith.constant 15 : i32
    %eq3A_124 = arith.cmpi eq, %arg1, %eq3A_123 : i32
    %convert_element_type3A_125 = arith.extui %eq3A_124 : i1 to i32
    %cond3A_126 = arith.constant 0 : i32
    %cond3A_127 = arith.cmpi ne, %convert_element_type3A_125, %cond3A_126 : i32
    scf.if %cond3A_127 {
      "tpu.region"() ({
        %run_scoped3A = tpu.sem_alloc : memref<!tpu.dma_semaphore, #tpu.memory_space<semaphore_mem>>
        %dma_start3A_180 = arith.constant 9984 : i32
        %dma_start3A_181 = arith.constant 0 : i32
        %dma_start3A_182 = tpu.memref_slice %arg7[%arg0, %dma_start3A_180, %dma_start3A_181] : memref<2x10000x128xf32, #tpu.memory_space<hbm>> -> memref<1x16x128xf32, #tpu.memory_space<hbm>>
        %dma_start3A_183 = tpu.memref_squeeze %dma_start3A_182 : memref<1x16x128xf32, #tpu.memory_space<hbm>> -> memref<16x128xf32, #tpu.memory_space<hbm>>
        %dma_start3A_184 = arith.constant 9984 : i32
        %dma_start3A_185 = arith.constant 0 : i32
        %dma_start3A_186 = tpu.memref_slice %arg22[%dma_start3A_184, %dma_start3A_185] : memref<10000x128xf32, #tpu.memory_space<vmem_shared>> -> memref<16x128xf32, #tpu.memory_space<vmem_shared>>
        tpu.enqueue_dma source(%dma_start3A_186 : memref<16x128xf32, #tpu.memory_space<vmem_shared>>) target(%dma_start3A_183 : memref<16x128xf32, #tpu.memory_space<hbm>>) target_semaphore(%run_scoped3A : memref<!tpu.dma_semaphore, #tpu.memory_space<semaphore_mem>>)
        %dma_wait3A_187 = arith.constant 9984 : i32
        %dma_wait3A_188 = arith.constant 0 : i32
        %dma_wait3A_189 = tpu.memref_slice %arg7[%arg0, %dma_wait3A_187, %dma_wait3A_188] : memref<2x10000x128xf32, #tpu.memory_space<hbm>> -> memref<1x16x128xf32, #tpu.memory_space<hbm>>
        %dma_wait3A_190 = tpu.memref_squeeze %dma_wait3A_189 : memref<1x16x128xf32, #tpu.memory_space<hbm>> -> memref<16x128xf32, #tpu.memory_space<hbm>>
        %dma_wait3A_191 = arith.constant 9984 : i32
        %dma_wait3A_192 = arith.constant 0 : i32
        %dma_wait3A_193 = tpu.memref_slice %arg22[%dma_wait3A_191, %dma_wait3A_192] : memref<10000x128xf32, #tpu.memory_space<vmem_shared>> -> memref<16x128xf32, #tpu.memory_space<vmem_shared>>
        tpu.wait_dma2 semaphore(%run_scoped3A : memref<!tpu.dma_semaphore, #tpu.memory_space<semaphore_mem>>) src(%dma_wait3A_193 : memref<16x128xf32, #tpu.memory_space<vmem_shared>>) dst(%dma_wait3A_190 : memref<16x128xf32, #tpu.memory_space<hbm>>)
        tpu.yield
      }) : () -> ()
      "tpu.region"() ({
        %run_scoped3A = tpu.sem_alloc : memref<!tpu.dma_semaphore, #tpu.memory_space<semaphore_mem>>
        %dma_start3A_180 = arith.constant 9984 : i32
        %dma_start3A_181 = arith.constant 0 : i32
        %dma_start3A_182 = tpu.memref_slice %arg22[%dma_start3A_180, %dma_start3A_181] : memref<10000x128xf32, #tpu.memory_space<vmem_shared>> -> memref<16x128xf32, #tpu.memory_space<vmem_shared>>
        %dma_start3A_183 = arith.constant 9984 : i32
        %dma_start3A_184 = arith.constant 0 : i32
        %dma_start3A_185 = tpu.memref_slice %arg6[%dma_start3A_183, %dma_start3A_184] : memref<10000x128xf32, #tpu.memory_space<hbm>> -> memref<16x128xf32, #tpu.memory_space<hbm>>
        tpu.enqueue_dma source(%dma_start3A_185 : memref<16x128xf32, #tpu.memory_space<hbm>>) target(%dma_start3A_182 : memref<16x128xf32, #tpu.memory_space<vmem_shared>>) target_semaphore(%run_scoped3A : memref<!tpu.dma_semaphore, #tpu.memory_space<semaphore_mem>>)
        %dma_wait3A_186 = arith.constant 9984 : i32
        %dma_wait3A_187 = arith.constant 0 : i32
        %dma_wait3A_188 = tpu.memref_slice %arg22[%dma_wait3A_186, %dma_wait3A_187] : memref<10000x128xf32, #tpu.memory_space<vmem_shared>> -> memref<16x128xf32, #tpu.memory_space<vmem_shared>>
        %dma_wait3A_189 = arith.constant 9984 : i32
        %dma_wait3A_190 = arith.constant 0 : i32
        %dma_wait3A_191 = tpu.memref_slice %arg6[%dma_wait3A_189, %dma_wait3A_190] : memref<10000x128xf32, #tpu.memory_space<hbm>> -> memref<16x128xf32, #tpu.memory_space<hbm>>
        tpu.wait_dma2 semaphore(%run_scoped3A : memref<!tpu.dma_semaphore, #tpu.memory_space<semaphore_mem>>) src(%dma_wait3A_191 : memref<16x128xf32, #tpu.memory_space<hbm>>) dst(%dma_wait3A_188 : memref<16x128xf32, #tpu.memory_space<vmem_shared>>)
        tpu.yield
      }) : () -> ()
    } else {
    }
    %broadcast_in_dim3A = arith.constant 1.000000e+00 : f32
    %broadcast_in_dim3A_128 = vector.broadcast %broadcast_in_dim3A : f32 to vector<16xf32>
    %scan3A_129 = arith.constant 0 : i32
    %scan3A_130 = arith.constant 0 : i32
    %scan3A_131 = arith.constant 72 : i32
    %scan3A_132 = arith.addi %scan3A_130, %scan3A_131 : i32
    %scan3A_133 = arith.constant 1 : i32
    %scan3A_134 = scf.for %scan3A_180 = %scan3A_130 to %scan3A_132 step %scan3A_133 iter_args(%scan3A_181 = %scan3A_129) -> (i32)  : i32 {
      %swap3A = arith.index_cast %scan3A_180 : i32 to index
      %swap3A_182 = arith.constant 0 : index
      %swap3A_183 = tpu.vector_load %arg15[%swap3A, %swap3A_182] {strides = array<i32>} : memref<72x128xf32, #tpu.memory_space<vmem>>, vector<1x16xf32>,
      %swap3A_184 = vector.shape_cast %swap3A_183 : vector<1x16xf32> to vector<16xf32>
      %swap3A_185 = vector.shape_cast %broadcast_in_dim3A_128 : vector<16xf32> to vector<1x16xf32>
      tpu.vector_store %arg15[%swap3A, %swap3A_182], %swap3A_185 {strides = array<i32>} : memref<72x128xf32, #tpu.memory_space<vmem>>, vector<1x16xf32>,
      %swap3A_186 = arith.index_cast %scan3A_180 : i32 to index
      %swap3A_187 = arith.constant 16 : index
      %swap3A_188 = tpu.vector_load %arg15[%swap3A_186, %swap3A_187] {strides = array<i32>} : memref<72x128xf32, #tpu.memory_space<vmem>>, vector<1x16xf32>,
      %swap3A_189 = vector.shape_cast %swap3A_188 : vector<1x16xf32> to vector<16xf32>
      %swap3A_190 = vector.shape_cast %broadcast_in_dim3A_128 : vector<16xf32> to vector<1x16xf32>
      tpu.vector_store %arg15[%swap3A_186, %swap3A_187], %swap3A_190 {strides = array<i32>} : memref<72x128xf32, #tpu.memory_space<vmem>>, vector<1x16xf32>,
      %swap3A_191 = arith.index_cast %scan3A_180 : i32 to index
      %swap3A_192 = arith.constant 32 : index
      %swap3A_193 = tpu.vector_load %arg15[%swap3A_191, %swap3A_192] {strides = array<i32>} : memref<72x128xf32, #tpu.memory_space<vmem>>, vector<1x16xf32>,
      %swap3A_194 = vector.shape_cast %swap3A_193 : vector<1x16xf32> to vector<16xf32>
      %swap3A_195 = vector.shape_cast %broadcast_in_dim3A_128 : vector<16xf32> to vector<1x16xf32>
      tpu.vector_store %arg15[%swap3A_191, %swap3A_192], %swap3A_195 {strides = array<i32>} : memref<72x128xf32, #tpu.memory_space<vmem>>, vector<1x16xf32>,
      %swap3A_196 = arith.index_cast %scan3A_180 : i32 to index
      %swap3A_197 = arith.constant 48 : index
      %swap3A_198 = tpu.vector_load %arg15[%swap3A_196, %swap3A_197] {strides = array<i32>} : memref<72x128xf32, #tpu.memory_space<vmem>>, vector<1x16xf32>,
      %swap3A_199 = vector.shape_cast %swap3A_198 : vector<1x16xf32> to vector<16xf32>
      %swap3A_200 = vector.shape_cast %broadcast_in_dim3A_128 : vector<16xf32> to vector<1x16xf32>
      tpu.vector_store %arg15[%swap3A_196, %swap3A_197], %swap3A_200 {strides = array<i32>} : memref<72x128xf32, #tpu.memory_space<vmem>>, vector<1x16xf32>,
      %swap3A_201 = arith.index_cast %scan3A_180 : i32 to index
      %swap3A_202 = arith.constant 64 : index
      %swap3A_203 = tpu.vector_load %arg15[%swap3A_201, %swap3A_202] {strides = array<i32>} : memref<72x128xf32, #tpu.memory_space<vmem>>, vector<1x16xf32>,
      %swap3A_204 = vector.shape_cast %swap3A_203 : vector<1x16xf32> to vector<16xf32>
      %swap3A_205 = vector.shape_cast %broadcast_in_dim3A_128 : vector<16xf32> to vector<1x16xf32>
      tpu.vector_store %arg15[%swap3A_201, %swap3A_202], %swap3A_205 {strides = array<i32>} : memref<72x128xf32, #tpu.memory_space<vmem>>, vector<1x16xf32>,
      %swap3A_206 = arith.index_cast %scan3A_180 : i32 to index
      %swap3A_207 = arith.constant 80 : index
      %swap3A_208 = tpu.vector_load %arg15[%swap3A_206, %swap3A_207] {strides = array<i32>} : memref<72x128xf32, #tpu.memory_space<vmem>>, vector<1x16xf32>,
      %swap3A_209 = vector.shape_cast %swap3A_208 : vector<1x16xf32> to vector<16xf32>
      %swap3A_210 = vector.shape_cast %broadcast_in_dim3A_128 : vector<16xf32> to vector<1x16xf32>
      tpu.vector_store %arg15[%swap3A_206, %swap3A_207], %swap3A_210 {strides = array<i32>} : memref<72x128xf32, #tpu.memory_space<vmem>>, vector<1x16xf32>,
      %swap3A_211 = arith.index_cast %scan3A_180 : i32 to index
      %swap3A_212 = arith.constant 96 : index
      %swap3A_213 = tpu.vector_load %arg15[%swap3A_211, %swap3A_212] {strides = array<i32>} : memref<72x128xf32, #tpu.memory_space<vmem>>, vector<1x16xf32>,
      %swap3A_214 = vector.shape_cast %swap3A_213 : vector<1x16xf32> to vector<16xf32>
      %swap3A_215 = vector.shape_cast %broadcast_in_dim3A_128 : vector<16xf32> to vector<1x16xf32>
      tpu.vector_store %arg15[%swap3A_211, %swap3A_212], %swap3A_215 {strides = array<i32>} : memref<72x128xf32, #tpu.memory_space<vmem>>, vector<1x16xf32>,
      %swap3A_216 = arith.index_cast %scan3A_180 : i32 to index
      %swap3A_217 = arith.constant 112 : index
      %swap3A_218 = tpu.vector_load %arg15[%swap3A_216, %swap3A_217] {strides = array<i32>} : memref<72x128xf32, #tpu.memory_space<vmem>>, vector<1x16xf32>,
      %swap3A_219 = vector.shape_cast %swap3A_218 : vector<1x16xf32> to vector<16xf32>
      %swap3A_220 = vector.shape_cast %broadcast_in_dim3A_128 : vector<16xf32> to vector<1x16xf32>
      tpu.vector_store %arg15[%swap3A_216, %swap3A_217], %swap3A_220 {strides = array<i32>} : memref<72x128xf32, #tpu.memory_space<vmem>>, vector<1x16xf32>,
      %scan3A_221 = arith.constant 0 : i32
      scf.yield %scan3A_221 : i32
    }
    %scan3A_135 = arith.constant 72 : i32
    %barrier3A_136 = arith.constant 0 : index
    tpu.barrier barrier_id(%barrier3A_136)
    %add3A_137 = arith.constant 0 : i32
    %add3A_138 = arith.addi %mul3A_2, %add3A_137 : i32
    %dma_start3A_139 = tpu.memref_slice %arg5[%add3A_138] : memref<320000xi32, #tpu.memory_space<hbm>> -> memref<72xi32, #tpu.memory_space<hbm>>
    %dma_start3A_140 = tpu.memref_slice %arg5[%add3A_138] : memref<320000xi32, #tpu.memory_space<hbm>> -> memref<72xi32, #tpu.memory_space<hbm>>
    tpu.enqueue_dma source(%dma_start3A_140 : memref<72xi32, #tpu.memory_space<hbm>>) target(%arg10 : memref<72xi32, #tpu.memory_space<vmem>>) target_semaphore(%arg19 : memref<!tpu.dma_semaphore, #tpu.memory_space<semaphore_mem>>)
    %add3A_141 = arith.constant 72 : i32
    %add3A_142 = arith.addi %mul3A_2, %add3A_141 : i32
    %dma_start3A_143 = tpu.memref_slice %arg5[%add3A_142] : memref<320000xi32, #tpu.memory_space<hbm>> -> memref<72xi32, #tpu.memory_space<hbm>>
    %dma_start3A_144 = tpu.memref_slice %arg5[%add3A_142] : memref<320000xi32, #tpu.memory_space<hbm>> -> memref<72xi32, #tpu.memory_space<hbm>>
    tpu.enqueue_dma source(%dma_start3A_144 : memref<72xi32, #tpu.memory_space<hbm>>) target(%arg11 : memref<72xi32, #tpu.memory_space<vmem>>) target_semaphore(%arg20 : memref<!tpu.dma_semaphore, #tpu.memory_space<semaphore_mem>>)
    %scan3A_145 = arith.constant 0 : i32
    %scan3A_146 = arith.constant 0 : i32
    %scan3A_147 = arith.constant 68 : i32
    %scan3A_148 = arith.addi %scan3A_146, %scan3A_147 : i32
    %scan3A_149 = arith.constant 1 : i32
    %scan3A_150 = scf.for %scan3A_180 = %scan3A_146 to %scan3A_148 step %scan3A_149 iter_args(%scan3A_181 = %scan3A_145) -> (i32)  : i32 {
      %mul3A_182 = arith.constant 2 : i32
      %mul3A_183 = arith.muli %mul3A_182, %scan3A_180 : i32
      %mul3A_184 = arith.constant 72 : i32
      %mul3A_185 = arith.muli %mul3A_183, %mul3A_184 : i32
      %add3A_186 = arith.addi %mul3A_2, %mul3A_185 : i32
      %dma_wait3A_187 = tpu.memref_slice %arg5[%add3A_186] : memref<320000xi32, #tpu.memory_space<hbm>> -> memref<72xi32, #tpu.memory_space<hbm>>
      %dma_wait3A_188 = tpu.memref_slice %arg5[%add3A_186] : memref<320000xi32, #tpu.memory_space<hbm>> -> memref<72xi32, #tpu.memory_space<hbm>>
      tpu.wait_dma2 semaphore(%arg19 : memref<!tpu.dma_semaphore, #tpu.memory_space<semaphore_mem>>) src(%dma_wait3A_188 : memref<72xi32, #tpu.memory_space<hbm>>) dst(%arg10 : memref<72xi32, #tpu.memory_space<vmem>>)
      %dma_start3A_189 = arith.constant 0 : i32
      %dma_start3A_190 = arith.constant 0 : i32
      %dma_start3A_191 = tpu.memref_slice %arg22[%dma_start3A_189, %dma_start3A_190] : memref<10000x128xf32, #tpu.memory_space<vmem_shared>> -> memref<10000x128xf32, #tpu.memory_space<vmem_shared>>
      tpu.enqueue_indirect_dma source(%arg15 : memref<72x128xf32, #tpu.memory_space<vmem>>) target(%dma_start3A_191 : memref<10000x128xf32, #tpu.memory_space<vmem_shared>>) offsets(%arg10 : memref<72xi32, #tpu.memory_space<vmem>>) semaphore(%arg17 : memref<!tpu.dma_semaphore, #tpu.memory_space<semaphore_mem>>) {add = true}
      %dma_wait3A_192 = arith.constant 0 : i32
      %dma_wait3A_193 = arith.constant 0 : i32
      %dma_wait3A_194 = tpu.memref_slice %arg22[%dma_wait3A_192, %dma_wait3A_193] : memref<10000x128xf32, #tpu.memory_space<vmem_shared>> -> memref<10000x128xf32, #tpu.memory_space<vmem_shared>>
      tpu.wait_indirect_dma semaphore(%arg17 : memref<!tpu.dma_semaphore, #tpu.memory_space<semaphore_mem>>) src(%arg15 : memref<72x128xf32, #tpu.memory_space<vmem>>) dst(%dma_wait3A_194 : memref<10000x128xf32, #tpu.memory_space<vmem_shared>>)
      %add3A_195 = arith.constant 2 : i32
      %add3A_196 = arith.addi %mul3A_183, %add3A_195 : i32
      %mul3A_197 = arith.constant 72 : i32
      %mul3A_198 = arith.muli %add3A_196, %mul3A_197 : i32
      %add3A_199 = arith.addi %mul3A_2, %mul3A_198 : i32
      %dma_start3A_200 = tpu.memref_slice %arg5[%add3A_199] : memref<320000xi32, #tpu.memory_space<hbm>> -> memref<72xi32, #tpu.memory_space<hbm>>
      %dma_start3A_201 = tpu.memref_slice %arg5[%add3A_199] : memref<320000xi32, #tpu.memory_space<hbm>> -> memref<72xi32, #tpu.memory_space<hbm>>
      tpu.enqueue_dma source(%dma_start3A_201 : memref<72xi32, #tpu.memory_space<hbm>>) target(%arg10 : memref<72xi32, #tpu.memory_space<vmem>>) target_semaphore(%arg19 : memref<!tpu.dma_semaphore, #tpu.memory_space<semaphore_mem>>)
      %add3A_202 = arith.constant 1 : i32
      %add3A_203 = arith.addi %mul3A_183, %add3A_202 : i32
      %mul3A_204 = arith.constant 72 : i32
      %mul3A_205 = arith.muli %add3A_203, %mul3A_204 : i32
      %add3A_206 = arith.addi %mul3A_2, %mul3A_205 : i32
      %dma_wait3A_207 = tpu.memref_slice %arg5[%add3A_206] : memref<320000xi32, #tpu.memory_space<hbm>> -> memref<72xi32, #tpu.memory_space<hbm>>
      %dma_wait3A_208 = tpu.memref_slice %arg5[%add3A_206] : memref<320000xi32, #tpu.memory_space<hbm>> -> memref<72xi32, #tpu.memory_space<hbm>>
      tpu.wait_dma2 semaphore(%arg20 : memref<!tpu.dma_semaphore, #tpu.memory_space<semaphore_mem>>) src(%dma_wait3A_208 : memref<72xi32, #tpu.memory_space<hbm>>) dst(%arg11 : memref<72xi32, #tpu.memory_space<vmem>>)
      %dma_start3A_209 = arith.constant 0 : i32
      %dma_start3A_210 = arith.constant 0 : i32
      %dma_start3A_211 = tpu.memref_slice %arg22[%dma_start3A_209, %dma_start3A_210] : memref<10000x128xf32, #tpu.memory_space<vmem_shared>> -> memref<10000x128xf32, #tpu.memory_space<vmem_shared>>
      tpu.enqueue_indirect_dma source(%arg15 : memref<72x128xf32, #tpu.memory_space<vmem>>) target(%dma_start3A_211 : memref<10000x128xf32, #tpu.memory_space<vmem_shared>>) offsets(%arg11 : memref<72xi32, #tpu.memory_space<vmem>>) semaphore(%arg18 : memref<!tpu.dma_semaphore, #tpu.memory_space<semaphore_mem>>) {add = true}
      %dma_wait3A_212 = arith.constant 0 : i32
      %dma_wait3A_213 = arith.constant 0 : i32
      %dma_wait3A_214 = tpu.memref_slice %arg22[%dma_wait3A_212, %dma_wait3A_213] : memref<10000x128xf32, #tpu.memory_space<vmem_shared>> -> memref<10000x128xf32, #tpu.memory_space<vmem_shared>>
      tpu.wait_indirect_dma semaphore(%arg18 : memref<!tpu.dma_semaphore, #tpu.memory_space<semaphore_mem>>) src(%arg15 : memref<72x128xf32, #tpu.memory_space<vmem>>) dst(%dma_wait3A_214 : memref<10000x128xf32, #tpu.memory_space<vmem_shared>>)
      %add3A_215 = arith.constant 2 : i32
      %add3A_216 = arith.addi %add3A_203, %add3A_215 : i32
      %mul3A_217 = arith.constant 72 : i32
      %mul3A_218 = arith.muli %add3A_216, %mul3A_217 : i32
      %add3A_219 = arith.addi %mul3A_2, %mul3A_218 : i32
      %dma_start3A_220 = tpu.memref_slice %arg5[%add3A_219] : memref<320000xi32, #tpu.memory_space<hbm>> -> memref<72xi32, #tpu.memory_space<hbm>>
      %dma_start3A_221 = tpu.memref_slice %arg5[%add3A_219] : memref<320000xi32, #tpu.memory_space<hbm>> -> memref<72xi32, #tpu.memory_space<hbm>>
      tpu.enqueue_dma source(%dma_start3A_221 : memref<72xi32, #tpu.memory_space<hbm>>) target(%arg11 : memref<72xi32, #tpu.memory_space<vmem>>) target_semaphore(%arg20 : memref<!tpu.dma_semaphore, #tpu.memory_space<semaphore_mem>>)
      %scan3A_222 = arith.constant 0 : i32
      scf.yield %scan3A_222 : i32
    }
    %scan3A_151 = arith.constant 68 : i32
    %add3A_152 = arith.constant 9792 : i32
    %add3A_153 = arith.addi %mul3A_2, %add3A_152 : i32
    %dma_wait3A_154 = tpu.memref_slice %arg5[%add3A_153] : memref<320000xi32, #tpu.memory_space<hbm>> -> memref<72xi32, #tpu.memory_space<hbm>>
    %dma_wait3A_155 = tpu.memref_slice %arg5[%add3A_153] : memref<320000xi32, #tpu.memory_space<hbm>> -> memref<72xi32, #tpu.memory_space<hbm>>
    tpu.wait_dma2 semaphore(%arg19 : memref<!tpu.dma_semaphore, #tpu.memory_space<semaphore_mem>>) src(%dma_wait3A_155 : memref<72xi32, #tpu.memory_space<hbm>>) dst(%arg10 : memref<72xi32, #tpu.memory_space<vmem>>)
    %dma_start3A_156 = arith.constant 0 : i32
    %dma_start3A_157 = arith.constant 0 : i32
    %dma_start3A_158 = tpu.memref_slice %arg22[%dma_start3A_156, %dma_start3A_157] : memref<10000x128xf32, #tpu.memory_space<vmem_shared>> -> memref<10000x128xf32, #tpu.memory_space<vmem_shared>>
    tpu.enqueue_indirect_dma source(%arg15 : memref<72x128xf32, #tpu.memory_space<vmem>>) target(%dma_start3A_158 : memref<10000x128xf32, #tpu.memory_space<vmem_shared>>) offsets(%arg10 : memref<72xi32, #tpu.memory_space<vmem>>) semaphore(%arg17 : memref<!tpu.dma_semaphore, #tpu.memory_space<semaphore_mem>>) {add = true}
    %dma_wait3A_159 = arith.constant 0 : i32
    %dma_wait3A_160 = arith.constant 0 : i32
    %dma_wait3A_161 = tpu.memref_slice %arg22[%dma_wait3A_159, %dma_wait3A_160] : memref<10000x128xf32, #tpu.memory_space<vmem_shared>> -> memref<10000x128xf32, #tpu.memory_space<vmem_shared>>
    tpu.wait_indirect_dma semaphore(%arg17 : memref<!tpu.dma_semaphore, #tpu.memory_space<semaphore_mem>>) src(%arg15 : memref<72x128xf32, #tpu.memory_space<vmem>>) dst(%dma_wait3A_161 : memref<10000x128xf32, #tpu.memory_space<vmem_shared>>)
    %add3A_162 = arith.constant 9864 : i32
    %add3A_163 = arith.addi %mul3A_2, %add3A_162 : i32
    %dma_wait3A_164 = tpu.memref_slice %arg5[%add3A_163] : memref<320000xi32, #tpu.memory_space<hbm>> -> memref<72xi32, #tpu.memory_space<hbm>>
    %dma_wait3A_165 = tpu.memref_slice %arg5[%add3A_163] : memref<320000xi32, #tpu.memory_space<hbm>> -> memref<72xi32, #tpu.memory_space<hbm>>
    tpu.wait_dma2 semaphore(%arg20 : memref<!tpu.dma_semaphore, #tpu.memory_space<semaphore_mem>>) src(%dma_wait3A_165 : memref<72xi32, #tpu.memory_space<hbm>>) dst(%arg11 : memref<72xi32, #tpu.memory_space<vmem>>)
    %dma_start3A_166 = arith.constant 0 : i32
    %dma_start3A_167 = arith.constant 0 : i32
    %dma_start3A_168 = tpu.memref_slice %arg22[%dma_start3A_166, %dma_start3A_167] : memref<10000x128xf32, #tpu.memory_space<vmem_shared>> -> memref<10000x128xf32, #tpu.memory_space<vmem_shared>>
    tpu.enqueue_indirect_dma source(%arg15 : memref<72x128xf32, #tpu.memory_space<vmem>>) target(%dma_start3A_168 : memref<10000x128xf32, #tpu.memory_space<vmem_shared>>) offsets(%arg11 : memref<72xi32, #tpu.memory_space<vmem>>) semaphore(%arg18 : memref<!tpu.dma_semaphore, #tpu.memory_space<semaphore_mem>>) {add = true}
    %dma_wait3A_169 = arith.constant 0 : i32
    %dma_wait3A_170 = arith.constant 0 : i32
    %dma_wait3A_171 = tpu.memref_slice %arg22[%dma_wait3A_169, %dma_wait3A_170] : memref<10000x128xf32, #tpu.memory_space<vmem_shared>> -> memref<10000x128xf32, #tpu.memory_space<vmem_shared>>
    tpu.wait_indirect_dma semaphore(%arg18 : memref<!tpu.dma_semaphore, #tpu.memory_space<semaphore_mem>>) src(%arg15 : memref<72x128xf32, #tpu.memory_space<vmem>>) dst(%dma_wait3A_171 : memref<10000x128xf32, #tpu.memory_space<vmem_shared>>)
    %add3A_172 = arith.constant 9936 : i32
    %add3A_173 = arith.addi %mul3A_2, %add3A_172 : i32
    "tpu.region"() ({
      %run_scoped3A = tpu.sem_alloc : memref<!tpu.dma_semaphore, #tpu.memory_space<semaphore_mem>>
      %dma_start3A_180 = tpu.memref_slice %arg5[%add3A_173] : memref<320000xi32, #tpu.memory_space<hbm>> -> memref<64xi32, #tpu.memory_space<hbm>>
      %dma_start3A_181 = tpu.memref_slice %arg5[%add3A_173] : memref<320000xi32, #tpu.memory_space<hbm>> -> memref<64xi32, #tpu.memory_space<hbm>>
      tpu.enqueue_dma source(%dma_start3A_181 : memref<64xi32, #tpu.memory_space<hbm>>) target(%arg12 : memref<64xi32, #tpu.memory_space<vmem>>) target_semaphore(%run_scoped3A : memref<!tpu.dma_semaphore, #tpu.memory_space<semaphore_mem>>)
      %dma_wait3A_182 = tpu.memref_slice %arg5[%add3A_173] : memref<320000xi32, #tpu.memory_space<hbm>> -> memref<64xi32, #tpu.memory_space<hbm>>
      %dma_wait3A_183 = tpu.memref_slice %arg5[%add3A_173] : memref<320000xi32, #tpu.memory_space<hbm>> -> memref<64xi32, #tpu.memory_space<hbm>>
      tpu.wait_dma2 semaphore(%run_scoped3A : memref<!tpu.dma_semaphore, #tpu.memory_space<semaphore_mem>>) src(%dma_wait3A_183 : memref<64xi32, #tpu.memory_space<hbm>>) dst(%arg12 : memref<64xi32, #tpu.memory_space<vmem>>)
      tpu.yield
    }) : () -> ()
    "tpu.region"() ({
      %run_scoped3A = tpu.sem_alloc : memref<!tpu.dma_semaphore, #tpu.memory_space<semaphore_mem>>
      %dma_start3A_180 = arith.constant 0 : i32
      %dma_start3A_181 = arith.constant 0 : i32
      %dma_start3A_182 = tpu.memref_slice %arg15[%dma_start3A_180, %dma_start3A_181] : memref<72x128xf32, #tpu.memory_space<vmem>> -> memref<64x128xf32, #tpu.memory_space<vmem>>
      %dma_start3A_183 = arith.constant 0 : i32
      %dma_start3A_184 = arith.constant 0 : i32
      %dma_start3A_185 = tpu.memref_slice %arg22[%dma_start3A_183, %dma_start3A_184] : memref<10000x128xf32, #tpu.memory_space<vmem_shared>> -> memref<10000x128xf32, #tpu.memory_space<vmem_shared>>
      tpu.enqueue_indirect_dma source(%dma_start3A_182 : memref<64x128xf32, #tpu.memory_space<vmem>>) target(%dma_start3A_185 : memref<10000x128xf32, #tpu.memory_space<vmem_shared>>) offsets(%arg12 : memref<64xi32, #tpu.memory_space<vmem>>) semaphore(%run_scoped3A : memref<!tpu.dma_semaphore, #tpu.memory_space<semaphore_mem>>) {add = true}
      %dma_wait3A_186 = arith.constant 0 : i32
      %dma_wait3A_187 = arith.constant 0 : i32
      %dma_wait3A_188 = tpu.memref_slice %arg15[%dma_wait3A_186, %dma_wait3A_187] : memref<72x128xf32, #tpu.memory_space<vmem>> -> memref<64x128xf32, #tpu.memory_space<vmem>>
      %dma_wait3A_189 = arith.constant 0 : i32
      %dma_wait3A_190 = arith.constant 0 : i32
      %dma_wait3A_191 = tpu.memref_slice %arg22[%dma_wait3A_189, %dma_wait3A_190] : memref<10000x128xf32, #tpu.memory_space<vmem_shared>> -> memref<10000x128xf32, #tpu.memory_space<vmem_shared>>
      tpu.wait_indirect_dma semaphore(%run_scoped3A : memref<!tpu.dma_semaphore, #tpu.memory_space<semaphore_mem>>) src(%dma_wait3A_188 : memref<64x128xf32, #tpu.memory_space<vmem>>) dst(%dma_wait3A_191 : memref<10000x128xf32, #tpu.memory_space<vmem_shared>>)
      tpu.yield
    }) : () -> ()
    %barrier3A_174 = arith.constant 0 : index
    tpu.barrier barrier_id(%barrier3A_174)
    "tpu.region"() ({
      %run_scoped3A = tpu.sem_alloc : memref<!tpu.dma_semaphore, #tpu.memory_space<semaphore_mem>>
      %dma_start3A_180 = arith.constant 0 : i32
      %dma_start3A_181 = tpu.memref_slice %arg8[%arg0, %mul3A_4, %dma_start3A_180] : memref<2x10000x128xf32, #tpu.memory_space<hbm>> -> memref<1x624x128xf32, #tpu.memory_space<hbm>>
      %dma_start3A_182 = tpu.memref_squeeze %dma_start3A_181 : memref<1x624x128xf32, #tpu.memory_space<hbm>> -> memref<624x128xf32, #tpu.memory_space<hbm>>
      %dma_start3A_183 = arith.constant 0 : i32
      %dma_start3A_184 = tpu.memref_slice %arg22[%mul3A_4, %dma_start3A_183] : memref<10000x128xf32, #tpu.memory_space<vmem_shared>> -> memref<624x128xf32, #tpu.memory_space<vmem_shared>>
      tpu.enqueue_dma source(%dma_start3A_184 : memref<624x128xf32, #tpu.memory_space<vmem_shared>>) target(%dma_start3A_182 : memref<624x128xf32, #tpu.memory_space<hbm>>) target_semaphore(%run_scoped3A : memref<!tpu.dma_semaphore, #tpu.memory_space<semaphore_mem>>)
      %dma_wait3A_185 = arith.constant 0 : i32
      %dma_wait3A_186 = tpu.memref_slice %arg8[%arg0, %mul3A_4, %dma_wait3A_185] : memref<2x10000x128xf32, #tpu.memory_space<hbm>> -> memref<1x624x128xf32, #tpu.memory_space<hbm>>
      %dma_wait3A_187 = tpu.memref_squeeze %dma_wait3A_186 : memref<1x624x128xf32, #tpu.memory_space<hbm>> -> memref<624x128xf32, #tpu.memory_space<hbm>>
      %dma_wait3A_188 = arith.constant 0 : i32
      %dma_wait3A_189 = tpu.memref_slice %arg22[%mul3A_4, %dma_wait3A_188] : memref<10000x128xf32, #tpu.memory_space<vmem_shared>> -> memref<624x128xf32, #tpu.memory_space<vmem_shared>>
      tpu.wait_dma2 semaphore(%run_scoped3A : memref<!tpu.dma_semaphore, #tpu.memory_space<semaphore_mem>>) src(%dma_wait3A_189 : memref<624x128xf32, #tpu.memory_space<vmem_shared>>) dst(%dma_wait3A_187 : memref<624x128xf32, #tpu.memory_space<hbm>>)
      tpu.yield
    }) : () -> ()
    %eq3A_175 = arith.constant 15 : i32
    %eq3A_176 = arith.cmpi eq, %arg1, %eq3A_175 : i32
    %convert_element_type3A_177 = arith.extui %eq3A_176 : i1 to i32
    %cond3A_178 = arith.constant 0 : i32
    %cond3A_179 = arith.cmpi ne, %convert_element_type3A_177, %cond3A_178 : i32
    scf.if %cond3A_179 {
      "tpu.region"() ({
        %run_scoped3A = tpu.sem_alloc : memref<!tpu.dma_semaphore, #tpu.memory_space<semaphore_mem>>
        %dma_start3A_180 = arith.constant 9984 : i32
        %dma_start3A_181 = arith.constant 0 : i32
        %dma_start3A_182 = tpu.memref_slice %arg8[%arg0, %dma_start3A_180, %dma_start3A_181] : memref<2x10000x128xf32, #tpu.memory_space<hbm>> -> memref<1x16x128xf32, #tpu.memory_space<hbm>>
        %dma_start3A_183 = tpu.memref_squeeze %dma_start3A_182 : memref<1x16x128xf32, #tpu.memory_space<hbm>> -> memref<16x128xf32, #tpu.memory_space<hbm>>
        %dma_start3A_184 = arith.constant 9984 : i32
        %dma_start3A_185 = arith.constant 0 : i32
        %dma_start3A_186 = tpu.memref_slice %arg22[%dma_start3A_184, %dma_start3A_185] : memref<10000x128xf32, #tpu.memory_space<vmem_shared>> -> memref<16x128xf32, #tpu.memory_space<vmem_shared>>
        tpu.enqueue_dma source(%dma_start3A_186 : memref<16x128xf32, #tpu.memory_space<vmem_shared>>) target(%dma_start3A_183 : memref<16x128xf32, #tpu.memory_space<hbm>>) target_semaphore(%run_scoped3A : memref<!tpu.dma_semaphore, #tpu.memory_space<semaphore_mem>>)
        %dma_wait3A_187 = arith.constant 9984 : i32
        %dma_wait3A_188 = arith.constant 0 : i32
        %dma_wait3A_189 = tpu.memref_slice %arg8[%arg0, %dma_wait3A_187, %dma_wait3A_188] : memref<2x10000x128xf32, #tpu.memory_space<hbm>> -> memref<1x16x128xf32, #tpu.memory_space<hbm>>
        %dma_wait3A_190 = tpu.memref_squeeze %dma_wait3A_189 : memref<1x16x128xf32, #tpu.memory_space<hbm>> -> memref<16x128xf32, #tpu.memory_space<hbm>>
        %dma_wait3A_191 = arith.constant 9984 : i32
        %dma_wait3A_192 = arith.constant 0 : i32
        %dma_wait3A_193 = tpu.memref_slice %arg22[%dma_wait3A_191, %dma_wait3A_192] : memref<10000x128xf32, #tpu.memory_space<vmem_shared>> -> memref<16x128xf32, #tpu.memory_space<vmem_shared>>
        tpu.wait_dma2 semaphore(%run_scoped3A : memref<!tpu.dma_semaphore, #tpu.memory_space<semaphore_mem>>) src(%dma_wait3A_193 : memref<16x128xf32, #tpu.memory_space<vmem_shared>>) dst(%dma_wait3A_190 : memref<16x128xf32, #tpu.memory_space<hbm>>)
        tpu.yield
      }) : () -> ()
    } else {
    }
    return
  }
}

module attributes {stable_mosaic.version = 14 : i64} {
  func.func @body(%arg0: i32, %arg1: memref<4000x16xf32, #tpu.memory_space<vmem>>, %arg2: memref<16x128xf32, #tpu.memory_space<vmem>>, %arg3: memref<2000x128xf32, #tpu.memory_space<vmem>>, %arg4: memref<128x128xf32, #tpu.memory_space<vmem>>, %arg5: memref<1x128xf32, #tpu.memory_space<vmem>>, %arg6: memref<4000x128xf32, #tpu.memory_space<vmem>>, %arg7: memref<2000x128xf32, #tpu.memory_space<vmem>>) attributes {dimension_semantics = [#tpu.dimension_semantics<arbitrary>], iteration_bounds = array<i64: 85>, scalar_prefetch = 0 : i64, scratch_operands = 0 : i64, tpu.core_type = #tpu.core_type<tc>, window_params = [{transform_indices = @transform_0, window_bounds = array<i64: 4000, 16>}, {pipeline_mode = #tpu.pipeline_mode<synchronous>, transform_indices = @transform_1, window_bounds = array<i64: 16, 128>}, {transform_indices = @transform_2, window_bounds = array<i64: 2000, 128>}, {pipeline_mode = #tpu.pipeline_mode<synchronous>, transform_indices = @transform_3, window_bounds = array<i64: 128, 128>}, {pipeline_mode = #tpu.pipeline_mode<synchronous>, transform_indices = @transform_4, window_bounds = array<i64: 1, 128>}, {transform_indices = @transform_5, window_bounds = array<i64: 4000, 128>}, {transform_indices = @transform_6, window_bounds = array<i64: 2000, 128>}]} {
    %lt3A = arith.constant 80 : i32
    %lt3A_0 = arith.cmpi slt, %arg0, %lt3A : i32
    %convert_element_type3A = arith.extui %lt3A_0 : i1 to i32
    %cond3A = arith.constant 0 : i32
    %cond3A_1 = arith.cmpi ne, %convert_element_type3A, %cond3A : i32
    scf.if %cond3A_1 {
      %get3A = arith.constant 0 : index
      %get3A_6 = arith.constant 0 : index
      %get3A_7 = vector.load %arg1[%get3A, %get3A_6] : memref<4000x16xf32, #tpu.memory_space<vmem>>, vector<4000x16xf32>
      %get3A_8 = arith.constant 0 : index
      %get3A_9 = arith.constant 0 : index
      %get3A_10 = vector.load %arg2[%get3A_8, %get3A_9] : memref<16x128xf32, #tpu.memory_space<vmem>>, vector<16x128xf32>
      %dot_general3A = arith.constant dense<0.000000e+00> : vector<4000x128xf32>
      %dot_general3A_11 = tpu.matmul %get3A_7, %get3A_10, %dot_general3A {dimension_numbers = #tpu.dot_dimension_numbers<[1], [0], [0], [1], [0, 0, 1, 1], [], []>, transpose_lhs_hint = false} : vector<4000x16xf32>, vector<16x128xf32>, vector<4000x128xf32> -> vector<4000x128xf32>
      %swap3A = arith.constant 0 : index
      %swap3A_12 = arith.constant 0 : index
      %swap3A_13 = vector.load %arg6[%swap3A, %swap3A_12] : memref<4000x128xf32, #tpu.memory_space<vmem>>, vector<4000x128xf32>
      tpu.vector_store %arg6[%swap3A, %swap3A_12], %dot_general3A_11 {strides = array<i32>} : memref<4000x128xf32, #tpu.memory_space<vmem>>, vector<4000x128xf32>,
    } else {
    }
    %ge3A = arith.constant 80 : i32
    %ge3A_2 = arith.cmpi sge, %arg0, %ge3A : i32
    %convert_element_type3A_3 = arith.extui %ge3A_2 : i1 to i32
    %cond3A_4 = arith.constant 0 : i32
    %cond3A_5 = arith.cmpi ne, %convert_element_type3A_3, %cond3A_4 : i32
    scf.if %cond3A_5 {
      %get3A = arith.constant 0 : index
      %get3A_6 = arith.constant 0 : index
      %get3A_7 = vector.load %arg3[%get3A, %get3A_6] : memref<2000x128xf32, #tpu.memory_space<vmem>>, vector<2000x128xf32>
      %get3A_8 = arith.constant 0 : index
      %get3A_9 = arith.constant 0 : index
      %get3A_10 = vector.load %arg4[%get3A_8, %get3A_9] : memref<128x128xf32, #tpu.memory_space<vmem>>, vector<128x128xf32>
      %dot_general3A = arith.constant dense<0.000000e+00> : vector<2000x128xf32>
      %dot_general3A_11 = tpu.matmul %get3A_7, %get3A_10, %dot_general3A {dimension_numbers = #tpu.dot_dimension_numbers<[1], [0], [0], [1], [0, 0, 1, 1], [], []>, transpose_lhs_hint = false} : vector<2000x128xf32>, vector<128x128xf32>, vector<2000x128xf32> -> vector<2000x128xf32>
      %get3A_12 = arith.constant 0 : index
      %get3A_13 = arith.constant 0 : index
      %get3A_14 = vector.load %arg5[%get3A_12, %get3A_13] : memref<1x128xf32, #tpu.memory_space<vmem>>, vector<1x128xf32>
      %add3A = vector.broadcast %get3A_14 : vector<1x128xf32> to vector<2000x128xf32>
      %add3A_15 = arith.addf %dot_general3A_11, %add3A : vector<2000x128xf32>
      %swap3A = arith.constant 0 : index
      %swap3A_16 = arith.constant 0 : index
      %swap3A_17 = vector.load %arg7[%swap3A, %swap3A_16] : memref<2000x128xf32, #tpu.memory_space<vmem>>, vector<2000x128xf32>
      tpu.vector_store %arg7[%swap3A, %swap3A_16], %add3A_15 {strides = array<i32>} : memref<2000x128xf32, #tpu.memory_space<vmem>>, vector<2000x128xf32>,
    } else {
    }
    return
  }
  func.func @transform_0(%arg0: i32) -> (i32, i32) {
    %min3A = arith.constant 79 : i32
    %min3A_0 = arith.minsi %arg0, %min3A : i32
    %c0_i32 = arith.constant 0 : i32
    %c0_i32_1 = arith.constant 0 : i32
    return %min3A_0, %c0_i32 : i32, i32
  }
  func.func @transform_1(%arg0: i32) -> (i32, i32) {
    %c0_i32 = arith.constant 0 : i32
    %c0_i32_0 = arith.constant 0 : i32
    %c0_i32_1 = arith.constant 0 : i32
    return %c0_i32, %c0_i32_0 : i32, i32
  }
  func.func @transform_2(%arg0: i32) -> (i32, i32) {
    %sub3A = arith.constant 80 : i32
    %sub3A_0 = arith.subi %arg0, %sub3A : i32
    %max3A = arith.constant 0 : i32
    %max3A_1 = arith.maxsi %sub3A_0, %max3A : i32
    %c0_i32 = arith.constant 0 : i32
    %c0_i32_2 = arith.constant 0 : i32
    return %max3A_1, %c0_i32 : i32, i32
  }
  func.func @transform_3(%arg0: i32) -> (i32, i32) {
    %c0_i32 = arith.constant 0 : i32
    %c0_i32_0 = arith.constant 0 : i32
    %c0_i32_1 = arith.constant 0 : i32
    return %c0_i32, %c0_i32_0 : i32, i32
  }
  func.func @transform_4(%arg0: i32) -> (i32, i32) {
    %c0_i32 = arith.constant 0 : i32
    %c0_i32_0 = arith.constant 0 : i32
    %c0_i32_1 = arith.constant 0 : i32
    return %c0_i32, %c0_i32_0 : i32, i32
  }
  func.func @transform_5(%arg0: i32) -> (i32, i32) {
    %min3A = arith.constant 79 : i32
    %min3A_0 = arith.minsi %arg0, %min3A : i32
    %c0_i32 = arith.constant 0 : i32
    %c0_i32_1 = arith.constant 0 : i32
    return %min3A_0, %c0_i32 : i32, i32
  }
  func.func @transform_6(%arg0: i32) -> (i32, i32) {
    %sub3A = arith.constant 80 : i32
    %sub3A_0 = arith.subi %arg0, %sub3A : i32
    %max3A = arith.constant 0 : i32
    %max3A_1 = arith.maxsi %sub3A_0, %max3A : i32
    %c0_i32 = arith.constant 0 : i32
    %c0_i32_2 = arith.constant 0 : i32
    return %max3A_1, %c0_i32 : i32, i32
  }
}

module attributes {stable_mosaic.version = 14 : i64} {
  func.func @body(%arg0: i32, %arg1: memref<2000x128xf32, #tpu.memory_space<vmem>>, %arg2: memref<2x2000x128xf32, #tpu.memory_space<vmem>>, %arg3: memref<2x2000x128xf32, #tpu.memory_space<vmem>>, %arg4: memref<128x128xf32, #tpu.memory_space<vmem>>, %arg5: memref<1x128xf32, #tpu.memory_space<vmem>>, %arg6: memref<128x128xf32, #tpu.memory_space<vmem>>, %arg7: memref<1x128xf32, #tpu.memory_space<vmem>>, %arg8: memref<128x128xf32, #tpu.memory_space<vmem>>, %arg9: memref<1x128xf32, #tpu.memory_space<vmem>>, %arg10: memref<1x128xf32, #tpu.memory_space<vmem>>, %arg11: memref<1x128xf32, #tpu.memory_space<vmem>>, %arg12: memref<2000x128xf32, #tpu.memory_space<vmem>>) attributes {dimension_semantics = [#tpu.dimension_semantics<arbitrary>], iteration_bounds = array<i64: 5>, scalar_prefetch = 0 : i64, scratch_operands = 0 : i64, tpu.core_type = #tpu.core_type<tc>, window_params = [{transform_indices = @transform_0, window_bounds = array<i64: 2000, 128>}, {transform_indices = @transform_1, window_bounds = array<i64: 2, 2000, 128>}, {transform_indices = @transform_2, window_bounds = array<i64: 2, 2000, 128>}, {pipeline_mode = #tpu.pipeline_mode<synchronous>, transform_indices = @transform_3, window_bounds = array<i64: 128, 128>}, {pipeline_mode = #tpu.pipeline_mode<synchronous>, transform_indices = @transform_4, window_bounds = array<i64: 1, 128>}, {pipeline_mode = #tpu.pipeline_mode<synchronous>, transform_indices = @transform_5, window_bounds = array<i64: 128, 128>}, {pipeline_mode = #tpu.pipeline_mode<synchronous>, transform_indices = @transform_6, window_bounds = array<i64: 1, 128>}, {pipeline_mode = #tpu.pipeline_mode<synchronous>, transform_indices = @transform_7, window_bounds = array<i64: 128, 128>}, {pipeline_mode = #tpu.pipeline_mode<synchronous>, transform_indices = @transform_8, window_bounds = array<i64: 1, 128>}, {pipeline_mode = #tpu.pipeline_mode<synchronous>, transform_indices = @transform_9, window_bounds = array<i64: 1, 128>}, {pipeline_mode = #tpu.pipeline_mode<synchronous>, transform_indices = @transform_10, window_bounds = array<i64: 1, 128>}, {transform_indices = @transform_11, window_bounds = array<i64: 2000, 128>}]} {
    %get3A = arith.constant 0 : index
    %get3A_0 = arith.constant 0 : index
    %get3A_1 = vector.load %arg1[%get3A, %get3A_0] : memref<2000x128xf32, #tpu.memory_space<vmem>>, vector<2000x128xf32>
    %get3A_2 = arith.constant 0 : index
    %get3A_3 = arith.constant 0 : index
    %get3A_4 = arith.constant 0 : index
    %get3A_5 = vector.load %arg2[%get3A_2, %get3A_3, %get3A_4] : memref<2x2000x128xf32, #tpu.memory_space<vmem>>, vector<1x2000x128xf32>
    %get3A_6 = vector.shape_cast %get3A_5 : vector<1x2000x128xf32> to vector<2000x128xf32>
    %get3A_7 = arith.constant 1 : index
    %get3A_8 = arith.constant 0 : index
    %get3A_9 = arith.constant 0 : index
    %get3A_10 = vector.load %arg2[%get3A_7, %get3A_8, %get3A_9] : memref<2x2000x128xf32, #tpu.memory_space<vmem>>, vector<1x2000x128xf32>
    %get3A_11 = vector.shape_cast %get3A_10 : vector<1x2000x128xf32> to vector<2000x128xf32>
    %add3A = arith.addf %get3A_6, %get3A_11 : vector<2000x128xf32>
    %get3A_12 = arith.constant 0 : index
    %get3A_13 = arith.constant 0 : index
    %get3A_14 = arith.constant 0 : index
    %get3A_15 = vector.load %arg3[%get3A_12, %get3A_13, %get3A_14] : memref<2x2000x128xf32, #tpu.memory_space<vmem>>, vector<1x2000x128xf32>
    %get3A_16 = vector.shape_cast %get3A_15 : vector<1x2000x128xf32> to vector<2000x128xf32>
    %get3A_17 = arith.constant 1 : index
    %get3A_18 = arith.constant 0 : index
    %get3A_19 = arith.constant 0 : index
    %get3A_20 = vector.load %arg3[%get3A_17, %get3A_18, %get3A_19] : memref<2x2000x128xf32, #tpu.memory_space<vmem>>, vector<1x2000x128xf32>
    %get3A_21 = vector.shape_cast %get3A_20 : vector<1x2000x128xf32> to vector<2000x128xf32>
    %add3A_22 = arith.addf %get3A_16, %get3A_21 : vector<2000x128xf32>
    %slice3A = vector.extract_strided_slice %add3A_22 {offsets = [0, 0], sizes = [2000, 1], strides = [1, 1]} : vector<2000x128xf32> to vector<2000x1xf32>
    %get3A_23 = arith.constant 0 : index
    %get3A_24 = arith.constant 0 : index
    %get3A_25 = vector.load %arg4[%get3A_23, %get3A_24] : memref<128x128xf32, #tpu.memory_space<vmem>>, vector<128x128xf32>
    %get3A_26 = arith.constant 0 : index
    %get3A_27 = arith.constant 0 : index
    %get3A_28 = vector.load %arg8[%get3A_26, %get3A_27] : memref<128x128xf32, #tpu.memory_space<vmem>>, vector<128x128xf32>
    %dot_general3A = arith.constant dense<0.000000e+00> : vector<128x128xf32>
    %dot_general3A_29 = tpu.matmul %get3A_25, %get3A_28, %dot_general3A {dimension_numbers = #tpu.dot_dimension_numbers<[1], [0], [0], [1], [0, 0, 1, 1], [], []>, transpose_lhs_hint = false} : vector<128x128xf32>, vector<128x128xf32>, vector<128x128xf32> -> vector<128x128xf32>
    %get3A_30 = arith.constant 0 : index
    %get3A_31 = arith.constant 0 : index
    %get3A_32 = vector.load %arg5[%get3A_30, %get3A_31] : memref<1x128xf32, #tpu.memory_space<vmem>>, vector<1x128xf32>
    %get3A_33 = arith.constant 0 : index
    %get3A_34 = arith.constant 0 : index
    %get3A_35 = vector.load %arg8[%get3A_33, %get3A_34] : memref<128x128xf32, #tpu.memory_space<vmem>>, vector<128x128xf32>
    %dot_general3A_36 = arith.constant dense<0.000000e+00> : vector<1x128xf32>
    %dot_general3A_37 = tpu.matmul %get3A_32, %get3A_35, %dot_general3A_36 {dimension_numbers = #tpu.dot_dimension_numbers<[1], [0], [0], [1], [0, 0, 1, 1], [], []>, transpose_lhs_hint = false} : vector<1x128xf32>, vector<128x128xf32>, vector<1x128xf32> -> vector<1x128xf32>
    %dot_general3A_38 = arith.constant dense<0.000000e+00> : vector<2000x128xf32>
    %dot_general3A_39 = tpu.matmul %add3A, %dot_general3A_29, %dot_general3A_38 {dimension_numbers = #tpu.dot_dimension_numbers<[1], [0], [0], [1], [0, 0, 1, 1], [], []>, transpose_lhs_hint = false} : vector<2000x128xf32>, vector<128x128xf32>, vector<2000x128xf32> -> vector<2000x128xf32>
    %max3A = arith.constant 1.000000e+00 : f32
    %max3A_40 = vector.broadcast %max3A : f32 to vector<2000x1xf32>
    %max3A_41 = arith.maximumf %slice3A, %max3A_40 : vector<2000x1xf32>
    %div3A = vector.broadcast %max3A_41 : vector<2000x1xf32> to vector<2000x128xf32>
    %div3A_42 = arith.divf %dot_general3A_39, %div3A : vector<2000x128xf32>
    %gt3A = arith.constant 0.000000e+00 : f32
    %gt3A_43 = vector.broadcast %gt3A : f32 to vector<2000x1xf32>
    %gt3A_44 = arith.cmpf ogt, %slice3A, %gt3A_43 : vector<2000x1xf32>
    %jit3A = arith.constant 0.000000e+00 : f32
    %broadcast_in_dim3A = vector.shape_cast %gt3A_44 : vector<2000x1xi1> to vector<2000x1xi1>
    %broadcast_in_dim3A_45 = vector.broadcast %broadcast_in_dim3A : vector<2000x1xi1> to vector<2000x128xi1>
    %broadcast_in_dim3A_46 = vector.shape_cast %dot_general3A_37 : vector<1x128xf32> to vector<1x128xf32>
    %broadcast_in_dim3A_47 = vector.broadcast %broadcast_in_dim3A_46 : vector<1x128xf32> to vector<2000x128xf32>
    %broadcast_in_dim3A_48 = vector.broadcast %jit3A : f32 to vector<2000x128xf32>
    %select_n3A = arith.select %broadcast_in_dim3A_45, %broadcast_in_dim3A_47, %broadcast_in_dim3A_48 : vector<2000x128xi1>, vector<2000x128xf32>
    %add3A_49 = arith.addf %div3A_42, %select_n3A : vector<2000x128xf32>
    %get3A_50 = arith.constant 0 : index
    %get3A_51 = arith.constant 0 : index
    %get3A_52 = vector.load %arg9[%get3A_50, %get3A_51] : memref<1x128xf32, #tpu.memory_space<vmem>>, vector<1x128xf32>
    %add3A_53 = vector.broadcast %get3A_52 : vector<1x128xf32> to vector<2000x128xf32>
    %add3A_54 = arith.addf %add3A_49, %add3A_53 : vector<2000x128xf32>
    %get3A_55 = arith.constant 0 : index
    %get3A_56 = arith.constant 0 : index
    %get3A_57 = vector.load %arg6[%get3A_55, %get3A_56] : memref<128x128xf32, #tpu.memory_space<vmem>>, vector<128x128xf32>
    %dot_general3A_58 = arith.constant dense<0.000000e+00> : vector<2000x128xf32>
    %dot_general3A_59 = tpu.matmul %get3A_1, %get3A_57, %dot_general3A_58 {dimension_numbers = #tpu.dot_dimension_numbers<[1], [0], [0], [1], [0, 0, 1, 1], [], []>, transpose_lhs_hint = false} : vector<2000x128xf32>, vector<128x128xf32>, vector<2000x128xf32> -> vector<2000x128xf32>
    %get3A_60 = arith.constant 0 : index
    %get3A_61 = arith.constant 0 : index
    %get3A_62 = vector.load %arg7[%get3A_60, %get3A_61] : memref<1x128xf32, #tpu.memory_space<vmem>>, vector<1x128xf32>
    %add3A_63 = vector.broadcast %get3A_62 : vector<1x128xf32> to vector<2000x128xf32>
    %add3A_64 = arith.addf %dot_general3A_59, %add3A_63 : vector<2000x128xf32>
    %add3A_65 = arith.addf %add3A_64, %add3A_54 : vector<2000x128xf32>
    %mul3A = arith.constant 5.000000e-01 : f32
    %mul3A_66 = vector.broadcast %mul3A : f32 to vector<2000x128xf32>
    %mul3A_67 = arith.mulf %mul3A_66, %add3A_65 : vector<2000x128xf32>
    %mul3A_68 = arith.constant 0.707106769 : f32
    %mul3A_69 = vector.broadcast %mul3A_68 : f32 to vector<2000x128xf32>
    %mul3A_70 = arith.mulf %add3A_65, %mul3A_69 : vector<2000x128xf32>
    %erf3A = math.erf %mul3A_70 : vector<2000x128xf32>
    %add3A_71 = arith.constant 1.000000e+00 : f32
    %add3A_72 = vector.broadcast %add3A_71 : f32 to vector<2000x128xf32>
    %add3A_73 = arith.addf %add3A_72, %erf3A : vector<2000x128xf32>
    %mul3A_74 = arith.mulf %mul3A_67, %add3A_73 : vector<2000x128xf32>
    %add3A_75 = arith.addf %get3A_1, %mul3A_74 : vector<2000x128xf32>
    %reduce_sum3A = arith.constant dense<0.000000e+00> : vector<2000xf32>
    %reduce_sum3A_76 = vector.multi_reduction <add>, %add3A_75, %reduce_sum3A [1] : vector<2000x128xf32> to vector<2000xf32>
    %broadcast_in_dim3A_77 = vector.shape_cast %reduce_sum3A_76 : vector<2000xf32> to vector<2000x1xf32>
    %div3A_78 = arith.constant 1.280000e+02 : f32
    %div3A_79 = vector.broadcast %div3A_78 : f32 to vector<2000x1xf32>
    %div3A_80 = arith.divf %broadcast_in_dim3A_77, %div3A_79 : vector<2000x1xf32>
    %sub3A = vector.broadcast %div3A_80 : vector<2000x1xf32> to vector<2000x128xf32>
    %sub3A_81 = arith.subf %add3A_75, %sub3A : vector<2000x128xf32>
    %mul3A_82 = arith.mulf %sub3A_81, %sub3A_81 : vector<2000x128xf32>
    %reduce_sum3A_83 = arith.constant dense<0.000000e+00> : vector<2000xf32>
    %reduce_sum3A_84 = vector.multi_reduction <add>, %mul3A_82, %reduce_sum3A_83 [1] : vector<2000x128xf32> to vector<2000xf32>
    %broadcast_in_dim3A_85 = vector.shape_cast %reduce_sum3A_84 : vector<2000xf32> to vector<2000x1xf32>
    %div3A_86 = arith.constant 1.280000e+02 : f32
    %div3A_87 = vector.broadcast %div3A_86 : f32 to vector<2000x1xf32>
    %div3A_88 = arith.divf %broadcast_in_dim3A_85, %div3A_87 : vector<2000x1xf32>
    %add3A_89 = arith.constant 9.99999974E-6 : f32
    %add3A_90 = vector.broadcast %add3A_89 : f32 to vector<2000x1xf32>
    %add3A_91 = arith.addf %div3A_88, %add3A_90 : vector<2000x1xf32>
    %rsqrt3A = math.rsqrt %add3A_91 : vector<2000x1xf32>
    %mul3A_92 = vector.broadcast %rsqrt3A : vector<2000x1xf32> to vector<2000x128xf32>
    %mul3A_93 = arith.mulf %sub3A_81, %mul3A_92 : vector<2000x128xf32>
    %get3A_94 = arith.constant 0 : index
    %get3A_95 = arith.constant 0 : index
    %get3A_96 = vector.load %arg10[%get3A_94, %get3A_95] : memref<1x128xf32, #tpu.memory_space<vmem>>, vector<1x128xf32>
    %mul3A_97 = vector.broadcast %get3A_96 : vector<1x128xf32> to vector<2000x128xf32>
    %mul3A_98 = arith.mulf %mul3A_93, %mul3A_97 : vector<2000x128xf32>
    %get3A_99 = arith.constant 0 : index
    %get3A_100 = arith.constant 0 : index
    %get3A_101 = vector.load %arg11[%get3A_99, %get3A_100] : memref<1x128xf32, #tpu.memory_space<vmem>>, vector<1x128xf32>
    %add3A_102 = vector.broadcast %get3A_101 : vector<1x128xf32> to vector<2000x128xf32>
    %add3A_103 = arith.addf %mul3A_98, %add3A_102 : vector<2000x128xf32>
    %swap3A = arith.constant 0 : index
    %swap3A_104 = arith.constant 0 : index
    %swap3A_105 = vector.load %arg12[%swap3A, %swap3A_104] : memref<2000x128xf32, #tpu.memory_space<vmem>>, vector<2000x128xf32>
    tpu.vector_store %arg12[%swap3A, %swap3A_104], %add3A_103 {strides = array<i32>} : memref<2000x128xf32, #tpu.memory_space<vmem>>, vector<2000x128xf32>,
    return
  }
  func.func @transform_0(%arg0: i32) -> (i32, i32) {
    %c0_i32 = arith.constant 0 : i32
    %c0_i32_0 = arith.constant 0 : i32
    return %arg0, %c0_i32 : i32, i32
  }
  func.func @transform_1(%arg0: i32) -> (i32, i32, i32) {
    %c0_i32 = arith.constant 0 : i32
    %c0_i32_0 = arith.constant 0 : i32
    %c0_i32_1 = arith.constant 0 : i32
    return %c0_i32, %arg0, %c0_i32_0 : i32, i32, i32
  }
  func.func @transform_2(%arg0: i32) -> (i32, i32, i32) {
    %c0_i32 = arith.constant 0 : i32
    %c0_i32_0 = arith.constant 0 : i32
    %c0_i32_1 = arith.constant 0 : i32
    return %c0_i32, %arg0, %c0_i32_0 : i32, i32, i32
  }
  func.func @transform_3(%arg0: i32) -> (i32, i32) {
    %c0_i32 = arith.constant 0 : i32
    %c0_i32_0 = arith.constant 0 : i32
    %c0_i32_1 = arith.constant 0 : i32
    return %c0_i32, %c0_i32_0 : i32, i32
  }
  func.func @transform_4(%arg0: i32) -> (i32, i32) {
    %c0_i32 = arith.constant 0 : i32
    %c0_i32_0 = arith.constant 0 : i32
    %c0_i32_1 = arith.constant 0 : i32
    return %c0_i32, %c0_i32_0 : i32, i32
  }
  func.func @transform_5(%arg0: i32) -> (i32, i32) {
    %c0_i32 = arith.constant 0 : i32
    %c0_i32_0 = arith.constant 0 : i32
    %c0_i32_1 = arith.constant 0 : i32
    return %c0_i32, %c0_i32_0 : i32, i32
  }
  func.func @transform_6(%arg0: i32) -> (i32, i32) {
    %c0_i32 = arith.constant 0 : i32
    %c0_i32_0 = arith.constant 0 : i32
    %c0_i32_1 = arith.constant 0 : i32
    return %c0_i32, %c0_i32_0 : i32, i32
  }
  func.func @transform_7(%arg0: i32) -> (i32, i32) {
    %c0_i32 = arith.constant 0 : i32
    %c0_i32_0 = arith.constant 0 : i32
    %c0_i32_1 = arith.constant 0 : i32
    return %c0_i32, %c0_i32_0 : i32, i32
  }
  func.func @transform_8(%arg0: i32) -> (i32, i32) {
    %c0_i32 = arith.constant 0 : i32
    %c0_i32_0 = arith.constant 0 : i32
    %c0_i32_1 = arith.constant 0 : i32
    return %c0_i32, %c0_i32_0 : i32, i32
  }
  func.func @transform_9(%arg0: i32) -> (i32, i32) {
    %c0_i32 = arith.constant 0 : i32
    %c0_i32_0 = arith.constant 0 : i32
    %c0_i32_1 = arith.constant 0 : i32
    return %c0_i32, %c0_i32_0 : i32, i32
  }
  func.func @transform_10(%arg0: i32) -> (i32, i32) {
    %c0_i32 = arith.constant 0 : i32
    %c0_i32_0 = arith.constant 0 : i32
    %c0_i32_1 = arith.constant 0 : i32
    return %c0_i32, %c0_i32_0 : i32, i32
  }
  func.func @transform_11(%arg0: i32) -> (i32, i32) {
    %c0_i32 = arith.constant 0 : i32
    %c0_i32_0 = arith.constant 0 : i32
    return %arg0, %c0_i32 : i32, i32
  }
}

</mosaic_0001>

<sc_bundles>
// kernel: kernel.5.cloned.1.call-start
scs
__scs_entry_jumppad:
0x0: {  	(pc) =	sbr.rel $0x88, $3  }
0x1: {  	(tag) =	ssettag $0x0;
	lr =	simm.s32 $0x1  }
0x2: {  	[smem:$0x3F94] =	sst lr;
	_ =	strace $0xD0000000  }
0x3: {  	_ = 	snop  }
0x4: {  	_ = 	snop  }
0x5: {  	_ = 	snop  }
0x6: {  	_ = 	snop  }
0x7: {  	_ = 	snop  }
__scs_overlays_trampoline_lowered:
0x8: {  	[smem:$0x3FA3] =	sst s0  }
0x9: {  	[smem:$0x3FA4] =	sst s1  }
0xa: {  	[smem:$0x3FA5] =	sst s2  }
0xb: {  	[smem:$0x3FA6] =	sst s3  }
0xc: {  	[smem:$0x3FA7] =	sst s4  }
0xd: {  	[smem:$0x3FA8] =	sst s5  }
0xe: {  	[smem:$0x3FA9] =	sst s6  }
0xf: {  	[smem:$0x3FAA] =	sst s7  }
0x10: {  	[smem:$0x3FAB] =	sst s8  }
0x11: {  	[smem:$0x3FAC] =	sst s9;
	s0 =	simm.s32 @!p0 $0x0  }
0x12: {  	s1 =	sld [smem:$0x3F92];
	s0 =	simm.s32 @p0 $0x1  }
0x13: {  	[smem:$0x3FAD] =	sst s0;
	s0 =	simm.s32 @!p1 $0x0  }
0x14: {  	s2 =	sld [smem:$0x3F91];
	s0 =	simm.s32 @p1 $0x1  }
0x15: {  	[smem:$0x3FAE] =	sst s0;
	s0 =	simm.s32 @!p2 $0x0  }
0x16: {  	s3 =	sld [smem:$0x3FDB];
	s0 =	simm.s32 @p2 $0x1  }
0x17: {  	s4 =	simm.s32 $0x1BF5;
	[smem:$0x3FB0] =	sst s0  }
0x18: {  	s0 =	sld [smem:$0x3F93];
	_ =	swait.ge [sflag:s4], $0x0  }
0x19: {  	s7 =	sld [smem:$0x3F94]  }
0x1a: {  	s8 =	sadd.s32 $0xFFFFE003, lr  }
0x1b: {  	s9 =	sadd.s32 $0xFFFFFEF7, lr;
	s5 =	simm.s32 $0xFFFFFFFF;
	p2 =	slt.u32 s8, $0xFFFFF086  }
0x1c: {  	p1 =	slt.u32 s9, $0xF7A;
	s5 =	simm.s32 @!p2 $0x0  }
0x1d: {  	s5 =	simm.s32 @p1 $0x1;
	p0 =	seq.s32 s7, s2  }
0x1e: {  	s7 =	smul.u32 @!p0 $0xF7A, s2;
	p2 =	seq.s32 @!p0 s5, $0x0  }
0x1f: {  	s9 =	smul.u32 $0xF7A, s1;
	s8 =	simm.s32 @!p0 $0x1BF5;
	p2 =	por !p2, p0  }
0x20: {  	[sflag:s8] =	ssyncset.s32 @!p0 $0xFFFFF086;
	s6 =	sadd.s32 @!p0 s3, s7;
	s7 =	simm.s32 @!p0 $0x108  }
0x21: {  	s3 =	sadd.s32 s3, s9;
	s6 =	sadd.s32 @!p0 $0x88, s6;
	s7 =	simm.s32 @p2 $0x1082  }
0x22: {  	[simem:s7], [sflag:s8] =	dma.local @!p0 [hbm:s6], $0xF7A  }
0x23: {  	s9 =	sor.u32 $0xD0000000, s2;
	s6 =	simm.s32 $0x108;
	_ =	swait.ge @!p0 [sflag:s8], $0x0  }
0x24: {  	s3 =	sadd.s32 $0x88, s3;
	s6 =	simm.s32 @!p1 $0x1082;
	[sflag:s4] =	ssyncset.s32 $0xFFFFF086  }
0x25: {  	[simem:s6], [sflag:s4] =	dma.local [hbm:s3], $0xF7A  }
0x26: {  	[smem:$0x3F94] =	sst s1;
	(tag) =	ssettag s2;
	_ =	strace s9  }
0x27: {  	s1 =	sld [smem:$0x3FA4]  }
0x28: {  	s2 =	sld [smem:$0x3FA5]  }
0x29: {  	s4 =	sld [smem:$0x3FA7]  }
0x2a: {  	p0 =	seq.s32 s5, $0x0;
	s5 =	sld [smem:$0x3FA8]  }
0x2b: {  	s6 =	sld [smem:$0x3FA9]  }
0x2c: {  	s7 =	sld [smem:$0x3FAA]  }
0x2d: {  	s3 =	simm.s32 $0x108;
	s8 =	sld [smem:$0x3FAB]  }
0x2e: {  	s3 =	simm.s32 @!p0 $0x1082;
	s9 =	sld [smem:$0x3FAC]  }
0x2f: {  	lr =	sadd.s32 s0, s3;
	s0 =	sld [smem:$0x3FA3]  }
0x30: {  	s3 =	sld [smem:$0x3FA6]  }
0x31: {  	[smem:$0x3FAF] =	sst s10  }
0x32: {  	s10 =	sld [smem:$0x3FAD];
	_ =	sdelay $0x3  }
0x33: {  	p0 =	seq.s32 s10, $0x1;
	s10 =	sld [smem:$0x3FAF];
	_ =	sdelay $0x3  }
0x34: {  	[smem:$0x3FAF] =	sst s10  }
0x35: {  	s10 =	sld [smem:$0x3FAE];
	_ =	sdelay $0x3  }
0x36: {  	p1 =	seq.s32 s10, $0x1;
	s10 =	sld [smem:$0x3FAF];
	_ =	sdelay $0x3  }
0x37: {  	[smem:$0x3FAF] =	sst s10  }
0x38: {  	s10 =	sld [smem:$0x3FB0]  }
0x39: {  	_ = 	snop;
	(pc) =	sbr.ind lr, $3  }
0x3a: {  	_ = 	snop  }
0x3b: {  	_ = 	snop  }
0x3c: {  	p2 =	seq.s32 s10, $0x1;
	s10 =	sld [smem:$0x3FAF]  }
0x3d: {  	_ =	shalt  }
0x3e: {  	_ =	shalt  }
0x3f: {  	_ =	shalt  }
0x40: {  	_ =	shalt  }
0x41: {  	_ =	shalt  }
0x42: {  	_ =	shalt  }
0x43: {  	_ =	shalt  }
0x44: {  	_ =	shalt  }
0x45: {  	_ =	shalt  }
0x46: {  	_ =	shalt  }
0x47: {  	_ =	shalt  }
0x48: {  	_ =	shalt  }
0x49: {  	_ =	shalt  }
0x4a: {  	_ =	shalt  }
0x4b: {  	_ =	shalt  }
0x4c: {  	_ =	shalt  }
0x4d: {  	_ =	shalt  }
0x4e: {  	_ =	shalt  }
0x4f: {  	_ =	shalt  }
0x50: {  	_ =	shalt  }
0x51: {  	_ =	shalt  }
0x52: {  	_ =	shalt  }
0x53: {  	_ =	shalt  }
0x54: {  	_ =	shalt  }
0x55: {  	_ =	shalt  }
0x56: {  	_ =	shalt  }
0x57: {  	_ =	shalt  }
0x58: {  	_ =	shalt  }
0x59: {  	_ =	shalt  }
0x5a: {  	_ =	shalt  }
0x5b: {  	_ =	shalt  }
0x5c: {  	_ =	shalt  }
0x5d: {  	_ =	shalt  }
0x5e: {  	_ =	shalt  }
0x5f: {  	_ =	shalt  }
0x60: {  	_ =	shalt  }
0x61: {  	_ =	shalt  }
0x62: {  	_ =	shalt  }
0x63: {  	_ =	shalt  }
0x64: {  	_ =	shalt  }
0x65: {  	_ =	shalt  }
0x66: {  	_ =	shalt  }
0x67: {  	_ =	shalt  }
0x68: {  	_ =	shalt  }
0x69: {  	_ =	shalt  }
0x6a: {  	_ =	shalt  }
0x6b: {  	_ =	shalt  }
0x6c: {  	_ =	shalt  }
0x6d: {  	_ =	shalt  }
0x6e: {  	_ =	shalt  }
0x6f: {  	_ =	shalt  }
0x70: {  	_ =	shalt  }
0x71: {  	_ =	shalt  }
0x72: {  	_ =	shalt  }
0x73: {  	_ =	shalt  }
0x74: {  	_ =	shalt  }
0x75: {  	_ =	shalt  }
0x76: {  	_ =	shalt  }
0x77: {  	_ =	shalt  }
0x78: {  	_ =	shalt  }
0x79: {  	_ =	shalt  }
0x7a: {  	_ =	shalt  }
0x7b: {  	_ =	shalt  }
0x7c: {  	_ =	shalt  }
0x7d: {  	_ =	shalt  }
0x7e: {  	_ =	shalt  }
0x7f: {  	_ =	shalt  }
0x80: {  	_ =	shalt  }
0x81: {  	_ =	shalt  }
0x82: {  	_ =	shalt  }
0x83: {  	_ =	shalt  }
0x84: {  	_ =	shalt  }
0x85: {  	_ =	shalt  }
0x86: {  	_ =	shalt  }
0x87: {  	_ =	shalt  }
.Lfunc_end0:
.L_simem_size_0:
called_computation_lowered:
.L_overlay_start_0:
0x88: {  	s2 =	sld [smem:$0x3FD9]  }
0x89: {  	s3 =	sld [smem:$0x3FFE];
	_ =	sdelay $0x1  }
0x8a: {  	s1 =	srdreg.scid  }
0x8b: {  	s0 =	sand.u32 $0x1, s1  }
0x8c: {  	s17 =	sshll.u32 s0, $0xA;
	s2 =	sadd.s32 s3, s2  }
0x8d: {  	s2 =	sadd.s32 s2, s17  }
0x8e: {  	[smem:$0x3FBB] =	sst s2  }
0x8f: {  	_ = 	snop  }
0x90: {  	s2 =	sld [smem:$0x3FD0];
	(tm) =	ssettm $0x1  }
0x91: {  	s18 =	sld [smem:$0x3FFB];
	_ =	sdelay $0x3  }
0x92: {  	_ =	strace s18  }
0x93: {  	s3 =	sld [smem:$0x3FFC];
	_ =	sdelay $0x3  }
0x94: {  	_ =	strace s3  }
0x95: {  	s3 =	sld [smem:$0x3FFD];
	_ =	sdelay $0x3  }
0x96: {  	_ =	strace s3  }
0x97: {  	_ =	strace $0x8FFFFFFF  }
0x98: {  	s19 =	sld [smem:$0x3FDB];
	_ =	sdelay $0x1  }
0x99: {  	s4 =	simm.s32 $_scs_section_size  }
0x9a: {  	s5 =	simm.s32 $_size__tile_overlayer_lowered;
	s6 =	simm.s32 $_tile_overlayer_lowered  }
0x9b: {  	s22 =	simm.s32 $0x1BFF;
	s21 =	sshll.u32 s6, $0x1;
	s3 =	sadd.s32 s4, s19  }
0x9c: {  	s7 =	simm.s32 $0x0;
	s20 =	sshll.u32 s5, $0x1;
	s5 =	sadd.s32 s21, s3  }
0x9d: {  	[timem:s7], [sflag:s22] =	dma.local [hbm:s5], s20  }
0x9e: {  	_ =	swait.ge [sflag:s22], s20  }
0x9f: {  	s4 =	ssub.s32 $0x0, s20;
	[sflag:s22] =	ssyncset.done $0x0  }
0xa0: {  	[sflag:s22] =	ssyncadd.s32 s4;
	_ =	sdelay $0x1  }
0xa1: {  	s23 =	simm.s32 $0x1B8B  }
0xa2: {  	_ =	swait.ge [sflag:s23], $0x1  }
0xa3: {  	[sflag:s23] =	ssyncset.done $0x0  }
0xa4: {  	s25 =	simm.s32 $0x1B8E;
	s24 =	sld [smem:$0x3FFE];
	[sflag:s23] =	ssyncadd.s32 $0xFFFFFFFF  }
0xa5: {  	s26 =	simm.s32 $execute0_lowered;
	[smem:$0x3FD2] =	sst s25  }
0xa6: {  	s5 =	sshll.u32 s26, $0x1;
	_ =	strace $0x80000046;
	[dreg:$0x1] =	wrdreg $0xFFFFFFFF  }
0xa7: {  	s28 =	simm.s32 $_size_execute0_lowered;
	s3 =	sadd.s32 s3, s5;
	[dreg:$0x0] =	wrdreg $0x0  }
0xa8: {  	s5 =	sshll.u32 s28, $0x1;
	[dreg:$0x2] =	wrdreg s3  }
0xa9: {  	[dreg:$0x3] =	wrdreg s5  }
0xaa: {  	[dreg:$0x4] =	wrdreg $0xC0  }
0xab: {  	_ =	task [dreg:s7], $0x5FFFF  }
0xac: {  	[dreg:$0x1] =	wrdreg $0xFFFFFFFF  }
0xad: {  	[dreg:$0x0] =	wrdreg $0x60  }
0xae: {  	[dreg:$0x2] =	wrdreg s2  }
0xaf: {  	[dreg:$0x3] =	wrdreg s24  }
0xb0: {  	[dreg:$0x4] =	wrdreg $0xB9000  }
0xb1: {  	[dreg:$0x5] =	wrdreg $0x9  }
0xb2: {  	_ =	task.clear_ibuf [dreg:s7], $0x6FFFF;
	_ =	strace $0x90000046  }
0xb3: {  	s29 =	simm.s32 $0x9;
	_ =	strace $0x80000048  }
0xb4: {  	_ =	swait.ge [sflag:s29], $0x1  }
0xb5: {  	[sflag:s29] =	ssyncadd.s32 $0xFFFFFFFF  }
0xb6: {  	_ =	strace $0x90000048  }
0xb7: {  	_ =	sfence  }
0xb8: {  	s30 =	sld [smem:$0x0];
	_ =	sdelay $0x2  }
0xb9: {  	s31 =	sshll.u32 s1, $0xD;
	s1 =	sshrl.u32 s1, $0x2  }
0xba: {  	s3 =	sand.u32 $0x4000, s31;
	s1 =	sadd.s32 s1, s30  }
0xbb: {  	s0 =	sor.u32 s3, s0;
	s1 =	sshll.u32 s1, $0x11  }
0xbc: {  	s0 =	sor.u32 s1, s0  }
0xbd: {  	s0 =	sadd.s32 $0x8F2B, s0  }
0xbe: {  	[sflag:s0] =	ssyncadd.remote.s32 $0x1  }
0xbf: {  	_ =	sfence.sel $0xFFFF  }
0xc0: {  	[dreg:$0x0] =	wrdreg $0xFFFFFFFF;
	(pc) =	sbr.abs _section_cstart, $3  }
0xc1: {  	[dreg:$0x1] =	wrdreg $0xFFFFFFFF  }
0xc2: {  	_ =	task.clear_ibuf [dreg:s7], $0x2FFFF;
	_ =	strace $0x9FFFFFFF  }
0xc3: {  	(tm) =	ssettm $0x7FFFFFFF  }
tec
execute0_lowered:
.L_overlay_start_1:
0x0: {  	(tag) =	ssettag $0x1  }
0x1: {  	s1 =	rddreg [dreg:$0x0]  }
0x2: {  	s0 =	srdreg.scid;
	s2 =	rddreg [dreg:$0x1]  }
0x3: {  	s18 =	stileid.u32;
	s3 =	rddreg [dreg:$0x2]  }
0x4: {  	s28 =	simm.s32 $0x6;
	s29 =	simm.s32 $0x2780;
	s30 =	simm.s32 $0x7100  }
0x5: {  	s31 =	simm.s32 $0x48;
	s9 =	smul.u32 $0x13800, s18;
	s6 =	sadd.s32 $0x4F7800, s2  }
0x6: {  	s0 =	sand.u32 $0x1, s0;
	s7 =	sadd.s32 $0x4E3C00, s2;
	s14 =	smul.u32 $0x4E000, s18  }
0x7: {  	s15 =	sadd.s32 $0x28E00, s2;
	s16 =	sadd.s32 $0x77000, s2;
	s26 =	sshll.u32 s18, $0x6  }
0x8: {  	p0 =	sne.s32 s18, $0xF;
	s4 =	sshll.u32 s0, $0x4;
	s13 =	ssub.s32 $0x2, s0  }
0x9: {  	s8 =	sor.u32 s18, s4;
	s4 =	simm.s32 $0x0;
	s10 =	sshrl.u32 s9, $0x3  }
0xa: {  	s17 =	sshrl.u32 s13, $0x1;
	s14 =	sshrl.u32 s14, $0x2;
	s5 =	smul.u32 $0x2710, s8  }
0xb: {  	[smem:$0x7FF] =	sst s4;
	s10 =	sadd.s32 s10, s2;
	s13 =	ssub.s32 s13, s17  }
0xc: {  	s14 =	sadd.s32 s14, s3;
	s17 =	sadd.s32 $0x28C00, s2;
	s19 =	smul.u32 $0x27100, s8  }
0xd: {  	s25 =	sadd.s32 $0x1C00, s10;
	s10 =	sor.u32 $0x1C06, s26;
	s26 =	smul.u32 $0x138800, s0  }
0xe: {  	_ =	strace $0x80000047;
	[dreg:$0x4] =	wrdreg s14;
	s0 =	smul.u32 $0x27100, s0  }
0xf: {  	s11 =	sshrl.u32 s5, $0x3;
	s20 =	sadd.s32 $0x48, s5;
	s23 =	sadd.s32 $0x26D0, s5  }
0x10: {  	[dreg:$0x5] =	wrdreg s25;
	s12 =	sadd.s32 s11, s2;
	s11 =	sadd.s32 s7, s11  }
0x11: {  	s21 =	sshrl.u32 s20, $0x3;
	s2 =	sadd.s32 s6, s19;
	s8 =	sshll.u32 s20, $0x4  }
0x12: {  	s24 =	sshrl.u32 s23, $0x3;
	s9 =	sadd.s32 s9, s26;
	[dreg:$0x7] =	wrdreg s11  }
0x13: {  	s12 =	sadd.s32 $0x4EDA00, s12;
	[dreg:$0x8] =	wrdreg s2;
	s22 =	sadd.s32 s7, s21  }
0x14: {  	s8 =	sadd.s32 s6, s8;
	s21 =	sadd.s32 s7, s24;
	[dreg:$0x6] =	wrdreg s12  }
0x15: {  	s11 =	sshrl.u32 s26, $0x3;
	s2 =	sshll.u32 s23, $0x4;
	[dreg:$0x9] =	wrdreg s22  }
0x16: {  	s23 =	smax.u32 s13, $0x1;
	s26 =	sadd.s32 $0x138000, s3;
	[dreg:$0xa] =	wrdreg s8  }
0x17: {  	s12 =	smul.u32 $0x2710, s18;
	s8 =	sshrl.u32 s9, $0x3;
	[dreg:$0x11] =	wrdreg s23  }
0x18: {  	s9 =	sadd.s32 $0x27000, s11;
	s2 =	sadd.s32 s6, s2;
	[dreg:$0x13] =	wrdreg s26  }
0x19: {  	s18 =	simm.s32 $0x5;
	s26 =	simm.s32 $0x2880;
	[dreg:$0xb] =	wrdreg s21  }
0x1a: {  	s23 =	simm.s32 $0x0;
	s14 =	sadd.s32 s15, s8;
	[dreg:$0x10] =	wrdreg s2  }
0x1b: {  	s19 =	sadd.s32 s15, s9;
	s8 =	sadd.s32 s16, s8;
	[dreg:$0xc] =	wrdreg s14  }
0x1c: {  	s20 =	sadd.s32 s16, s9;
	s2 =	simm.s32 $0x2900;
	[dreg:$0xd] =	wrdreg s19  }
0x1d: {  	s16 =	simm.s32 $0x3;
	s0 =	sadd.s32 s12, s0;
	[dreg:$0xe] =	wrdreg s8  }
0x1e: {  	[dreg:$0xf] =	wrdreg s20;
	s8 =	simm.s32 $0x9500;
	s12 =	simm.s32 $0x4D00  }
0x1f: {  	s14 =	simm.s32 $0x1;
	s19 =	simm.s32 $0x2;
	s22 =	sadd.s32 $0xD8, s0  }
0x20: {  	s20 =	simm.s32 $0x4;
	s0 =	sadd.s32 $0x90, s0;
	s24 =	sshrl.u32 s22, $0x3  }
0x21: {  	v0 =	vimm.f32 $1.000000000e+00;
	[dreg:$0x12] =	wrdreg s0;
	s0 =	simm.s32 $0x2800;
	s24 =	sadd.s32 s24, s7  }
.LBB2_1:
0x22: {  	s9 =	rddreg [dreg:$0x4]  }
0x23: {  	s9 =	sshrl.u32 s9, $0x3  }
0x24: {  	[dreg:$0x14] =	wrdreg s9  }
0x25: {  	[spmem:s9], [sflag:s10] =	dma.local [hbm:s25], $0x2700  }
0x26: {  	_ =	swait.ge [sflag:s28], $0x2700  }
0x27: {  	[sflag:s28] =	ssyncset.done $0x0;
	s9 =	rddreg [dreg:$0x13]  }
0x28: {  	[sflag:s28] =	ssyncadd.s32 $0xFFFFD900;
	s22 =	sshrl.u32 @!p0 s9, $0x3;
	s9 =	simm.s32 @!p0 $0x6  }
0x29: {  	[spmem:s22], [sflag:s10] =	dma.local @!p0 [hbm:s17], $0x100  }
0x2a: {  	_ =	swait.ge @!p0 [sflag:s9], $0x100  }
0x2b: {  	[sflag:s9] =	ssyncset.done @!p0 $0x0  }
0x2c: {  	s11 =	rddreg [dreg:$0x6];
	[sflag:s9] =	ssyncadd.s32 @!p0 $0xFFFFFF00  }
0x2d: {  	[tilespmem:s4], [sflag:$0x6] =	stream.linear.gather [hbm4b:s11+s4], $0x2710, $0x38;
	[tilespmem:$0x1F180] =	vst v63  }
0x2e: {  	_ =	swait.ge [sflag:s28], $0x2710  }
0x2f: {  	[sflag:s28] =	ssyncset.done $0x0  }
0x30: {  	[sflag:s28] =	ssyncadd.s32 $0xFFFFD8F0  }
0x31: {  	[bflag:$0x0] =	sbarrier.arrive $0xFFFF  }
0x32: {  	s13 =	rddreg [dreg:$0x7]  }
0x33: {  	[tilespmem:s29], [sflag:$0x3] =	stream.linear.gather [hbm4b:s13+s4], $0x48, $0x38;
	[tilespmem:$0x1F180] =	vst v63  }
0x34: {  	s15 =	rddreg [dreg:$0x8]  }
0x35: {  	[tilespmem:s30], [sflag:$0x3] =	stream.linear.gather [hbm4b:s15+s4], $0x2400, $0x38;
	[tilespmem:$0x1F180] =	vst v63  }
0x36: {  	_ = 	snop  }
0x37: {  	[tilespmem:s2], [sflag:$0x1] =	stream.indirect.gather [hbm4b:s1+s31], $0x80, s4, s31, $0xb8;
	[tilespmem:$0x1F180] =	vst v63  }
0x38: {  	s21 =	smov.u32 s17;
	s17 =	rddreg [dreg:$0x9]  }
0x39: {  	[tilespmem:s0], [sflag:$0x4] =	stream.linear.gather [hbm4b:s17+s4], $0x48, $0x38;
	[tilespmem:$0x1F180] =	vst v63  }
0x3a: {  	s25 =	rddreg [dreg:$0xa]  }
0x3b: {  	[tilespmem:s8], [sflag:$0x4] =	stream.linear.gather [hbm4b:s25+s4], $0x2400, $0x38;
	[tilespmem:$0x1F180] =	vst v63  }
0x3c: {  	s9 =	simm.s32 $0x0  }
0x3d: {  	[tilespmem:s12], [sflag:$0x2] =	stream.indirect.gather [hbm4b:s1+s31], $0x80, s31, s31, $0xb8;
	[tilespmem:$0x1F180] =	vst v63  }
.LBB2_2:
0x3e: {  	_ =	swait.ge [sflag:s14], $0x2400  }
0x3f: {  	[sflag:s14] =	ssyncset.done $0x0  }
0x40: {  	[sflag:s14] =	ssyncadd.s32 $0xFFFFDC00  }
0x41: {  	_ =	swait.ge [sflag:s16], $0x48  }
0x42: {  	[sflag:s16] =	ssyncset.done $0x0  }
0x43: {  	[sflag:s16] =	ssyncadd.s32 $0xFFFFFFB8  }
0x44: {  	_ =	swait.ge [sflag:s16], $0x2400  }
0x45: {  	[sflag:s16] =	ssyncset.done $0x0  }
0x46: {  	s11 =	simm.s32 $0x0;
	[sflag:s16] =	ssyncadd.s32 $0xFFFFDC00  }
0x47: {  	v1 =	vld [tilespmem:s11+$0x2900]  }
0x48: {  	v2 =	vld [tilespmem:s11+$0x2940]  }
0x49: {  	v3 =	vld [tilespmem:s11+$0x7140]  }
0x4a: {  	v4 =	vld [tilespmem:s11+$0x7100];
	_ =	sdelay $0x1  }
0x4b: {  	v5 =	vld [tilespmem:s11+$0x2970]  }
0x4c: {  	v6 =	vld [tilespmem:s11+$0x7170]  }
0x4d: {  	v9 =	vld [tilespmem:s11+$0x2950];
	v8 =	vadd.f32 v3, v2  }
0x4e: {  	v10 =	vld [tilespmem:s11+$0x2910];
	v7 =	vadd.f32 v4, v1  }
0x4f: {  	v1 =	vld [tilespmem:s11+$0x7110];
	v2 =	vmul.f32 $-1.702000020e+00, v8  }
0x50: {  	v3 =	vld [tilespmem:s11+$0x7150];
	v4 =	vmul.f32 $-1.702000020e+00, v7  }
0x51: {  	v5 =	vadd.f32 v6, v5;
	v2 =	vmul.f32 $1.442695020e+00, v2  }
0x52: {  	v11 =	vld [tilespmem:s11+$0x2920];
	v4 =	vmul.f32 $1.442695020e+00, v4  }
0x53: {  	v13 =	vld [tilespmem:s11+$0x7120];
	v12 =	vmul.f32 $-1.702000020e+00, v5;
	(erf) = vpow2.f32 v2  }
0x54: {  	v6 =	vadd.f32 v1, v10;
	v1 =	vld [tilespmem:s11+$0x2930];
	(erf) = vpow2.f32 v4  }
0x55: {  	v3 =	vadd.f32 v3, v9;
	v9 =	vld [tilespmem:s11+$0x7130];
	v2 =	vmul.f32 $1.442695020e+00, v12  }
0x56: {  	v4 =	vmul.f32 $-1.702000020e+00, v6  }
0x57: {  	v60 =	vld [tilespmem:s11+$0x2960];
	(erf) = vpow2.f32 v2;
	v2 =	vmul.f32 $-1.702000020e+00, v3  }
0x58: {  	v10 =	vmul.f32 $1.442695020e+00, v4;
	v4 =	vadd.f32 v13, v11;
	v11 =	vld [tilespmem:s11+$0x7160]  }
0x59: {  	v61 =	vmul.f32 $1.442695020e+00, v2  }
0x5a: {  	v2 =	vadd.f32 v9, v1;
	(erf) = vpow2.f32 v10;
	v10 =	vmul.f32 $-1.702000020e+00, v4  }
0x5b: {  	(erf) = vpow2.f32 v61  }
0x5c: {  	v9 =	vmul.f32 $1.442695020e+00, v10;
	v10 =	vmul.f32 $-1.702000020e+00, v2;
	v1 =	vpop (erf)  }
0x5d: {  	v62 =	vadd.f32 $1.000000000e+00, v1;
	v14 =	vpop (erf);
	v1 =	vadd.f32 v11, v60  }
0x5e: {  	(erf) = vpow2.f32 v9;
	v9 =	vmul.f32 $1.442695020e+00, v10;
	v11 =	vadd.f32 $1.000000000e+00, v14  }
0x5f: {  	(erf) = vrcp.f32 v62;
	v10 =	vmul.f32 $-1.702000020e+00, v1  }
0x60: {  	(erf) = vrcp.f32 v11  }
0x61: {  	v63 =	vpop (erf);
	(erf) = vpow2.f32 v9;
	v10 =	vmul.f32 $1.442695020e+00, v10  }
0x62: {  	v11 =	vadd.f32 $1.000000000e+00, v63;
	_ =	sdelay $0x1  }
0x63: {  	v9 =	vpop (erf);
	(erf) = vrcp.f32 v11  }
0x64: {  	s15 =	simm.s32 $0x200;
	s13 =	simm.s32 $0x400;
	v9 =	vadd.f32 $1.000000000e+00, v9;
	(erf) = vpow2.f32 v10;
	v10 =	vpop (erf)  }
.LBB2_3:
0x65: {  	p1 =	sne.s32 s13, $0x8E00  }
0x66: {  	s17 =	sshra.s32 s15, $0x2;
	v10 =	vadd.f32 $1.000000000e+00, v10;
	(erf) = vrcp.f32 v9;
	v9 =	vpop (erf);
	s15 =	smov.u32 s13;
	s13 =	sadd.s32 $0x200, s13  }
0x67: {  	v11 =	vld [tilespmem:s17+$0x2920];
	v14 =	vadd.f32 $1.000000000e+00, v9;
	v12 =	vpop (erf)  }
0x68: {  	v13 =	vld [tilespmem:s17+$0x2950];
	v8 =	vmul.f32 v12, v8;
	v12 =	vpop (erf);
	(erf) = vrcp.f32 v10  }
0x69: {  	v10 =	vld [tilespmem:s17+$0x2900];
	v7 =	vmul.f32 v12, v7;
	(erf) = vrcp.f32 v14;
	v9 =	vpop (erf)  }
0x6a: {  	v12 =	vld [tilespmem:s17+$0x2940];
	v14 =	vadd.f32 $1.000000000e+00, v9;
	[tilespmem:s11+$0x7140] =	vst v8  }
0x6b: {  	v8 =	vld [tilespmem:s17+$0x7140];
	[tilespmem:s11+$0x7100] =	vst v7  }
0x6c: {  	v7 =	vld [tilespmem:s17+$0x7100];
	(erf) = vrcp.f32 v14;
	v9 =	vpop (erf)  }
0x6d: {  	v14 =	vld [tilespmem:s17+$0x2910];
	v16 =	vmul.f32 v9, v5;
	v9 =	vpop (erf)  }
0x6e: {  	v9 =	vadd.f32 $1.000000000e+00, v9  }
0x6f: {  	v15 =	vld [tilespmem:s17+$0x2970];
	[tilespmem:s11+$0x7170] =	vst v16;
	v5 =	vpop (erf)  }
0x70: {  	v8 =	vadd.f32 v8, v12;
	v12 =	vld [tilespmem:s17+$0x7170];
	v16 =	vmul.f32 v5, v6;
	(erf) = vrcp.f32 v9  }
0x71: {  	v7 =	vadd.f32 v7, v10;
	v6 =	vpop (erf)  }
0x72: {  	v9 =	vmul.f32 $-1.702000020e+00, v8;
	[tilespmem:s11+$0x7110] =	vst v16;
	v3 =	vmul.f32 v6, v3;
	v5 =	vpop (erf)  }
0x73: {  	v6 =	vmul.f32 $-1.702000020e+00, v7;
	v10 =	vld [tilespmem:s17+$0x7110];
	v17 =	vmul.f32 v5, v4  }
0x74: {  	v9 =	vmul.f32 $1.442695020e+00, v9;
	[tilespmem:s11+$0x7150] =	vst v3  }
0x75: {  	v3 =	vmul.f32 $1.442695020e+00, v6;
	v16 =	vld [tilespmem:s17+$0x7150];
	v5 =	vadd.f32 v12, v15;
	[tilespmem:s11+$0x7120] =	vst v17;
	v4 =	vpop (erf)  }
0x76: {  	v12 =	vld [tilespmem:s17+$0x7120];
	(erf) = vpow2.f32 v9;
	v2 =	vmul.f32 v4, v2  }
0x77: {  	v15 =	vmul.f32 $-1.702000020e+00, v5;
	(erf) = vpow2.f32 v3  }
0x78: {  	v6 =	vadd.f32 v10, v14;
	v9 =	vld [tilespmem:s17+$0x2930];
	[tilespmem:s11+$0x7130] =	vst v2  }
0x79: {  	v2 =	vld [tilespmem:s17+$0x7130];
	v10 =	vmul.f32 $1.442695020e+00, v15;
	v4 =	vpop (erf)  }
0x7a: {  	v14 =	vmul.f32 $-1.702000020e+00, v6;
	v3 =	vadd.f32 v16, v13;
	v1 =	vmul.f32 v4, v1  }
0x7b: {  	v4 =	vadd.f32 v12, v11;
	(erf) = vpow2.f32 v10  }
0x7c: {  	v14 =	vmul.f32 $1.442695020e+00, v14;
	v11 =	vmul.f32 $-1.702000020e+00, v3;
	v12 =	vld [tilespmem:s17+$0x2960];
	[tilespmem:s11+$0x7160] =	vst v1;
	s11 =	smov.u32 s17  }
0x7d: {  	v1 =	vmul.f32 $-1.702000020e+00, v4;
	v13 =	vld [tilespmem:s11+$0x7160]  }
0x7e: {  	v2 =	vadd.f32 v2, v9;
	v9 =	vmul.f32 $1.442695020e+00, v11;
	(erf) = vpow2.f32 v14  }
0x7f: {  	v1 =	vmul.f32 $1.442695020e+00, v1;
	v10 =	vpop (erf)  }
0x80: {  	v11 =	vmul.f32 $-1.702000020e+00, v2;
	v10 =	vadd.f32 $1.000000000e+00, v10;
	v14 =	vpop (erf);
	(erf) = vpow2.f32 v9  }
0x81: {  	v9 =	vadd.f32 $1.000000000e+00, v14;
	(erf) = vpow2.f32 v1  }
0x82: {  	v11 =	vmul.f32 $1.442695020e+00, v11;
	v1 =	vadd.f32 v13, v12;
	(erf) = vrcp.f32 v10  }
0x83: {  	(erf) = vrcp.f32 v9  }
0x84: {  	v12 =	vmul.f32 $-1.702000020e+00, v1;
	(erf) = vpow2.f32 v11;
	v10 =	vpop (erf)  }
.Ltmp0:
0x85: {  	v10 =	vadd.f32 $1.000000000e+00, v10;
	(pc) =	sbr.rel @p1 .LBB2_3-.Ltmp0, $4  }
0x86: {  	v11 =	vmul.f32 $1.442695020e+00, v12  }
0x87: {  	v9 =	vpop (erf);
	(erf) = vrcp.f32 v10  }
0x88: {  	v9 =	vadd.f32 $1.000000000e+00, v9;
	(erf) = vpow2.f32 v11  }
0x89: {  	v10 =	vpop (erf)  }
0x8a: {  	v11 =	vpop (erf)  }
0x8b: {  	(erf) = vrcp.f32 v9;
	v9 =	vpop (erf)  }
0x8c: {  	s13 =	sshra.s32 s15, $0x2;
	v10 =	vadd.f32 $1.000000000e+00, v10;
	v8 =	vmul.f32 v9, v8  }
0x8d: {  	v12 =	vld [tilespmem:s13+$0x2920];
	v11 =	vadd.f32 $1.000000000e+00, v11  }
0x8e: {  	v13 =	vld [tilespmem:s13+$0x2950];
	(erf) = vrcp.f32 v10  }
0x8f: {  	v9 =	vld [tilespmem:s13+$0x2900];
	v14 =	vpop (erf);
	(erf) = vrcp.f32 v11  }
0x90: {  	v10 =	vld [tilespmem:s13+$0x2940];
	v7 =	vmul.f32 v14, v7;
	[tilespmem:s11+$0x7140] =	vst v8;
	v8 =	vpop (erf)  }
0x91: {  	v43 =	vpop (erf)  }
0x92: {  	v11 =	vld [tilespmem:s13+$0x7140];
	[tilespmem:s11+$0x7100] =	vst v7;
	v8 =	vadd.f32 $1.000000000e+00, v8;
	v5 =	vmul.f32 v43, v5  }
0x93: {  	v7 =	vld [tilespmem:s13+$0x7100]  }
0x94: {  	(erf) = vrcp.f32 v8  }
0x95: {  	v15 =	vld [tilespmem:s13+$0x2970];
	v44 =	vpop (erf)  }
0x96: {  	v8 =	vld [tilespmem:s13+$0x2910];
	[tilespmem:s11+$0x7170] =	vst v5;
	v5 =	vpop (erf)  }
0x97: {  	v14 =	vadd.f32 $1.000000000e+00, v44;
	v10 =	vadd.f32 v11, v10;
	v5 =	vmul.f32 v5, v6;
	v6 =	vld [tilespmem:s13+$0x7170];
	v11 =	vpop (erf)  }
0x98: {  	v7 =	vadd.f32 v7, v9;
	v9 =	vpop (erf)  }
0x99: {  	(erf) = vrcp.f32 v14;
	v4 =	vmul.f32 v9, v4  }
0x9a: {  	v3 =	vmul.f32 v11, v3  }
0x9b: {  	[tilespmem:s11+$0x7110] =	vst v5  }
0x9c: {  	v11 =	vld [tilespmem:s13+$0x7110];
	[tilespmem:s11+$0x7150] =	vst v3;
	v6 =	vadd.f32 v6, v15  }
0x9d: {  	v45 =	vmul.f32 $-1.702000020e+00, v7;
	v5 =	vmul.f32 $-1.702000020e+00, v10;
	v3 =	vld [tilespmem:s13+$0x7150];
	[tilespmem:s11+$0x7120] =	vst v4;
	v4 =	vpop (erf)  }
0x9e: {  	v2 =	vmul.f32 v4, v2;
	v4 =	vmul.f32 $-1.702000020e+00, v6  }
0x9f: {  	v5 =	vmul.f32 $1.442695020e+00, v5  }
0xa0: {  	v9 =	vmul.f32 $1.442695020e+00, v45  }
0xa1: {  	v46 =	vld [tilespmem:s13+$0x7120];
	(erf) = vpow2.f32 v5  }
0xa2: {  	v5 =	vld [tilespmem:s13+$0x2930];
	(erf) = vpow2.f32 v9;
	[tilespmem:s11+$0x7130] =	vst v2;
	v2 =	vmul.f32 $1.442695020e+00, v4;
	v4 =	vpop (erf)  }
0xa3: {  	v8 =	vadd.f32 v11, v8;
	v9 =	vld [tilespmem:s13+$0x7130];
	v1 =	vmul.f32 v4, v1  }
0xa4: {  	(erf) = vpow2.f32 v2  }
0xa5: {  	v3 =	vadd.f32 v3, v13;
	v2 =	vld [tilespmem:s13+$0x2960];
	v4 =	vmul.f32 $-1.702000020e+00, v8;
	[tilespmem:s11+$0x7160] =	vst v1  }
0xa6: {  	v1 =	vadd.f32 v46, v12;
	v11 =	vld [tilespmem:s13+$0x7160]  }
0xa7: {  	v47 =	vmul.f32 $-1.702000020e+00, v3;
	v4 =	vmul.f32 $1.442695020e+00, v4  }
0xa8: {  	v5 =	vadd.f32 v9, v5;
	v48 =	vmul.f32 $-1.702000020e+00, v1  }
0xa9: {  	v9 =	vmul.f32 $1.442695020e+00, v47;
	(erf) = vpow2.f32 v4  }
0xaa: {  	v49 =	vpop (erf);
	v50 =	vmul.f32 $-1.702000020e+00, v5;
	v4 =	vmul.f32 $1.442695020e+00, v48  }
0xab: {  	v12 =	vadd.f32 $1.000000000e+00, v49;
	v51 =	vpop (erf);
	(erf) = vpow2.f32 v9;
	v2 =	vadd.f32 v11, v2  }
0xac: {  	v9 =	vadd.f32 $1.000000000e+00, v51;
	(erf) = vpow2.f32 v4;
	v4 =	vmul.f32 $1.442695020e+00, v50  }
0xad: {  	v52 =	vpop (erf);
	(erf) = vrcp.f32 v12;
	v11 =	vmul.f32 $-1.702000020e+00, v2  }
0xae: {  	(erf) = vrcp.f32 v9;
	v9 =	vadd.f32 $1.000000000e+00, v52  }
0xaf: {  	(erf) = vpow2.f32 v4;
	v4 =	vmul.f32 $1.442695020e+00, v11  }
0xb0: {  	(erf) = vrcp.f32 v9  }
0xb1: {  	(erf) = vpow2.f32 v4;
	_ =	sdelay $0x1  }
0xb2: {  	v4 =	vpop (erf)  }
0xb3: {  	v9 =	vpop (erf)  }
0xb4: {  	v11 =	vpop (erf)  }
0xb5: {  	v53 =	vpop (erf)  }
0xb6: {  	v4 =	vadd.f32 $1.000000000e+00, v4;
	v54 =	vpop (erf)  }
0xb7: {  	v9 =	vadd.f32 $1.000000000e+00, v9;
	v55 =	vpop (erf)  }
0xb8: {  	(erf) = vrcp.f32 v4;
	v4 =	vadd.f32 $1.000000000e+00, v11;
	v11 =	vpop (erf)  }
0xb9: {  	(erf) = vrcp.f32 v9;
	v9 =	vadd.f32 $1.000000000e+00, v55;
	v56 =	vpop (erf)  }
0xba: {  	(erf) = vrcp.f32 v4;
	v4 =	vadd.f32 $1.000000000e+00, v56  }
0xbb: {  	(erf) = vrcp.f32 v9  }
0xbc: {  	(erf) = vrcp.f32 v4  }
0xbd: {  	v4 =	vmul.f32 v53, v10  }
0xbe: {  	v7 =	vmul.f32 v54, v7  }
0xbf: {  	[tilespmem:s13+$0x7140] =	vst v4;
	v4 =	vmul.f32 v11, v6;
	_ =	sdelay $0x1  }
0xc0: {  	v6 =	vpop (erf)  }
0xc1: {  	[tilespmem:s13+$0x7100] =	vst v7;
	v6 =	vmul.f32 v6, v8;
	v7 =	vpop (erf)  }
0xc2: {  	[tilespmem:s13+$0x7170] =	vst v4;
	v3 =	vmul.f32 v7, v3;
	v4 =	vpop (erf)  }
0xc3: {  	[tilespmem:s13+$0x7110] =	vst v6;
	v1 =	vmul.f32 v4, v1;
	v4 =	vpop (erf)  }
0xc4: {  	[tilespmem:s13+$0x7150] =	vst v3;
	v3 =	vmul.f32 v4, v5;
	v4 =	vpop (erf)  }
0xc5: {  	[tilespmem:s13+$0x7120] =	vst v1;
	v1 =	vmul.f32 v4, v2  }
0xc6: {  	[tilespmem:s13+$0x7130] =	vst v3  }
0xc7: {  	s11 =	smul.u32 $0x90, s9;
	[tilespmem:s13+$0x7160] =	vst v1  }
0xc8: {  	[spmem:s3] =	stream.indirect.scatter.add.f32 [tilespmem:s30], [sflag:$0x5], $0x80, s29, s31, $0xb8;
	[tilespmem:$0x1F180] =	vst v63  }
0xc9: {  	s17 =	sadd.s32 $0x90, s11  }
0xca: {  	[tilespmem:s2], [sflag:$0x1] =	stream.indirect.gather [hbm4b:s1+s31], $0x80, s17, s31, $0xb8;
	[tilespmem:$0x1F180] =	vst v63  }
0xcb: {  	s13 =	sadd.s32 s5, s17;
	_ =	swait.ge [sflag:s18], $0x2400  }
0xcc: {  	s25 =	sshrl.u32 s13, $0x3;
	s13 =	sshll.u32 s13, $0x4;
	[sflag:s18] =	ssyncset.done $0x0  }
0xcd: {  	s15 =	sadd.s32 s7, s25;
	s17 =	simm.s32 $0x0;
	[sflag:s18] =	ssyncadd.s32 $0xFFFFDC00  }
0xce: {  	[tilespmem:s29], [sflag:$0x3] =	stream.linear.gather [hbm4b:s15+s17], $0x48, $0x38;
	[tilespmem:$0x1F180] =	vst v63  }
0xcf: {  	s13 =	sadd.s32 s6, s13  }
0xd0: {  	[tilespmem:s30], [sflag:$0x3] =	stream.linear.gather [hbm4b:s13+s17], $0x2400, $0x38;
	[tilespmem:$0x1F180] =	vst v63  }
0xd1: {  	_ =	swait.ge [sflag:s19], $0x2400  }
0xd2: {  	[sflag:s19] =	ssyncset.done $0x0  }
0xd3: {  	[sflag:s19] =	ssyncadd.s32 $0xFFFFDC00  }
0xd4: {  	_ =	swait.ge [sflag:s20], $0x48  }
0xd5: {  	[sflag:s20] =	ssyncset.done $0x0  }
0xd6: {  	[sflag:s20] =	ssyncadd.s32 $0xFFFFFFB8  }
0xd7: {  	_ =	swait.ge [sflag:s20], $0x2400  }
0xd8: {  	[sflag:s20] =	ssyncset.done $0x0  }
0xd9: {  	s13 =	simm.s32 $0x0;
	[sflag:s20] =	ssyncadd.s32 $0xFFFFDC00  }
0xda: {  	v1 =	vld [tilespmem:s13+$0x4D00]  }
0xdb: {  	v2 =	vld [tilespmem:s13+$0x4D40]  }
0xdc: {  	v3 =	vld [tilespmem:s13+$0x9540]  }
0xdd: {  	v4 =	vld [tilespmem:s13+$0x9500];
	_ =	sdelay $0x1  }
0xde: {  	v5 =	vld [tilespmem:s13+$0x4D70]  }
0xdf: {  	v6 =	vld [tilespmem:s13+$0x9570]  }
0xe0: {  	v9 =	vld [tilespmem:s13+$0x4D50];
	v8 =	vadd.f32 v3, v2  }
0xe1: {  	v10 =	vld [tilespmem:s13+$0x4D10];
	v7 =	vadd.f32 v4, v1  }
0xe2: {  	v1 =	vld [tilespmem:s13+$0x9510];
	v2 =	vmul.f32 $-1.702000020e+00, v8  }
0xe3: {  	v3 =	vld [tilespmem:s13+$0x9550];
	v4 =	vmul.f32 $-1.702000020e+00, v7  }
0xe4: {  	v5 =	vadd.f32 v6, v5;
	v2 =	vmul.f32 $1.442695020e+00, v2  }
0xe5: {  	v11 =	vld [tilespmem:s13+$0x4D20];
	v4 =	vmul.f32 $1.442695020e+00, v4  }
0xe6: {  	v58 =	vld [tilespmem:s13+$0x9520];
	v57 =	vmul.f32 $-1.702000020e+00, v5;
	(erf) = vpow2.f32 v2  }
0xe7: {  	v6 =	vadd.f32 v1, v10;
	v1 =	vld [tilespmem:s13+$0x4D30];
	(erf) = vpow2.f32 v4  }
0xe8: {  	v3 =	vadd.f32 v3, v9;
	v9 =	vld [tilespmem:s13+$0x9530];
	v2 =	vmul.f32 $1.442695020e+00, v57  }
0xe9: {  	v4 =	vmul.f32 $-1.702000020e+00, v6  }
0xea: {  	v59 =	vld [tilespmem:s13+$0x4D60];
	(erf) = vpow2.f32 v2;
	v2 =	vmul.f32 $-1.702000020e+00, v3  }
0xeb: {  	v10 =	vmul.f32 $1.442695020e+00, v4;
	v4 =	vadd.f32 v58, v11;
	v11 =	vld [tilespmem:s13+$0x9560]  }
0xec: {  	v60 =	vmul.f32 $1.442695020e+00, v2  }
0xed: {  	v2 =	vadd.f32 v9, v1;
	(erf) = vpow2.f32 v10;
	v10 =	vmul.f32 $-1.702000020e+00, v4  }
0xee: {  	(erf) = vpow2.f32 v60  }
0xef: {  	v9 =	vmul.f32 $1.442695020e+00, v10;
	v10 =	vmul.f32 $-1.702000020e+00, v2;
	v1 =	vpop (erf)  }
0xf0: {  	v61 =	vadd.f32 $1.000000000e+00, v1;
	v62 =	vpop (erf);
	v1 =	vadd.f32 v11, v59  }
0xf1: {  	(erf) = vpow2.f32 v9;
	v9 =	vmul.f32 $1.442695020e+00, v10;
	v11 =	vadd.f32 $1.000000000e+00, v62  }
0xf2: {  	(erf) = vrcp.f32 v61;
	v10 =	vmul.f32 $-1.702000020e+00, v1  }
0xf3: {  	v63 =	vpop (erf);
	(erf) = vrcp.f32 v11  }
0xf4: {  	(erf) = vpow2.f32 v9;
	v10 =	vmul.f32 $1.442695020e+00, v10  }
0xf5: {  	v11 =	vadd.f32 $1.000000000e+00, v63;
	_ =	sdelay $0x1  }
0xf6: {  	v9 =	vpop (erf);
	(erf) = vrcp.f32 v11  }
0xf7: {  	s15 =	simm.s32 $0x400;
	s17 =	simm.s32 $0x200;
	v9 =	vadd.f32 $1.000000000e+00, v9;
	(erf) = vpow2.f32 v10;
	v10 =	vpop (erf)  }
.LBB2_5:
0xf8: {  	p1 =	sne.s32 s15, $0x8E00  }
0xf9: {  	s25 =	sshra.s32 s17, $0x2;
	v10 =	vadd.f32 $1.000000000e+00, v10;
	(erf) = vrcp.f32 v9;
	v9 =	vpop (erf);
	s17 =	smov.u32 s15;
	s15 =	sadd.s32 $0x200, s15  }
0xfa: {  	v11 =	vld [tilespmem:s25+$0x4D20];
	v14 =	vadd.f32 $1.000000000e+00, v9;
	v12 =	vpop (erf)  }
0xfb: {  	v13 =	vld [tilespmem:s25+$0x4D50];
	v8 =	vmul.f32 v12, v8;
	v12 =	vpop (erf);
	(erf) = vrcp.f32 v10  }
0xfc: {  	v10 =	vld [tilespmem:s25+$0x4D00];
	v7 =	vmul.f32 v12, v7;
	(erf) = vrcp.f32 v14;
	v9 =	vpop (erf)  }
0xfd: {  	v12 =	vld [tilespmem:s25+$0x4D40];
	v14 =	vadd.f32 $1.000000000e+00, v9;
	[tilespmem:s13+$0x9540] =	vst v8  }
0xfe: {  	v8 =	vld [tilespmem:s25+$0x9540];
	[tilespmem:s13+$0x9500] =	vst v7  }
0xff: {  	v7 =	vld [tilespmem:s25+$0x9500];
	(erf) = vrcp.f32 v14;
	v9 =	vpop (erf)  }
0x100: {  	v14 =	vld [tilespmem:s25+$0x4D10];
	v16 =	vmul.f32 v9, v5;
	v9 =	vpop (erf)  }
0x101: {  	v9 =	vadd.f32 $1.000000000e+00, v9  }
0x102: {  	v15 =	vld [tilespmem:s25+$0x4D70];
	[tilespmem:s13+$0x9570] =	vst v16;
	v5 =	vpop (erf)  }
0x103: {  	v8 =	vadd.f32 v8, v12;
	v12 =	vld [tilespmem:s25+$0x9570];
	v16 =	vmul.f32 v5, v6;
	(erf) = vrcp.f32 v9  }
0x104: {  	v7 =	vadd.f32 v7, v10;
	v6 =	vpop (erf)  }
0x105: {  	v9 =	vmul.f32 $-1.702000020e+00, v8;
	[tilespmem:s13+$0x9510] =	vst v16;
	v3 =	vmul.f32 v6, v3;
	v5 =	vpop (erf)  }
0x106: {  	v6 =	vmul.f32 $-1.702000020e+00, v7;
	v10 =	vld [tilespmem:s25+$0x9510];
	v17 =	vmul.f32 v5, v4  }
0x107: {  	v9 =	vmul.f32 $1.442695020e+00, v9;
	[tilespmem:s13+$0x9550] =	vst v3  }
0x108: {  	v3 =	vmul.f32 $1.442695020e+00, v6;
	v16 =	vld [tilespmem:s25+$0x9550];
	v5 =	vadd.f32 v12, v15;
	[tilespmem:s13+$0x9520] =	vst v17;
	v4 =	vpop (erf)  }
0x109: {  	v12 =	vld [tilespmem:s25+$0x9520];
	(erf) = vpow2.f32 v9;
	v2 =	vmul.f32 v4, v2  }
0x10a: {  	v15 =	vmul.f32 $-1.702000020e+00, v5;
	(erf) = vpow2.f32 v3  }
0x10b: {  	v6 =	vadd.f32 v10, v14;
	v9 =	vld [tilespmem:s25+$0x4D30];
	[tilespmem:s13+$0x9530] =	vst v2  }
0x10c: {  	v2 =	vld [tilespmem:s25+$0x9530];
	v10 =	vmul.f32 $1.442695020e+00, v15;
	v4 =	vpop (erf)  }
0x10d: {  	v14 =	vmul.f32 $-1.702000020e+00, v6;
	v3 =	vadd.f32 v16, v13;
	v1 =	vmul.f32 v4, v1  }
0x10e: {  	v4 =	vadd.f32 v12, v11;
	(erf) = vpow2.f32 v10  }
0x10f: {  	v14 =	vmul.f32 $1.442695020e+00, v14;
	v11 =	vmul.f32 $-1.702000020e+00, v3;
	v12 =	vld [tilespmem:s25+$0x4D60];
	[tilespmem:s13+$0x9560] =	vst v1;
	s13 =	smov.u32 s25  }
0x110: {  	v1 =	vmul.f32 $-1.702000020e+00, v4;
	v13 =	vld [tilespmem:s13+$0x9560]  }
0x111: {  	v2 =	vadd.f32 v2, v9;
	v9 =	vmul.f32 $1.442695020e+00, v11;
	(erf) = vpow2.f32 v14  }
0x112: {  	v1 =	vmul.f32 $1.442695020e+00, v1;
	v10 =	vpop (erf)  }
0x113: {  	v11 =	vmul.f32 $-1.702000020e+00, v2;
	v10 =	vadd.f32 $1.000000000e+00, v10;
	v14 =	vpop (erf);
	(erf) = vpow2.f32 v9  }
0x114: {  	v9 =	vadd.f32 $1.000000000e+00, v14;
	(erf) = vpow2.f32 v1  }
0x115: {  	v11 =	vmul.f32 $1.442695020e+00, v11;
	v1 =	vadd.f32 v13, v12;
	(erf) = vrcp.f32 v10  }
0x116: {  	(erf) = vrcp.f32 v9  }
0x117: {  	v12 =	vmul.f32 $-1.702000020e+00, v1;
	(erf) = vpow2.f32 v11;
	v10 =	vpop (erf)  }
.Ltmp1:
0x118: {  	v10 =	vadd.f32 $1.000000000e+00, v10;
	(pc) =	sbr.rel @p1 .LBB2_5-.Ltmp1, $4  }
0x119: {  	v11 =	vmul.f32 $1.442695020e+00, v12  }
0x11a: {  	v9 =	vpop (erf);
	(erf) = vrcp.f32 v10  }
0x11b: {  	v9 =	vadd.f32 $1.000000000e+00, v9;
	(erf) = vpow2.f32 v11  }
0x11c: {  	v10 =	vpop (erf)  }
0x11d: {  	_ = 	snop  }
0x11e: {  	s15 =	sshra.s32 s17, $0x2;
	v11 =	vpop (erf);
	v10 =	vadd.f32 $1.000000000e+00, v10  }
0x11f: {  	(erf) = vrcp.f32 v9;
	v12 =	vld [tilespmem:s15+$0x4D20];
	v57 =	vpop (erf)  }
0x120: {  	v13 =	vld [tilespmem:s15+$0x4D50];
	v11 =	vadd.f32 $1.000000000e+00, v11;
	v8 =	vmul.f32 v57, v8;
	v14 =	vpop (erf);
	(erf) = vrcp.f32 v10  }
0x121: {  	v58 =	vld [tilespmem:s15+$0x4D00];
	v7 =	vmul.f32 v14, v7;
	v60 =	vpop (erf)  }
0x122: {  	v59 =	vld [tilespmem:s15+$0x4D40];
	(erf) = vrcp.f32 v11;
	[tilespmem:s13+$0x9540] =	vst v8;
	v8 =	vadd.f32 $1.000000000e+00, v60  }
0x123: {  	v61 =	vld [tilespmem:s15+$0x9540];
	[tilespmem:s13+$0x9500] =	vst v7;
	v62 =	vpop (erf)  }
0x124: {  	v7 =	vld [tilespmem:s15+$0x9500];
	(erf) = vrcp.f32 v8;
	v5 =	vmul.f32 v62, v5;
	v17 =	vpop (erf)  }
0x125: {  	v63 =	vld [tilespmem:s15+$0x4D10];
	v14 =	vadd.f32 $1.000000000e+00, v17  }
0x126: {  	v15 =	vld [tilespmem:s15+$0x4D70];
	[tilespmem:s13+$0x9570] =	vst v5  }
0x127: {  	v19 =	vld [tilespmem:s15+$0x9570];
	(erf) = vrcp.f32 v14  }
0x128: {  	v18 =	vpop (erf)  }
0x129: {  	v5 =	vmul.f32 v18, v6;
	v10 =	vadd.f32 v61, v59;
	v20 =	vpop (erf);
	v7 =	vadd.f32 v7, v58  }
0x12a: {  	v3 =	vmul.f32 v20, v3  }
0x12b: {  	[tilespmem:s13+$0x9510] =	vst v5;
	v21 =	vmul.f32 $-1.702000020e+00, v10;
	v22 =	vpop (erf);
	v24 =	vmul.f32 $-1.702000020e+00, v7  }
0x12c: {  	v23 =	vld [tilespmem:s15+$0x9510];
	v4 =	vmul.f32 v22, v4;
	v6 =	vadd.f32 v19, v15  }
0x12d: {  	[tilespmem:s13+$0x9550] =	vst v3;
	v5 =	vmul.f32 $1.442695020e+00, v21;
	v25 =	vmul.f32 $1.442695020e+00, v24;
	v26 =	vpop (erf)  }
0x12e: {  	v3 =	vld [tilespmem:s15+$0x9550];
	[tilespmem:s13+$0x9520] =	vst v4;
	v2 =	vmul.f32 v26, v2;
	v28 =	vmul.f32 $-1.702000020e+00, v6  }
0x12f: {  	v27 =	vld [tilespmem:s15+$0x9520];
	(erf) = vpow2.f32 v5  }
0x130: {  	v29 =	vld [tilespmem:s15+$0x4D30];
	(erf) = vpow2.f32 v25;
	[tilespmem:s13+$0x9530] =	vst v2;
	v2 =	vmul.f32 $1.442695020e+00, v28;
	v30 =	vpop (erf)  }
0x131: {  	v8 =	vadd.f32 v23, v63;
	v31 =	vld [tilespmem:s15+$0x9530];
	v1 =	vmul.f32 v30, v1  }
0x132: {  	(erf) = vpow2.f32 v2  }
0x133: {  	v32 =	vmul.f32 $-1.702000020e+00, v8;
	v3 =	vadd.f32 v3, v13;
	v2 =	vld [tilespmem:s15+$0x4D60];
	[tilespmem:s13+$0x9560] =	vst v1  }
0x134: {  	v1 =	vadd.f32 v27, v12;
	v33 =	vld [tilespmem:s15+$0x9560]  }
0x135: {  	v4 =	vmul.f32 $1.442695020e+00, v32;
	v34 =	vmul.f32 $-1.702000020e+00, v3  }
0x136: {  	v35 =	vmul.f32 $-1.702000020e+00, v1;
	v5 =	vadd.f32 v31, v29  }
0x137: {  	v36 =	vmul.f32 $1.442695020e+00, v34;
	(erf) = vpow2.f32 v4  }
0x138: {  	v38 =	vpop (erf);
	v37 =	vmul.f32 $1.442695020e+00, v35;
	v39 =	vmul.f32 $-1.702000020e+00, v5  }
0x139: {  	v12 =	vadd.f32 $1.000000000e+00, v38;
	v40 =	vpop (erf);
	(erf) = vpow2.f32 v36;
	v2 =	vadd.f32 v33, v2  }
0x13a: {  	v41 =	vadd.f32 $1.000000000e+00, v40;
	(erf) = vpow2.f32 v37;
	v42 =	vmul.f32 $1.442695020e+00, v39  }
0x13b: {  	(erf) = vrcp.f32 v12;
	v11 =	vmul.f32 $-1.702000020e+00, v2;
	v43 =	vpop (erf)  }
0x13c: {  	(erf) = vrcp.f32 v41;
	v44 =	vadd.f32 $1.000000000e+00, v43  }
0x13d: {  	(erf) = vpow2.f32 v42;
	v45 =	vmul.f32 $1.442695020e+00, v11  }
0x13e: {  	(erf) = vrcp.f32 v44  }
0x13f: {  	(erf) = vpow2.f32 v45;
	_ =	sdelay $0x1  }
0x140: {  	v46 =	vpop (erf)  }
0x141: {  	v47 =	vpop (erf)  }
0x142: {  	v48 =	vpop (erf)  }
0x143: {  	v49 =	vpop (erf)  }
0x144: {  	v4 =	vadd.f32 $1.000000000e+00, v46;
	v50 =	vpop (erf)  }
0x145: {  	v9 =	vadd.f32 $1.000000000e+00, v47;
	v51 =	vpop (erf)  }
0x146: {  	v52 =	vadd.f32 $1.000000000e+00, v48;
	(erf) = vrcp.f32 v4;
	v53 =	vpop (erf)  }
0x147: {  	(erf) = vrcp.f32 v9;
	v54 =	vadd.f32 $1.000000000e+00, v51;
	v55 =	vpop (erf)  }
0x148: {  	(erf) = vrcp.f32 v52;
	v56 =	vadd.f32 $1.000000000e+00, v55  }
0x149: {  	(erf) = vrcp.f32 v54  }
0x14a: {  	(erf) = vrcp.f32 v56;
	_ =	sdelay $0x2  }
0x14b: {  	v57 =	vmul.f32 v49, v10  }
0x14c: {  	v7 =	vmul.f32 v50, v7  }
0x14d: {  	[tilespmem:s15+$0x9540] =	vst v57;
	v58 =	vmul.f32 v53, v6;
	v59 =	vpop (erf)  }
0x14e: {  	[tilespmem:s15+$0x9500] =	vst v7;
	v6 =	vmul.f32 v59, v8;
	v60 =	vpop (erf)  }
0x14f: {  	[tilespmem:s15+$0x9570] =	vst v58;
	v3 =	vmul.f32 v60, v3;
	v61 =	vpop (erf)  }
0x150: {  	[tilespmem:s15+$0x9510] =	vst v6;
	v1 =	vmul.f32 v61, v1;
	v62 =	vpop (erf)  }
0x151: {  	[tilespmem:s15+$0x9550] =	vst v3;
	v3 =	vmul.f32 v62, v5;
	v63 =	vpop (erf)  }
0x152: {  	[tilespmem:s15+$0x9520] =	vst v1;
	v1 =	vmul.f32 v63, v2  }
0x153: {  	[tilespmem:s15+$0x9530] =	vst v3  }
0x154: {  	[tilespmem:s15+$0x9560] =	vst v1  }
0x155: {  	[spmem:s3] =	stream.indirect.scatter.add.f32 [tilespmem:s8], [sflag:$0x5], $0x80, s0, s31, $0xb8;
	[tilespmem:$0x1F180] =	vst v63  }
0x156: {  	s11 =	sadd.s32 $0xD8, s11;
	s9 =	sadd.s32 $0x1, s9  }
0x157: {  	[tilespmem:s12], [sflag:$0x2] =	stream.indirect.gather [hbm4b:s1+s31], $0x80, s11, s31, $0xb8;
	[tilespmem:$0x1F180] =	vst v63  }
0x158: {  	p1 =	sne.s32 s9, $0x44;
	s11 =	sadd.s32 s5, s11;
	_ =	swait.ge [sflag:s18], $0x2400  }
.Ltmp2:
0x159: {  	s25 =	sshrl.u32 s11, $0x3;
	[sflag:s18] =	ssyncset.done $0x0;
	(pc) =	sbr.rel @p1 .LBB2_2-.Ltmp2, $4  }
0x15a: {  	s11 =	sshll.u32 s11, $0x4;
	s13 =	sadd.s32 s7, s25;
	[sflag:s18] =	ssyncadd.s32 $0xFFFFDC00  }
0x15b: {  	[tilespmem:s0], [sflag:$0x4] =	stream.linear.gather [hbm4b:s13+s4], $0x48, $0x38;
	[tilespmem:$0x1F180] =	vst v63  }
0x15c: {  	s11 =	sadd.s32 s6, s11  }
0x15d: {  	[tilespmem:s8], [sflag:$0x4] =	stream.linear.gather [hbm4b:s11+s4], $0x2400, $0x38;
	[tilespmem:$0x1F180] =	vst v63  }
0x15e: {  	_ =	swait.ge [sflag:s14], $0x2400  }
0x15f: {  	[sflag:s14] =	ssyncset.done $0x0  }
0x160: {  	[sflag:s14] =	ssyncadd.s32 $0xFFFFDC00  }
0x161: {  	_ =	swait.ge [sflag:s16], $0x48  }
0x162: {  	[sflag:s16] =	ssyncset.done $0x0  }
0x163: {  	[sflag:s16] =	ssyncadd.s32 $0xFFFFFFB8  }
0x164: {  	_ =	swait.ge [sflag:s16], $0x2400  }
0x165: {  	[sflag:s16] =	ssyncset.done $0x0  }
0x166: {  	s9 =	simm.s32 $0x0;
	[sflag:s16] =	ssyncadd.s32 $0xFFFFDC00  }
0x167: {  	v1 =	vld [tilespmem:s9+$0x2900]  }
0x168: {  	v2 =	vld [tilespmem:s9+$0x2940]  }
0x169: {  	v3 =	vld [tilespmem:s9+$0x7140]  }
0x16a: {  	v4 =	vld [tilespmem:s9+$0x7100];
	_ =	sdelay $0x1  }
0x16b: {  	v5 =	vld [tilespmem:s9+$0x2970]  }
0x16c: {  	v6 =	vld [tilespmem:s9+$0x7170]  }
0x16d: {  	v9 =	vld [tilespmem:s9+$0x2950];
	v8 =	vadd.f32 v3, v2  }
0x16e: {  	v10 =	vld [tilespmem:s9+$0x2910];
	v7 =	vadd.f32 v4, v1  }
0x16f: {  	v1 =	vld [tilespmem:s9+$0x7110];
	v2 =	vmul.f32 $-1.702000020e+00, v8  }
0x170: {  	v3 =	vld [tilespmem:s9+$0x7150];
	v4 =	vmul.f32 $-1.702000020e+00, v7  }
0x171: {  	v5 =	vadd.f32 v6, v5;
	v2 =	vmul.f32 $1.442695020e+00, v2  }
0x172: {  	v11 =	vld [tilespmem:s9+$0x2920];
	v4 =	vmul.f32 $1.442695020e+00, v4  }
0x173: {  	v13 =	vld [tilespmem:s9+$0x7120];
	v12 =	vmul.f32 $-1.702000020e+00, v5;
	(erf) = vpow2.f32 v2  }
0x174: {  	v6 =	vadd.f32 v1, v10;
	v1 =	vld [tilespmem:s9+$0x2930];
	(erf) = vpow2.f32 v4  }
0x175: {  	v3 =	vadd.f32 v3, v9;
	v9 =	vld [tilespmem:s9+$0x7130];
	v2 =	vmul.f32 $1.442695020e+00, v12  }
0x176: {  	v4 =	vmul.f32 $-1.702000020e+00, v6  }
0x177: {  	v60 =	vld [tilespmem:s9+$0x2960];
	(erf) = vpow2.f32 v2;
	v2 =	vmul.f32 $-1.702000020e+00, v3  }
0x178: {  	v10 =	vmul.f32 $1.442695020e+00, v4;
	v4 =	vadd.f32 v13, v11;
	v11 =	vld [tilespmem:s9+$0x7160]  }
0x179: {  	v61 =	vmul.f32 $1.442695020e+00, v2  }
0x17a: {  	v2 =	vadd.f32 v9, v1;
	(erf) = vpow2.f32 v10;
	v10 =	vmul.f32 $-1.702000020e+00, v4  }
0x17b: {  	(erf) = vpow2.f32 v61  }
0x17c: {  	v9 =	vmul.f32 $1.442695020e+00, v10;
	v10 =	vmul.f32 $-1.702000020e+00, v2;
	v1 =	vpop (erf)  }
0x17d: {  	v62 =	vadd.f32 $1.000000000e+00, v1;
	v14 =	vpop (erf);
	v1 =	vadd.f32 v11, v60  }
0x17e: {  	(erf) = vpow2.f32 v9;
	v9 =	vmul.f32 $1.442695020e+00, v10;
	v11 =	vadd.f32 $1.000000000e+00, v14  }
0x17f: {  	(erf) = vrcp.f32 v62;
	v10 =	vmul.f32 $-1.702000020e+00, v1  }
0x180: {  	(erf) = vrcp.f32 v11  }
0x181: {  	v63 =	vpop (erf);
	(erf) = vpow2.f32 v9;
	v10 =	vmul.f32 $1.442695020e+00, v10  }
0x182: {  	v11 =	vadd.f32 $1.000000000e+00, v63;
	_ =	sdelay $0x1  }
0x183: {  	v9 =	vpop (erf);
	(erf) = vrcp.f32 v11  }
0x184: {  	s13 =	simm.s32 $0x200;
	s11 =	simm.s32 $0x400;
	v9 =	vadd.f32 $1.000000000e+00, v9;
	(erf) = vpow2.f32 v10;
	v10 =	vpop (erf)  }
.LBB2_8:
0x185: {  	p1 =	sne.s32 s11, $0x8E00  }
0x186: {  	s15 =	sshra.s32 s13, $0x2;
	v10 =	vadd.f32 $1.000000000e+00, v10;
	(erf) = vrcp.f32 v9;
	v9 =	vpop (erf);
	s13 =	smov.u32 s11;
	s11 =	sadd.s32 $0x200, s11  }
0x187: {  	v11 =	vld [tilespmem:s15+$0x2920];
	v14 =	vadd.f32 $1.000000000e+00, v9;
	v12 =	vpop (erf)  }
0x188: {  	v13 =	vld [tilespmem:s15+$0x2950];
	v8 =	vmul.f32 v12, v8;
	v12 =	vpop (erf);
	(erf) = vrcp.f32 v10  }
0x189: {  	v10 =	vld [tilespmem:s15+$0x2900];
	v7 =	vmul.f32 v12, v7;
	(erf) = vrcp.f32 v14;
	v9 =	vpop (erf)  }
0x18a: {  	v12 =	vld [tilespmem:s15+$0x2940];
	v14 =	vadd.f32 $1.000000000e+00, v9;
	[tilespmem:s9+$0x7140] =	vst v8  }
0x18b: {  	v8 =	vld [tilespmem:s15+$0x7140];
	[tilespmem:s9+$0x7100] =	vst v7  }
0x18c: {  	v7 =	vld [tilespmem:s15+$0x7100];
	(erf) = vrcp.f32 v14;
	v9 =	vpop (erf)  }
0x18d: {  	v14 =	vld [tilespmem:s15+$0x2910];
	v16 =	vmul.f32 v9, v5;
	v9 =	vpop (erf)  }
0x18e: {  	v9 =	vadd.f32 $1.000000000e+00, v9  }
0x18f: {  	v15 =	vld [tilespmem:s15+$0x2970];
	[tilespmem:s9+$0x7170] =	vst v16;
	v5 =	vpop (erf)  }
0x190: {  	v8 =	vadd.f32 v8, v12;
	v12 =	vld [tilespmem:s15+$0x7170];
	v16 =	vmul.f32 v5, v6;
	(erf) = vrcp.f32 v9  }
0x191: {  	v7 =	vadd.f32 v7, v10;
	v6 =	vpop (erf)  }
0x192: {  	v9 =	vmul.f32 $-1.702000020e+00, v8;
	[tilespmem:s9+$0x7110] =	vst v16;
	v3 =	vmul.f32 v6, v3;
	v5 =	vpop (erf)  }
0x193: {  	v6 =	vmul.f32 $-1.702000020e+00, v7;
	v10 =	vld [tilespmem:s15+$0x7110];
	v17 =	vmul.f32 v5, v4  }
0x194: {  	v9 =	vmul.f32 $1.442695020e+00, v9;
	[tilespmem:s9+$0x7150] =	vst v3  }
0x195: {  	v3 =	vmul.f32 $1.442695020e+00, v6;
	v16 =	vld [tilespmem:s15+$0x7150];
	v5 =	vadd.f32 v12, v15;
	[tilespmem:s9+$0x7120] =	vst v17;
	v4 =	vpop (erf)  }
0x196: {  	v12 =	vld [tilespmem:s15+$0x7120];
	(erf) = vpow2.f32 v9;
	v2 =	vmul.f32 v4, v2  }
0x197: {  	v15 =	vmul.f32 $-1.702000020e+00, v5;
	(erf) = vpow2.f32 v3  }
0x198: {  	v6 =	vadd.f32 v10, v14;
	v9 =	vld [tilespmem:s15+$0x2930];
	[tilespmem:s9+$0x7130] =	vst v2  }
0x199: {  	v2 =	vld [tilespmem:s15+$0x7130];
	v10 =	vmul.f32 $1.442695020e+00, v15;
	v4 =	vpop (erf)  }
0x19a: {  	v14 =	vmul.f32 $-1.702000020e+00, v6;
	v3 =	vadd.f32 v16, v13;
	v1 =	vmul.f32 v4, v1  }
0x19b: {  	v4 =	vadd.f32 v12, v11;
	(erf) = vpow2.f32 v10  }
0x19c: {  	v14 =	vmul.f32 $1.442695020e+00, v14;
	v11 =	vmul.f32 $-1.702000020e+00, v3;
	v12 =	vld [tilespmem:s15+$0x2960];
	[tilespmem:s9+$0x7160] =	vst v1;
	s9 =	smov.u32 s15  }
0x19d: {  	v1 =	vmul.f32 $-1.702000020e+00, v4;
	v13 =	vld [tilespmem:s9+$0x7160]  }
0x19e: {  	v2 =	vadd.f32 v2, v9;
	v9 =	vmul.f32 $1.442695020e+00, v11;
	(erf) = vpow2.f32 v14  }
0x19f: {  	v1 =	vmul.f32 $1.442695020e+00, v1;
	v10 =	vpop (erf)  }
0x1a0: {  	v11 =	vmul.f32 $-1.702000020e+00, v2;
	v10 =	vadd.f32 $1.000000000e+00, v10;
	v14 =	vpop (erf);
	(erf) = vpow2.f32 v9  }
0x1a1: {  	v9 =	vadd.f32 $1.000000000e+00, v14;
	(erf) = vpow2.f32 v1  }
0x1a2: {  	v11 =	vmul.f32 $1.442695020e+00, v11;
	v1 =	vadd.f32 v13, v12;
	(erf) = vrcp.f32 v10  }
0x1a3: {  	(erf) = vrcp.f32 v9  }
0x1a4: {  	v12 =	vmul.f32 $-1.702000020e+00, v1;
	(erf) = vpow2.f32 v11;
	v10 =	vpop (erf)  }
.Ltmp3:
0x1a5: {  	v10 =	vadd.f32 $1.000000000e+00, v10;
	(pc) =	sbr.rel @p1 .LBB2_8-.Ltmp3, $4  }
0x1a6: {  	v11 =	vmul.f32 $1.442695020e+00, v12  }
0x1a7: {  	v9 =	vpop (erf);
	(erf) = vrcp.f32 v10  }
0x1a8: {  	v9 =	vadd.f32 $1.000000000e+00, v9;
	(erf) = vpow2.f32 v11  }
0x1a9: {  	v10 =	vpop (erf)  }
0x1aa: {  	v11 =	vpop (erf)  }
0x1ab: {  	(erf) = vrcp.f32 v9;
	v9 =	vpop (erf)  }
0x1ac: {  	s11 =	sshra.s32 s13, $0x2;
	v10 =	vadd.f32 $1.000000000e+00, v10;
	v8 =	vmul.f32 v9, v8  }
0x1ad: {  	v12 =	vld [tilespmem:s11+$0x2920];
	v11 =	vadd.f32 $1.000000000e+00, v11  }
0x1ae: {  	v13 =	vld [tilespmem:s11+$0x2950];
	(erf) = vrcp.f32 v10  }
0x1af: {  	v9 =	vld [tilespmem:s11+$0x2900];
	v14 =	vpop (erf);
	(erf) = vrcp.f32 v11  }
0x1b0: {  	v10 =	vld [tilespmem:s11+$0x2940];
	v7 =	vmul.f32 v14, v7;
	[tilespmem:s9+$0x7140] =	vst v8;
	v8 =	vpop (erf)  }
0x1b1: {  	v43 =	vpop (erf)  }
0x1b2: {  	v11 =	vld [tilespmem:s11+$0x7140];
	[tilespmem:s9+$0x7100] =	vst v7;
	v8 =	vadd.f32 $1.000000000e+00, v8;
	v5 =	vmul.f32 v43, v5  }
0x1b3: {  	v7 =	vld [tilespmem:s11+$0x7100]  }
0x1b4: {  	(erf) = vrcp.f32 v8  }
0x1b5: {  	v15 =	vld [tilespmem:s11+$0x2970];
	v44 =	vpop (erf)  }
0x1b6: {  	v8 =	vld [tilespmem:s11+$0x2910];
	[tilespmem:s9+$0x7170] =	vst v5;
	v5 =	vpop (erf)  }
0x1b7: {  	v14 =	vadd.f32 $1.000000000e+00, v44;
	v10 =	vadd.f32 v11, v10;
	v5 =	vmul.f32 v5, v6;
	v6 =	vld [tilespmem:s11+$0x7170];
	v11 =	vpop (erf)  }
0x1b8: {  	v7 =	vadd.f32 v7, v9;
	v9 =	vpop (erf)  }
0x1b9: {  	(erf) = vrcp.f32 v14;
	v4 =	vmul.f32 v9, v4  }
0x1ba: {  	v3 =	vmul.f32 v11, v3  }
0x1bb: {  	[tilespmem:s9+$0x7110] =	vst v5  }
0x1bc: {  	v11 =	vld [tilespmem:s11+$0x7110];
	[tilespmem:s9+$0x7150] =	vst v3;
	v6 =	vadd.f32 v6, v15  }
0x1bd: {  	v45 =	vmul.f32 $-1.702000020e+00, v7;
	v5 =	vmul.f32 $-1.702000020e+00, v10;
	v3 =	vld [tilespmem:s11+$0x7150];
	[tilespmem:s9+$0x7120] =	vst v4;
	v4 =	vpop (erf)  }
0x1be: {  	v2 =	vmul.f32 v4, v2;
	v4 =	vmul.f32 $-1.702000020e+00, v6  }
0x1bf: {  	v5 =	vmul.f32 $1.442695020e+00, v5  }
0x1c0: {  	v9 =	vmul.f32 $1.442695020e+00, v45  }
0x1c1: {  	v46 =	vld [tilespmem:s11+$0x7120];
	(erf) = vpow2.f32 v5  }
0x1c2: {  	v5 =	vld [tilespmem:s11+$0x2930];
	(erf) = vpow2.f32 v9;
	[tilespmem:s9+$0x7130] =	vst v2;
	v2 =	vmul.f32 $1.442695020e+00, v4;
	v4 =	vpop (erf)  }
0x1c3: {  	v8 =	vadd.f32 v11, v8;
	v9 =	vld [tilespmem:s11+$0x7130];
	v1 =	vmul.f32 v4, v1  }
0x1c4: {  	(erf) = vpow2.f32 v2  }
0x1c5: {  	v3 =	vadd.f32 v3, v13;
	v2 =	vld [tilespmem:s11+$0x2960];
	v4 =	vmul.f32 $-1.702000020e+00, v8;
	[tilespmem:s9+$0x7160] =	vst v1  }
0x1c6: {  	v1 =	vadd.f32 v46, v12;
	v11 =	vld [tilespmem:s11+$0x7160]  }
0x1c7: {  	v47 =	vmul.f32 $-1.702000020e+00, v3;
	v4 =	vmul.f32 $1.442695020e+00, v4  }
0x1c8: {  	v5 =	vadd.f32 v9, v5;
	v48 =	vmul.f32 $-1.702000020e+00, v1  }
0x1c9: {  	v9 =	vmul.f32 $1.442695020e+00, v47;
	(erf) = vpow2.f32 v4  }
0x1ca: {  	v49 =	vpop (erf);
	v50 =	vmul.f32 $-1.702000020e+00, v5;
	v4 =	vmul.f32 $1.442695020e+00, v48  }
0x1cb: {  	v12 =	vadd.f32 $1.000000000e+00, v49;
	v51 =	vpop (erf);
	(erf) = vpow2.f32 v9;
	v2 =	vadd.f32 v11, v2  }
0x1cc: {  	v9 =	vadd.f32 $1.000000000e+00, v51;
	(erf) = vpow2.f32 v4;
	v4 =	vmul.f32 $1.442695020e+00, v50  }
0x1cd: {  	v52 =	vpop (erf);
	(erf) = vrcp.f32 v12;
	v11 =	vmul.f32 $-1.702000020e+00, v2  }
0x1ce: {  	(erf) = vrcp.f32 v9;
	v9 =	vadd.f32 $1.000000000e+00, v52  }
0x1cf: {  	(erf) = vpow2.f32 v4;
	v4 =	vmul.f32 $1.442695020e+00, v11  }
0x1d0: {  	(erf) = vrcp.f32 v9  }
0x1d1: {  	(erf) = vpow2.f32 v4;
	_ =	sdelay $0x1  }
0x1d2: {  	v4 =	vpop (erf)  }
0x1d3: {  	v9 =	vpop (erf)  }
0x1d4: {  	v11 =	vpop (erf)  }
0x1d5: {  	v53 =	vpop (erf)  }
0x1d6: {  	v4 =	vadd.f32 $1.000000000e+00, v4;
	v54 =	vpop (erf)  }
0x1d7: {  	v9 =	vadd.f32 $1.000000000e+00, v9;
	v55 =	vpop (erf)  }
0x1d8: {  	(erf) = vrcp.f32 v4;
	v4 =	vadd.f32 $1.000000000e+00, v11;
	v11 =	vpop (erf)  }
0x1d9: {  	(erf) = vrcp.f32 v9;
	v9 =	vadd.f32 $1.000000000e+00, v55;
	v56 =	vpop (erf)  }
0x1da: {  	(erf) = vrcp.f32 v4;
	v4 =	vadd.f32 $1.000000000e+00, v56  }
0x1db: {  	(erf) = vrcp.f32 v9  }
0x1dc: {  	(erf) = vrcp.f32 v4  }
0x1dd: {  	v4 =	vmul.f32 v53, v10  }
0x1de: {  	v7 =	vmul.f32 v54, v7  }
0x1df: {  	[tilespmem:s11+$0x7140] =	vst v4;
	v4 =	vmul.f32 v11, v6;
	_ =	sdelay $0x1  }
0x1e0: {  	v6 =	vpop (erf)  }
0x1e1: {  	[tilespmem:s11+$0x7100] =	vst v7;
	v6 =	vmul.f32 v6, v8;
	v7 =	vpop (erf)  }
0x1e2: {  	[tilespmem:s11+$0x7170] =	vst v4;
	v3 =	vmul.f32 v7, v3;
	v4 =	vpop (erf)  }
0x1e3: {  	[tilespmem:s11+$0x7110] =	vst v6;
	v1 =	vmul.f32 v4, v1;
	v4 =	vpop (erf)  }
0x1e4: {  	[tilespmem:s11+$0x7150] =	vst v3;
	v3 =	vmul.f32 v4, v5;
	v4 =	vpop (erf)  }
0x1e5: {  	[tilespmem:s11+$0x7120] =	vst v1;
	v1 =	vmul.f32 v4, v2  }
0x1e6: {  	[tilespmem:s11+$0x7130] =	vst v3  }
0x1e7: {  	[tilespmem:s11+$0x7160] =	vst v1  }
0x1e8: {  	[spmem:s3] =	stream.indirect.scatter.add.f32 [tilespmem:s30], [sflag:$0x5], $0x80, s29, s31, $0xb8;
	[tilespmem:$0x1F180] =	vst v63  }
0x1e9: {  	_ =	swait.ge [sflag:s18], $0x2400  }
0x1ea: {  	[sflag:s18] =	ssyncset.done $0x0  }
0x1eb: {  	[sflag:s18] =	ssyncadd.s32 $0xFFFFDC00  }
0x1ec: {  	_ =	swait.ge [sflag:s19], $0x2400  }
0x1ed: {  	[sflag:s19] =	ssyncset.done $0x0  }
0x1ee: {  	[sflag:s19] =	ssyncadd.s32 $0xFFFFDC00  }
0x1ef: {  	_ =	swait.ge [sflag:s20], $0x48  }
0x1f0: {  	[sflag:s20] =	ssyncset.done $0x0  }
0x1f1: {  	[sflag:s20] =	ssyncadd.s32 $0xFFFFFFB8  }
0x1f2: {  	_ =	swait.ge [sflag:s20], $0x2400  }
0x1f3: {  	[sflag:s20] =	ssyncset.done $0x0  }
0x1f4: {  	s9 =	simm.s32 $0x0;
	[sflag:s20] =	ssyncadd.s32 $0xFFFFDC00  }
0x1f5: {  	v1 =	vld [tilespmem:s9+$0x4D00]  }
0x1f6: {  	v2 =	vld [tilespmem:s9+$0x4D40]  }
0x1f7: {  	v3 =	vld [tilespmem:s9+$0x9540]  }
0x1f8: {  	v4 =	vld [tilespmem:s9+$0x9500];
	_ =	sdelay $0x1  }
0x1f9: {  	v5 =	vld [tilespmem:s9+$0x4D70]  }
0x1fa: {  	v6 =	vld [tilespmem:s9+$0x9570]  }
0x1fb: {  	v9 =	vld [tilespmem:s9+$0x4D50];
	v8 =	vadd.f32 v3, v2  }
0x1fc: {  	v10 =	vld [tilespmem:s9+$0x4D10];
	v7 =	vadd.f32 v4, v1  }
0x1fd: {  	v1 =	vld [tilespmem:s9+$0x9510];
	v2 =	vmul.f32 $-1.702000020e+00, v8  }
0x1fe: {  	v3 =	vld [tilespmem:s9+$0x9550];
	v4 =	vmul.f32 $-1.702000020e+00, v7  }
0x1ff: {  	v5 =	vadd.f32 v6, v5;
	v2 =	vmul.f32 $1.442695020e+00, v2  }
0x200: {  	v11 =	vld [tilespmem:s9+$0x4D20];
	v4 =	vmul.f32 $1.442695020e+00, v4  }
0x201: {  	v58 =	vld [tilespmem:s9+$0x9520];
	v57 =	vmul.f32 $-1.702000020e+00, v5;
	(erf) = vpow2.f32 v2  }
0x202: {  	v6 =	vadd.f32 v1, v10;
	v1 =	vld [tilespmem:s9+$0x4D30];
	(erf) = vpow2.f32 v4  }
0x203: {  	v3 =	vadd.f32 v3, v9;
	v9 =	vld [tilespmem:s9+$0x9530];
	v2 =	vmul.f32 $1.442695020e+00, v57  }
0x204: {  	v4 =	vmul.f32 $-1.702000020e+00, v6  }
0x205: {  	v59 =	vld [tilespmem:s9+$0x4D60];
	(erf) = vpow2.f32 v2;
	v2 =	vmul.f32 $-1.702000020e+00, v3  }
0x206: {  	v10 =	vmul.f32 $1.442695020e+00, v4;
	v4 =	vadd.f32 v58, v11;
	v11 =	vld [tilespmem:s9+$0x9560]  }
0x207: {  	v60 =	vmul.f32 $1.442695020e+00, v2  }
0x208: {  	v2 =	vadd.f32 v9, v1;
	(erf) = vpow2.f32 v10;
	v10 =	vmul.f32 $-1.702000020e+00, v4  }
0x209: {  	(erf) = vpow2.f32 v60  }
0x20a: {  	v9 =	vmul.f32 $1.442695020e+00, v10;
	v10 =	vmul.f32 $-1.702000020e+00, v2;
	v1 =	vpop (erf)  }
0x20b: {  	v61 =	vadd.f32 $1.000000000e+00, v1;
	v62 =	vpop (erf);
	v1 =	vadd.f32 v11, v59  }
0x20c: {  	(erf) = vpow2.f32 v9;
	v9 =	vmul.f32 $1.442695020e+00, v10;
	v11 =	vadd.f32 $1.000000000e+00, v62  }
0x20d: {  	(erf) = vrcp.f32 v61;
	v10 =	vmul.f32 $-1.702000020e+00, v1  }
0x20e: {  	v63 =	vpop (erf);
	(erf) = vrcp.f32 v11  }
0x20f: {  	(erf) = vpow2.f32 v9;
	v10 =	vmul.f32 $1.442695020e+00, v10  }
0x210: {  	v11 =	vadd.f32 $1.000000000e+00, v63;
	_ =	sdelay $0x1  }
0x211: {  	s13 =	simm.s32 $0x200;
	v9 =	vpop (erf);
	(erf) = vrcp.f32 v11  }
0x212: {  	s17 =	smov.u32 s21;
	s11 =	simm.s32 $0x400;
	s25 =	rddreg [dreg:$0x5];
	v9 =	vadd.f32 $1.000000000e+00, v9;
	(erf) = vpow2.f32 v10;
	v10 =	vpop (erf)  }
.LBB2_10:
0x213: {  	p1 =	sne.s32 s11, $0x8E00  }
0x214: {  	s15 =	sshra.s32 s13, $0x2;
	v10 =	vadd.f32 $1.000000000e+00, v10;
	(erf) = vrcp.f32 v9;
	v9 =	vpop (erf);
	s13 =	smov.u32 s11;
	s11 =	sadd.s32 $0x200, s11  }
0x215: {  	v11 =	vld [tilespmem:s15+$0x4D20];
	v14 =	vadd.f32 $1.000000000e+00, v9;
	v12 =	vpop (erf)  }
0x216: {  	v13 =	vld [tilespmem:s15+$0x4D50];
	v8 =	vmul.f32 v12, v8;
	v12 =	vpop (erf);
	(erf) = vrcp.f32 v10  }
0x217: {  	v10 =	vld [tilespmem:s15+$0x4D00];
	v7 =	vmul.f32 v12, v7;
	(erf) = vrcp.f32 v14;
	v9 =	vpop (erf)  }
0x218: {  	v12 =	vld [tilespmem:s15+$0x4D40];
	v14 =	vadd.f32 $1.000000000e+00, v9;
	[tilespmem:s9+$0x9540] =	vst v8  }
0x219: {  	v8 =	vld [tilespmem:s15+$0x9540];
	[tilespmem:s9+$0x9500] =	vst v7  }
0x21a: {  	v7 =	vld [tilespmem:s15+$0x9500];
	(erf) = vrcp.f32 v14;
	v9 =	vpop (erf)  }
0x21b: {  	v14 =	vld [tilespmem:s15+$0x4D10];
	v16 =	vmul.f32 v9, v5;
	v9 =	vpop (erf)  }
0x21c: {  	v9 =	vadd.f32 $1.000000000e+00, v9  }
0x21d: {  	v15 =	vld [tilespmem:s15+$0x4D70];
	[tilespmem:s9+$0x9570] =	vst v16;
	v5 =	vpop (erf)  }
0x21e: {  	v8 =	vadd.f32 v8, v12;
	v12 =	vld [tilespmem:s15+$0x9570];
	v16 =	vmul.f32 v5, v6;
	(erf) = vrcp.f32 v9  }
0x21f: {  	v7 =	vadd.f32 v7, v10;
	v6 =	vpop (erf)  }
0x220: {  	v9 =	vmul.f32 $-1.702000020e+00, v8;
	[tilespmem:s9+$0x9510] =	vst v16;
	v3 =	vmul.f32 v6, v3;
	v5 =	vpop (erf)  }
0x221: {  	v6 =	vmul.f32 $-1.702000020e+00, v7;
	v10 =	vld [tilespmem:s15+$0x9510];
	v17 =	vmul.f32 v5, v4  }
0x222: {  	v9 =	vmul.f32 $1.442695020e+00, v9;
	[tilespmem:s9+$0x9550] =	vst v3  }
0x223: {  	v3 =	vmul.f32 $1.442695020e+00, v6;
	v16 =	vld [tilespmem:s15+$0x9550];
	v5 =	vadd.f32 v12, v15;
	[tilespmem:s9+$0x9520] =	vst v17;
	v4 =	vpop (erf)  }
0x224: {  	v12 =	vld [tilespmem:s15+$0x9520];
	(erf) = vpow2.f32 v9;
	v2 =	vmul.f32 v4, v2  }
0x225: {  	v15 =	vmul.f32 $-1.702000020e+00, v5;
	(erf) = vpow2.f32 v3  }
0x226: {  	v6 =	vadd.f32 v10, v14;
	v9 =	vld [tilespmem:s15+$0x4D30];
	[tilespmem:s9+$0x9530] =	vst v2  }
0x227: {  	v2 =	vld [tilespmem:s15+$0x9530];
	v10 =	vmul.f32 $1.442695020e+00, v15;
	v4 =	vpop (erf)  }
0x228: {  	v14 =	vmul.f32 $-1.702000020e+00, v6;
	v3 =	vadd.f32 v16, v13;
	v1 =	vmul.f32 v4, v1  }
0x229: {  	v4 =	vadd.f32 v12, v11;
	(erf) = vpow2.f32 v10  }
0x22a: {  	v14 =	vmul.f32 $1.442695020e+00, v14;
	v11 =	vmul.f32 $-1.702000020e+00, v3;
	v12 =	vld [tilespmem:s15+$0x4D60];
	[tilespmem:s9+$0x9560] =	vst v1;
	s9 =	smov.u32 s15  }
0x22b: {  	v1 =	vmul.f32 $-1.702000020e+00, v4;
	v13 =	vld [tilespmem:s9+$0x9560]  }
0x22c: {  	v2 =	vadd.f32 v2, v9;
	v9 =	vmul.f32 $1.442695020e+00, v11;
	(erf) = vpow2.f32 v14  }
0x22d: {  	v1 =	vmul.f32 $1.442695020e+00, v1;
	v10 =	vpop (erf)  }
0x22e: {  	v11 =	vmul.f32 $-1.702000020e+00, v2;
	v10 =	vadd.f32 $1.000000000e+00, v10;
	v14 =	vpop (erf);
	(erf) = vpow2.f32 v9  }
0x22f: {  	v9 =	vadd.f32 $1.000000000e+00, v14;
	(erf) = vpow2.f32 v1  }
0x230: {  	v11 =	vmul.f32 $1.442695020e+00, v11;
	v1 =	vadd.f32 v13, v12;
	(erf) = vrcp.f32 v10  }
0x231: {  	(erf) = vrcp.f32 v9  }
0x232: {  	v12 =	vmul.f32 $-1.702000020e+00, v1;
	(erf) = vpow2.f32 v11;
	v10 =	vpop (erf)  }
.Ltmp4:
0x233: {  	v10 =	vadd.f32 $1.000000000e+00, v10;
	(pc) =	sbr.rel @p1 .LBB2_10-.Ltmp4, $4  }
0x234: {  	v11 =	vmul.f32 $1.442695020e+00, v12  }
0x235: {  	v9 =	vpop (erf);
	(erf) = vrcp.f32 v10  }
0x236: {  	v9 =	vadd.f32 $1.000000000e+00, v9;
	(erf) = vpow2.f32 v11  }
0x237: {  	v10 =	vpop (erf)  }
0x238: {  	v11 =	vpop (erf)  }
0x239: {  	(erf) = vrcp.f32 v9;
	v9 =	vpop (erf)  }
0x23a: {  	s11 =	sshra.s32 s13, $0x2;
	v10 =	vadd.f32 $1.000000000e+00, v10;
	v8 =	vmul.f32 v9, v8  }
0x23b: {  	v12 =	vld [tilespmem:s11+$0x4D20];
	v11 =	vadd.f32 $1.000000000e+00, v11  }
0x23c: {  	v13 =	vld [tilespmem:s11+$0x4D50];
	(erf) = vrcp.f32 v10  }
0x23d: {  	v9 =	vld [tilespmem:s11+$0x4D00];
	v14 =	vpop (erf);
	(erf) = vrcp.f32 v11  }
0x23e: {  	v10 =	vld [tilespmem:s11+$0x4D40];
	v7 =	vmul.f32 v14, v7;
	[tilespmem:s9+$0x9540] =	vst v8;
	v8 =	vpop (erf)  }
0x23f: {  	v43 =	vpop (erf)  }
0x240: {  	v11 =	vld [tilespmem:s11+$0x9540];
	[tilespmem:s9+$0x9500] =	vst v7;
	v8 =	vadd.f32 $1.000000000e+00, v8;
	v5 =	vmul.f32 v43, v5  }
0x241: {  	v7 =	vld [tilespmem:s11+$0x9500]  }
0x242: {  	(erf) = vrcp.f32 v8  }
0x243: {  	v15 =	vld [tilespmem:s11+$0x4D70];
	v44 =	vpop (erf)  }
0x244: {  	v8 =	vld [tilespmem:s11+$0x4D10];
	[tilespmem:s9+$0x9570] =	vst v5;
	v5 =	vpop (erf)  }
0x245: {  	v14 =	vadd.f32 $1.000000000e+00, v44;
	v10 =	vadd.f32 v11, v10;
	v5 =	vmul.f32 v5, v6;
	v6 =	vld [tilespmem:s11+$0x9570];
	v11 =	vpop (erf)  }
0x246: {  	v7 =	vadd.f32 v7, v9;
	v9 =	vpop (erf)  }
0x247: {  	(erf) = vrcp.f32 v14;
	v4 =	vmul.f32 v9, v4  }
0x248: {  	v3 =	vmul.f32 v11, v3  }
0x249: {  	[tilespmem:s9+$0x9510] =	vst v5  }
0x24a: {  	v11 =	vld [tilespmem:s11+$0x9510];
	[tilespmem:s9+$0x9550] =	vst v3;
	v6 =	vadd.f32 v6, v15  }
0x24b: {  	v45 =	vmul.f32 $-1.702000020e+00, v7;
	v5 =	vmul.f32 $-1.702000020e+00, v10;
	v3 =	vld [tilespmem:s11+$0x9550];
	[tilespmem:s9+$0x9520] =	vst v4;
	v4 =	vpop (erf)  }
0x24c: {  	v2 =	vmul.f32 v4, v2;
	v4 =	vmul.f32 $-1.702000020e+00, v6  }
0x24d: {  	v5 =	vmul.f32 $1.442695020e+00, v5  }
0x24e: {  	v9 =	vmul.f32 $1.442695020e+00, v45  }
0x24f: {  	v46 =	vld [tilespmem:s11+$0x9520];
	(erf) = vpow2.f32 v5  }
0x250: {  	v5 =	vld [tilespmem:s11+$0x4D30];
	(erf) = vpow2.f32 v9;
	[tilespmem:s9+$0x9530] =	vst v2;
	v2 =	vmul.f32 $1.442695020e+00, v4;
	v4 =	vpop (erf)  }
0x251: {  	v8 =	vadd.f32 v11, v8;
	v9 =	vld [tilespmem:s11+$0x9530];
	v1 =	vmul.f32 v4, v1  }
0x252: {  	(erf) = vpow2.f32 v2  }
0x253: {  	v3 =	vadd.f32 v3, v13;
	v2 =	vld [tilespmem:s11+$0x4D60];
	v4 =	vmul.f32 $-1.702000020e+00, v8;
	[tilespmem:s9+$0x9560] =	vst v1  }
0x254: {  	v1 =	vadd.f32 v46, v12;
	v11 =	vld [tilespmem:s11+$0x9560]  }
0x255: {  	v47 =	vmul.f32 $-1.702000020e+00, v3;
	v4 =	vmul.f32 $1.442695020e+00, v4  }
0x256: {  	v5 =	vadd.f32 v9, v5;
	v48 =	vmul.f32 $-1.702000020e+00, v1  }
0x257: {  	v9 =	vmul.f32 $1.442695020e+00, v47;
	(erf) = vpow2.f32 v4  }
0x258: {  	v49 =	vpop (erf);
	v50 =	vmul.f32 $-1.702000020e+00, v5;
	v4 =	vmul.f32 $1.442695020e+00, v48  }
0x259: {  	v12 =	vadd.f32 $1.000000000e+00, v49;
	v51 =	vpop (erf);
	(erf) = vpow2.f32 v9;
	v2 =	vadd.f32 v11, v2  }
0x25a: {  	v9 =	vadd.f32 $1.000000000e+00, v51;
	(erf) = vpow2.f32 v4;
	v4 =	vmul.f32 $1.442695020e+00, v50  }
0x25b: {  	v52 =	vpop (erf);
	(erf) = vrcp.f32 v12;
	v11 =	vmul.f32 $-1.702000020e+00, v2  }
0x25c: {  	(erf) = vrcp.f32 v9;
	v9 =	vadd.f32 $1.000000000e+00, v52  }
0x25d: {  	(erf) = vpow2.f32 v4;
	v4 =	vmul.f32 $1.442695020e+00, v11  }
0x25e: {  	(erf) = vrcp.f32 v9  }
0x25f: {  	(erf) = vpow2.f32 v4;
	_ =	sdelay $0x1  }
0x260: {  	v4 =	vpop (erf)  }
0x261: {  	v9 =	vpop (erf)  }
0x262: {  	v11 =	vpop (erf)  }
0x263: {  	v53 =	vpop (erf)  }
0x264: {  	v4 =	vadd.f32 $1.000000000e+00, v4;
	v54 =	vpop (erf)  }
0x265: {  	v9 =	vadd.f32 $1.000000000e+00, v9;
	v55 =	vpop (erf)  }
0x266: {  	(erf) = vrcp.f32 v4;
	v4 =	vadd.f32 $1.000000000e+00, v11;
	v11 =	vpop (erf)  }
0x267: {  	(erf) = vrcp.f32 v9;
	v9 =	vadd.f32 $1.000000000e+00, v55;
	v56 =	vpop (erf)  }
0x268: {  	(erf) = vrcp.f32 v4;
	v4 =	vadd.f32 $1.000000000e+00, v56  }
0x269: {  	(erf) = vrcp.f32 v9  }
0x26a: {  	(erf) = vrcp.f32 v4  }
0x26b: {  	v4 =	vmul.f32 v53, v10  }
0x26c: {  	v7 =	vmul.f32 v54, v7  }
0x26d: {  	[tilespmem:s11+$0x9540] =	vst v4;
	v4 =	vmul.f32 v11, v6;
	_ =	sdelay $0x1  }
0x26e: {  	v6 =	vpop (erf)  }
0x26f: {  	[tilespmem:s11+$0x9500] =	vst v7;
	v6 =	vmul.f32 v6, v8;
	v7 =	vpop (erf)  }
0x270: {  	[tilespmem:s11+$0x9570] =	vst v4;
	v3 =	vmul.f32 v7, v3;
	v4 =	vpop (erf)  }
0x271: {  	[tilespmem:s11+$0x9510] =	vst v6;
	v1 =	vmul.f32 v4, v1;
	v4 =	vpop (erf)  }
0x272: {  	[tilespmem:s11+$0x9550] =	vst v3;
	v3 =	vmul.f32 v4, v5;
	v4 =	vpop (erf)  }
0x273: {  	[tilespmem:s11+$0x9520] =	vst v1;
	v1 =	vmul.f32 v4, v2  }
0x274: {  	[tilespmem:s11+$0x9530] =	vst v3  }
0x275: {  	[tilespmem:s11+$0x9560] =	vst v1  }
0x276: {  	[spmem:s3] =	stream.indirect.scatter.add.f32 [tilespmem:s8], [sflag:$0x5], $0x80, s0, s31, $0xb8;
	[tilespmem:$0x1F180] =	vst v63  }
0x277: {  	_ =	swait.ge [sflag:s18], $0x2400  }
0x278: {  	[sflag:s18] =	ssyncset.done $0x0  }
0x279: {  	s9 =	simm.s32 $0x0;
	s21 =	rddreg [dreg:$0xb];
	[sflag:s18] =	ssyncadd.s32 $0xFFFFDC00  }
0x27a: {  	[tilespmem:s26], [sflag:$0x6] =	stream.linear.gather [hbm4b:s21+s9], $0x40, $0x38;
	[tilespmem:$0x1F180] =	vst v63  }
0x27b: {  	_ =	swait.ge [sflag:s28], $0x40  }
0x27c: {  	[sflag:s28] =	ssyncset.done $0x0  }
0x27d: {  	s13 =	simm.s32 $0x40;
	s15 =	simm.s32 $0x26D0;
	[sflag:s28] =	ssyncadd.s32 $0xFFFFFFC0  }
0x27e: {  	[tilespmem:s2], [sflag:$0x1] =	stream.indirect.gather [hbm4b:s1+s13], $0x80, s15, s13, $0xb8;
	[tilespmem:$0x1F180] =	vst v63  }
0x27f: {  	s15 =	rddreg [dreg:$0x10]  }
0x280: {  	[tilespmem:s30], [sflag:$0x6] =	stream.linear.gather [hbm4b:s15+s9], $0x2000, $0x38;
	[tilespmem:$0x1F180] =	vst v63  }
0x281: {  	_ =	swait.ge [sflag:s28], $0x2000  }
0x282: {  	[sflag:s28] =	ssyncset.done $0x0  }
0x283: {  	[sflag:s28] =	ssyncadd.s32 $0xFFFFE000  }
0x284: {  	_ =	swait.ge [sflag:s14], $0x2000  }
0x285: {  	[sflag:s14] =	ssyncset.done $0x0  }
0x286: {  	s9 =	simm.s32 $0x0;
	[sflag:s14] =	ssyncadd.s32 $0xFFFFE000  }
0x287: {  	v1 =	vld [tilespmem:s9+$0x2900]  }
0x288: {  	v2 =	vld [tilespmem:s9+$0x2940]  }
0x289: {  	v3 =	vld [tilespmem:s9+$0x7140]  }
0x28a: {  	v4 =	vld [tilespmem:s9+$0x7100];
	_ =	sdelay $0x1  }
0x28b: {  	v5 =	vld [tilespmem:s9+$0x2970]  }
0x28c: {  	v6 =	vld [tilespmem:s9+$0x7170]  }
0x28d: {  	v9 =	vld [tilespmem:s9+$0x2950];
	v8 =	vadd.f32 v3, v2  }
0x28e: {  	v10 =	vld [tilespmem:s9+$0x2910];
	v7 =	vadd.f32 v4, v1  }
0x28f: {  	v1 =	vld [tilespmem:s9+$0x7110];
	v2 =	vmul.f32 $-1.702000020e+00, v8  }
0x290: {  	v3 =	vld [tilespmem:s9+$0x7150];
	v4 =	vmul.f32 $-1.702000020e+00, v7  }
0x291: {  	v5 =	vadd.f32 v6, v5;
	v2 =	vmul.f32 $1.442695020e+00, v2  }
0x292: {  	v11 =	vld [tilespmem:s9+$0x2920];
	v4 =	vmul.f32 $1.442695020e+00, v4  }
0x293: {  	v58 =	vld [tilespmem:s9+$0x7120];
	v57 =	vmul.f32 $-1.702000020e+00, v5;
	(erf) = vpow2.f32 v2  }
0x294: {  	v6 =	vadd.f32 v1, v10;
	v1 =	vld [tilespmem:s9+$0x2930];
	(erf) = vpow2.f32 v4  }
0x295: {  	v3 =	vadd.f32 v3, v9;
	v9 =	vld [tilespmem:s9+$0x7130];
	v2 =	vmul.f32 $1.442695020e+00, v57  }
0x296: {  	v4 =	vmul.f32 $-1.702000020e+00, v6  }
0x297: {  	v59 =	vld [tilespmem:s9+$0x2960];
	(erf) = vpow2.f32 v2;
	v2 =	vmul.f32 $-1.702000020e+00, v3  }
0x298: {  	v10 =	vmul.f32 $1.442695020e+00, v4;
	v4 =	vadd.f32 v58, v11;
	v11 =	vld [tilespmem:s9+$0x7160]  }
0x299: {  	v60 =	vmul.f32 $1.442695020e+00, v2  }
0x29a: {  	v2 =	vadd.f32 v9, v1;
	(erf) = vpow2.f32 v10;
	v10 =	vmul.f32 $-1.702000020e+00, v4  }
0x29b: {  	(erf) = vpow2.f32 v60  }
0x29c: {  	v9 =	vmul.f32 $1.442695020e+00, v10;
	v10 =	vmul.f32 $-1.702000020e+00, v2;
	v1 =	vpop (erf)  }
0x29d: {  	v61 =	vadd.f32 $1.000000000e+00, v1;
	v62 =	vpop (erf);
	v1 =	vadd.f32 v11, v59  }
0x29e: {  	(erf) = vpow2.f32 v9;
	v9 =	vmul.f32 $1.442695020e+00, v10;
	v11 =	vadd.f32 $1.000000000e+00, v62  }
0x29f: {  	(erf) = vrcp.f32 v61;
	v10 =	vmul.f32 $-1.702000020e+00, v1  }
0x2a0: {  	v63 =	vpop (erf);
	(erf) = vrcp.f32 v11  }
0x2a1: {  	(erf) = vpow2.f32 v9;
	v10 =	vmul.f32 $1.442695020e+00, v10  }
0x2a2: {  	v11 =	vadd.f32 $1.000000000e+00, v63;
	_ =	sdelay $0x1  }
0x2a3: {  	v9 =	vpop (erf);
	(erf) = vrcp.f32 v11  }
0x2a4: {  	s11 =	simm.s32 $0x400;
	s13 =	simm.s32 $0x200;
	v9 =	vadd.f32 $1.000000000e+00, v9;
	(erf) = vpow2.f32 v10;
	v10 =	vpop (erf)  }
.LBB2_12:
0x2a5: {  	p1 =	sne.s32 s11, $0x7E00  }
0x2a6: {  	s15 =	sshra.s32 s13, $0x2;
	v10 =	vadd.f32 $1.000000000e+00, v10;
	(erf) = vrcp.f32 v9;
	v9 =	vpop (erf);
	s13 =	smov.u32 s11;
	s11 =	sadd.s32 $0x200, s11  }
0x2a7: {  	v11 =	vld [tilespmem:s15+$0x2920];
	v14 =	vadd.f32 $1.000000000e+00, v9;
	v12 =	vpop (erf)  }
0x2a8: {  	v13 =	vld [tilespmem:s15+$0x2950];
	v8 =	vmul.f32 v12, v8;
	v12 =	vpop (erf);
	(erf) = vrcp.f32 v10  }
0x2a9: {  	v10 =	vld [tilespmem:s15+$0x2900];
	v7 =	vmul.f32 v12, v7;
	(erf) = vrcp.f32 v14;
	v9 =	vpop (erf)  }
0x2aa: {  	v12 =	vld [tilespmem:s15+$0x2940];
	v14 =	vadd.f32 $1.000000000e+00, v9;
	[tilespmem:s9+$0x7140] =	vst v8  }
0x2ab: {  	v8 =	vld [tilespmem:s15+$0x7140];
	[tilespmem:s9+$0x7100] =	vst v7  }
0x2ac: {  	v7 =	vld [tilespmem:s15+$0x7100];
	(erf) = vrcp.f32 v14;
	v9 =	vpop (erf)  }
0x2ad: {  	v14 =	vld [tilespmem:s15+$0x2910];
	v16 =	vmul.f32 v9, v5;
	v9 =	vpop (erf)  }
0x2ae: {  	v9 =	vadd.f32 $1.000000000e+00, v9  }
0x2af: {  	v15 =	vld [tilespmem:s15+$0x2970];
	[tilespmem:s9+$0x7170] =	vst v16;
	v5 =	vpop (erf)  }
0x2b0: {  	v8 =	vadd.f32 v8, v12;
	v12 =	vld [tilespmem:s15+$0x7170];
	v16 =	vmul.f32 v5, v6;
	(erf) = vrcp.f32 v9  }
0x2b1: {  	v7 =	vadd.f32 v7, v10;
	v6 =	vpop (erf)  }
0x2b2: {  	v9 =	vmul.f32 $-1.702000020e+00, v8;
	[tilespmem:s9+$0x7110] =	vst v16;
	v3 =	vmul.f32 v6, v3;
	v5 =	vpop (erf)  }
0x2b3: {  	v6 =	vmul.f32 $-1.702000020e+00, v7;
	v10 =	vld [tilespmem:s15+$0x7110];
	v17 =	vmul.f32 v5, v4  }
0x2b4: {  	v9 =	vmul.f32 $1.442695020e+00, v9;
	[tilespmem:s9+$0x7150] =	vst v3  }
0x2b5: {  	v3 =	vmul.f32 $1.442695020e+00, v6;
	v16 =	vld [tilespmem:s15+$0x7150];
	v5 =	vadd.f32 v12, v15;
	[tilespmem:s9+$0x7120] =	vst v17;
	v4 =	vpop (erf)  }
0x2b6: {  	v12 =	vld [tilespmem:s15+$0x7120];
	(erf) = vpow2.f32 v9;
	v2 =	vmul.f32 v4, v2  }
0x2b7: {  	v15 =	vmul.f32 $-1.702000020e+00, v5;
	(erf) = vpow2.f32 v3  }
0x2b8: {  	v6 =	vadd.f32 v10, v14;
	v9 =	vld [tilespmem:s15+$0x2930];
	[tilespmem:s9+$0x7130] =	vst v2  }
0x2b9: {  	v2 =	vld [tilespmem:s15+$0x7130];
	v10 =	vmul.f32 $1.442695020e+00, v15;
	v4 =	vpop (erf)  }
0x2ba: {  	v14 =	vmul.f32 $-1.702000020e+00, v6;
	v3 =	vadd.f32 v16, v13;
	v1 =	vmul.f32 v4, v1  }
0x2bb: {  	v4 =	vadd.f32 v12, v11;
	(erf) = vpow2.f32 v10  }
0x2bc: {  	v14 =	vmul.f32 $1.442695020e+00, v14;
	v11 =	vmul.f32 $-1.702000020e+00, v3;
	v12 =	vld [tilespmem:s15+$0x2960];
	[tilespmem:s9+$0x7160] =	vst v1;
	s9 =	smov.u32 s15  }
0x2bd: {  	v1 =	vmul.f32 $-1.702000020e+00, v4;
	v13 =	vld [tilespmem:s9+$0x7160]  }
0x2be: {  	v2 =	vadd.f32 v2, v9;
	v9 =	vmul.f32 $1.442695020e+00, v11;
	(erf) = vpow2.f32 v14  }
0x2bf: {  	v1 =	vmul.f32 $1.442695020e+00, v1;
	v10 =	vpop (erf)  }
0x2c0: {  	v11 =	vmul.f32 $-1.702000020e+00, v2;
	v10 =	vadd.f32 $1.000000000e+00, v10;
	v14 =	vpop (erf);
	(erf) = vpow2.f32 v9  }
0x2c1: {  	v9 =	vadd.f32 $1.000000000e+00, v14;
	(erf) = vpow2.f32 v1  }
0x2c2: {  	v11 =	vmul.f32 $1.442695020e+00, v11;
	v1 =	vadd.f32 v13, v12;
	(erf) = vrcp.f32 v10  }
0x2c3: {  	(erf) = vrcp.f32 v9  }
0x2c4: {  	v12 =	vmul.f32 $-1.702000020e+00, v1;
	(erf) = vpow2.f32 v11;
	v10 =	vpop (erf)  }
.Ltmp5:
0x2c5: {  	v10 =	vadd.f32 $1.000000000e+00, v10;
	(pc) =	sbr.rel @p1 .LBB2_12-.Ltmp5, $4  }
0x2c6: {  	v11 =	vmul.f32 $1.442695020e+00, v12  }
0x2c7: {  	v9 =	vpop (erf);
	(erf) = vrcp.f32 v10  }
0x2c8: {  	v9 =	vadd.f32 $1.000000000e+00, v9;
	(erf) = vpow2.f32 v11  }
0x2c9: {  	v10 =	vpop (erf)  }
0x2ca: {  	_ = 	snop  }
0x2cb: {  	s11 =	sshra.s32 s13, $0x2;
	v11 =	vpop (erf);
	v10 =	vadd.f32 $1.000000000e+00, v10  }
0x2cc: {  	(erf) = vrcp.f32 v9;
	v12 =	vld [tilespmem:s11+$0x2920];
	v57 =	vpop (erf)  }
0x2cd: {  	v13 =	vld [tilespmem:s11+$0x2950];
	v11 =	vadd.f32 $1.000000000e+00, v11;
	v8 =	vmul.f32 v57, v8;
	v14 =	vpop (erf);
	(erf) = vrcp.f32 v10  }
0x2ce: {  	v58 =	vld [tilespmem:s11+$0x2900];
	v7 =	vmul.f32 v14, v7;
	v60 =	vpop (erf)  }
0x2cf: {  	v59 =	vld [tilespmem:s11+$0x2940];
	(erf) = vrcp.f32 v11;
	[tilespmem:s9+$0x7140] =	vst v8;
	v8 =	vadd.f32 $1.000000000e+00, v60  }
0x2d0: {  	v61 =	vld [tilespmem:s11+$0x7140];
	[tilespmem:s9+$0x7100] =	vst v7;
	v62 =	vpop (erf)  }
0x2d1: {  	v7 =	vld [tilespmem:s11+$0x7100];
	(erf) = vrcp.f32 v8;
	v5 =	vmul.f32 v62, v5;
	v17 =	vpop (erf)  }
0x2d2: {  	v63 =	vld [tilespmem:s11+$0x2910];
	v14 =	vadd.f32 $1.000000000e+00, v17  }
0x2d3: {  	v15 =	vld [tilespmem:s11+$0x2970];
	[tilespmem:s9+$0x7170] =	vst v5  }
0x2d4: {  	v19 =	vld [tilespmem:s11+$0x7170];
	(erf) = vrcp.f32 v14  }
0x2d5: {  	v18 =	vpop (erf)  }
0x2d6: {  	v5 =	vmul.f32 v18, v6;
	v10 =	vadd.f32 v61, v59;
	v20 =	vpop (erf);
	v7 =	vadd.f32 v7, v58  }
0x2d7: {  	v3 =	vmul.f32 v20, v3  }
0x2d8: {  	[tilespmem:s9+$0x7110] =	vst v5;
	v21 =	vmul.f32 $-1.702000020e+00, v10;
	v22 =	vpop (erf);
	v24 =	vmul.f32 $-1.702000020e+00, v7  }
0x2d9: {  	v23 =	vld [tilespmem:s11+$0x7110];
	v4 =	vmul.f32 v22, v4;
	v6 =	vadd.f32 v19, v15  }
0x2da: {  	[tilespmem:s9+$0x7150] =	vst v3;
	v5 =	vmul.f32 $1.442695020e+00, v21;
	v25 =	vmul.f32 $1.442695020e+00, v24;
	v26 =	vpop (erf)  }
0x2db: {  	v3 =	vld [tilespmem:s11+$0x7150];
	[tilespmem:s9+$0x7120] =	vst v4;
	v2 =	vmul.f32 v26, v2;
	v28 =	vmul.f32 $-1.702000020e+00, v6  }
0x2dc: {  	v27 =	vld [tilespmem:s11+$0x7120];
	(erf) = vpow2.f32 v5  }
0x2dd: {  	v29 =	vld [tilespmem:s11+$0x2930];
	(erf) = vpow2.f32 v25;
	[tilespmem:s9+$0x7130] =	vst v2;
	v2 =	vmul.f32 $1.442695020e+00, v28;
	v30 =	vpop (erf)  }
0x2de: {  	v8 =	vadd.f32 v23, v63;
	v31 =	vld [tilespmem:s11+$0x7130];
	v1 =	vmul.f32 v30, v1  }
0x2df: {  	(erf) = vpow2.f32 v2  }
0x2e0: {  	v32 =	vmul.f32 $-1.702000020e+00, v8;
	v3 =	vadd.f32 v3, v13;
	v2 =	vld [tilespmem:s11+$0x2960];
	[tilespmem:s9+$0x7160] =	vst v1  }
0x2e1: {  	v1 =	vadd.f32 v27, v12;
	v33 =	vld [tilespmem:s11+$0x7160]  }
0x2e2: {  	v4 =	vmul.f32 $1.442695020e+00, v32;
	v34 =	vmul.f32 $-1.702000020e+00, v3  }
0x2e3: {  	v35 =	vmul.f32 $-1.702000020e+00, v1;
	v5 =	vadd.f32 v31, v29  }
0x2e4: {  	v36 =	vmul.f32 $1.442695020e+00, v34;
	(erf) = vpow2.f32 v4  }
0x2e5: {  	v38 =	vpop (erf);
	v37 =	vmul.f32 $1.442695020e+00, v35;
	v39 =	vmul.f32 $-1.702000020e+00, v5  }
0x2e6: {  	v12 =	vadd.f32 $1.000000000e+00, v38;
	v40 =	vpop (erf);
	(erf) = vpow2.f32 v36;
	v2 =	vadd.f32 v33, v2  }
0x2e7: {  	v41 =	vadd.f32 $1.000000000e+00, v40;
	(erf) = vpow2.f32 v37;
	v42 =	vmul.f32 $1.442695020e+00, v39  }
0x2e8: {  	(erf) = vrcp.f32 v12;
	v11 =	vmul.f32 $-1.702000020e+00, v2;
	v43 =	vpop (erf)  }
0x2e9: {  	(erf) = vrcp.f32 v41;
	v44 =	vadd.f32 $1.000000000e+00, v43  }
0x2ea: {  	(erf) = vpow2.f32 v42;
	v45 =	vmul.f32 $1.442695020e+00, v11  }
0x2eb: {  	(erf) = vrcp.f32 v44  }
0x2ec: {  	(erf) = vpow2.f32 v45;
	_ =	sdelay $0x1  }
0x2ed: {  	v46 =	vpop (erf)  }
0x2ee: {  	v47 =	vpop (erf)  }
0x2ef: {  	v48 =	vpop (erf)  }
0x2f0: {  	v49 =	vpop (erf)  }
0x2f1: {  	v4 =	vadd.f32 $1.000000000e+00, v46;
	v50 =	vpop (erf)  }
0x2f2: {  	v9 =	vadd.f32 $1.000000000e+00, v47;
	v51 =	vpop (erf)  }
0x2f3: {  	v52 =	vadd.f32 $1.000000000e+00, v48;
	(erf) = vrcp.f32 v4;
	v53 =	vpop (erf)  }
0x2f4: {  	(erf) = vrcp.f32 v9;
	v54 =	vadd.f32 $1.000000000e+00, v51;
	v55 =	vpop (erf)  }
0x2f5: {  	(erf) = vrcp.f32 v52;
	v56 =	vadd.f32 $1.000000000e+00, v55  }
0x2f6: {  	(erf) = vrcp.f32 v54  }
0x2f7: {  	(erf) = vrcp.f32 v56;
	_ =	sdelay $0x2  }
0x2f8: {  	v57 =	vmul.f32 v49, v10  }
0x2f9: {  	v7 =	vmul.f32 v50, v7  }
0x2fa: {  	[tilespmem:s11+$0x7140] =	vst v57;
	v58 =	vmul.f32 v53, v6;
	v59 =	vpop (erf)  }
0x2fb: {  	[tilespmem:s11+$0x7100] =	vst v7;
	v6 =	vmul.f32 v59, v8;
	v60 =	vpop (erf)  }
0x2fc: {  	[tilespmem:s11+$0x7170] =	vst v58;
	v3 =	vmul.f32 v60, v3;
	v61 =	vpop (erf)  }
0x2fd: {  	[tilespmem:s11+$0x7110] =	vst v6;
	v1 =	vmul.f32 v61, v1;
	v62 =	vpop (erf)  }
0x2fe: {  	[tilespmem:s11+$0x7150] =	vst v3;
	v3 =	vmul.f32 v62, v5;
	v63 =	vpop (erf)  }
0x2ff: {  	[tilespmem:s11+$0x7120] =	vst v1;
	v1 =	vmul.f32 v63, v2  }
0x300: {  	[tilespmem:s11+$0x7130] =	vst v3  }
0x301: {  	s13 =	simm.s32 $0x40;
	[tilespmem:s11+$0x7160] =	vst v1  }
0x302: {  	[spmem:s3] =	stream.indirect.scatter.add.f32 [tilespmem:s30], [sflag:$0x6], $0x80, s26, s13, $0xb8;
	[tilespmem:$0x1F180] =	vst v63  }
0x303: {  	_ =	swait.ge [sflag:s28], $0x2000  }
0x304: {  	[sflag:s28] =	ssyncset.done $0x0  }
0x305: {  	[sflag:s28] =	ssyncadd.s32 $0xFFFFE000  }
0x306: {  	[bflag:$0x0] =	sbarrier.arrive $0xFFFF  }
0x307: {  	s15 =	rddreg [dreg:$0xc]  }
0x308: {  	s26 =	rddreg [dreg:$0x14]  }
0x309: {  	[hbm:s15], [sflag:s10] =	dma.local [spmem:s26], $0x2700  }
0x30a: {  	_ =	swait.ge [sflag:s28], $0x2700  }
0x30b: {  	[sflag:s28] =	ssyncset.done $0x0  }
0x30c: {  	[sflag:s28] =	ssyncadd.s32 $0xFFFFD900  }
0x30d: {  	[spmem:s26], [sflag:s10] =	dma.local [hbm:s25], $0x2700  }
0x30e: {  	_ =	swait.ge [sflag:s28], $0x2700  }
0x30f: {  	[sflag:s28] =	ssyncset.done $0x0  }
0x310: {  	s9 =	rddreg [dreg:$0xd];
	[sflag:s28] =	ssyncadd.s32 $0xFFFFD900  }
0x311: {  	[hbm:s9], [sflag:s10] =	dma.local @!p0 [spmem:s22], $0x100  }
0x312: {  	s9 =	simm.s32 @!p0 $0x6  }
0x313: {  	_ =	swait.ge @!p0 [sflag:s9], $0x100  }
0x314: {  	[sflag:s9] =	ssyncset.done @!p0 $0x0  }
0x315: {  	[sflag:s9] =	ssyncadd.s32 @!p0 $0xFFFFFF00  }
0x316: {  	[spmem:s22], [sflag:s10] =	dma.local @!p0 [hbm:s17], $0x100  }
0x317: {  	_ =	swait.ge @!p0 [sflag:s9], $0x100  }
0x318: {  	[sflag:s9] =	ssyncset.done @!p0 $0x0  }
0x319: {  	s11 =	simm.s32 $0x200;
	[sflag:s9] =	ssyncadd.s32 @!p0 $0xFFFFFF00;
	s9 =	simm.s32 $0x0  }
.LBB2_14:
0x31a: {  	p1 =	sne.s32 s11, $0x8E00;
	[tilespmem:s9+$0x7170] =	vst v0  }
0x31b: {  	[tilespmem:s9+$0x7100] =	vst v0  }
0x31c: {  	[tilespmem:s9+$0x7110] =	vst v0  }
.Ltmp6:
0x31d: {  	[tilespmem:s9+$0x7120] =	vst v0;
	(pc) =	sbr.rel @p1 .LBB2_14-.Ltmp6, $4  }
0x31e: {  	[tilespmem:s9+$0x7130] =	vst v0  }
0x31f: {  	[tilespmem:s9+$0x7140] =	vst v0  }
0x320: {  	[tilespmem:s9+$0x7150] =	vst v0  }
0x321: {  	[tilespmem:s9+$0x7160] =	vst v0;
	s9 =	sshra.s32 s11, $0x2;
	s11 =	sadd.s32 $0x200, s11  }
0x322: {  	[tilespmem:s9+$0x7170] =	vst v0  }
0x323: {  	[tilespmem:s9+$0x7100] =	vst v0  }
0x324: {  	[tilespmem:s9+$0x7110] =	vst v0  }
0x325: {  	[tilespmem:s9+$0x7120] =	vst v0  }
0x326: {  	[tilespmem:s9+$0x7130] =	vst v0  }
0x327: {  	[tilespmem:s9+$0x7140] =	vst v0  }
0x328: {  	[tilespmem:s9+$0x7150] =	vst v0  }
0x329: {  	[tilespmem:s9+$0x7160] =	vst v0  }
0x32a: {  	[bflag:$0x0] =	sbarrier.arrive $0xFFFF  }
0x32b: {  	s26 =	simm.s32 $0x0;
	s11 =	rddreg [dreg:$0x7]  }
0x32c: {  	[tilespmem:s29], [sflag:$0x3] =	stream.linear.gather [hbm4b:s11+s26], $0x48, $0x38;
	[tilespmem:$0x1F180] =	vst v63  }
0x32d: {  	s13 =	rddreg [dreg:$0x9]  }
0x32e: {  	[tilespmem:s0], [sflag:$0x4] =	stream.linear.gather [hbm4b:s13+s26], $0x48, $0x38;
	[tilespmem:$0x1F180] =	vst v63  }
0x32f: {  	_ =	swait.ge [sflag:s16], $0x48  }
0x330: {  	[sflag:s16] =	ssyncset.done $0x0  }
0x331: {  	[sflag:s16] =	ssyncadd.s32 $0xFFFFFFB8  }
0x332: {  	[spmem:s3] =	stream.indirect.scatter.add.f32 [tilespmem:s30], [sflag:$0x1], $0x80, s29, s31, $0xb8;
	[tilespmem:$0x1F180] =	vst v63  }
0x333: {  	_ =	swait.ge [sflag:s14], $0x2400  }
0x334: {  	s15 =	rddreg [dreg:$0x12]  }
0x335: {  	[sflag:s14] =	ssyncset.done $0x0;
	s26 =	sshrl.u32 s15, $0x3  }
0x336: {  	[sflag:s14] =	ssyncadd.s32 $0xFFFFDC00;
	s9 =	sadd.s32 s7, s26  }
0x337: {  	[tilespmem:s29], [sflag:$0x3] =	stream.linear.gather [hbm4b:s9+s4], $0x48, $0x38;
	[tilespmem:$0x1F180] =	vst v63  }
0x338: {  	_ =	swait.ge [sflag:s20], $0x48  }
0x339: {  	[sflag:s20] =	ssyncset.done $0x0  }
0x33a: {  	[sflag:s20] =	ssyncadd.s32 $0xFFFFFFB8  }
0x33b: {  	[spmem:s3] =	stream.indirect.scatter.add.f32 [tilespmem:s30], [sflag:$0x2], $0x80, s0, s31, $0xb8;
	[tilespmem:$0x1F180] =	vst v63  }
0x33c: {  	_ =	swait.ge [sflag:s19], $0x2400  }
0x33d: {  	s13 =	sadd.s32 $0x0, s24;
	[sflag:s19] =	ssyncset.done $0x0  }
0x33e: {  	s11 =	sadd.s32 $0x90, s15;
	s9 =	simm.s32 $0x12;
	[sflag:s19] =	ssyncadd.s32 $0xFFFFDC00  }
.LBB2_16:
0x33f: {  	[tilespmem:s0], [sflag:$0x4] =	stream.linear.gather [hbm4b:s13+s4], $0x48, $0x38;
	[tilespmem:$0x1F180] =	vst v63  }
0x340: {  	s13 =	smov.u32 s9  }
0x341: {  	p1 =	sne.s32 s9, $0x4B6;
	s9 =	sadd.s32 $0x12, s9;
	_ =	swait.ge [sflag:s16], $0x48  }
0x342: {  	[sflag:s16] =	ssyncset.done $0x0  }
0x343: {  	[sflag:s16] =	ssyncadd.s32 $0xFFFFFFB8  }
0x344: {  	[spmem:s3] =	stream.indirect.scatter.add.f32 [tilespmem:s30], [sflag:$0x1], $0x80, s29, s31, $0xb8;
	[tilespmem:$0x1F180] =	vst v63  }
0x345: {  	_ =	swait.ge [sflag:s14], $0x2400  }
0x346: {  	s15 =	sshrl.u32 s11, $0x3;
	[sflag:s14] =	ssyncset.done $0x0  }
0x347: {  	s15 =	sadd.s32 s7, s15;
	[sflag:s14] =	ssyncadd.s32 $0xFFFFDC00  }
0x348: {  	[tilespmem:s29], [sflag:$0x3] =	stream.linear.gather [hbm4b:s15+s4], $0x48, $0x38;
	[tilespmem:$0x1F180] =	vst v63  }
0x349: {  	_ =	swait.ge [sflag:s20], $0x48  }
0x34a: {  	[sflag:s20] =	ssyncset.done $0x0  }
.Ltmp7:
0x34b: {  	[sflag:s20] =	ssyncadd.s32 $0xFFFFFFB8;
	(pc) =	sbr.rel @p1 .LBB2_16-.Ltmp7, $4  }
0x34c: {  	[spmem:s3] =	stream.indirect.scatter.add.f32 [tilespmem:s30], [sflag:$0x2], $0x80, s0, s31, $0xb8;
	[tilespmem:$0x1F180] =	vst v63  }
0x34d: {  	_ =	swait.ge [sflag:s19], $0x2400  }
0x34e: {  	[sflag:s19] =	ssyncset.done $0x0  }
0x34f: {  	s11 =	sadd.s32 $0x90, s11;
	s13 =	sadd.s32 s13, s24;
	[sflag:s19] =	ssyncadd.s32 $0xFFFFDC00  }
0x350: {  	[tilespmem:s0], [sflag:$0x4] =	stream.linear.gather [hbm4b:s13+s4], $0x48, $0x38;
	[tilespmem:$0x1F180] =	vst v63  }
0x351: {  	_ =	swait.ge [sflag:s16], $0x48  }
0x352: {  	[sflag:s16] =	ssyncset.done $0x0  }
0x353: {  	[sflag:s16] =	ssyncadd.s32 $0xFFFFFFB8  }
0x354: {  	[spmem:s3] =	stream.indirect.scatter.add.f32 [tilespmem:s30], [sflag:$0x1], $0x80, s29, s31, $0xb8;
	[tilespmem:$0x1F180] =	vst v63  }
0x355: {  	_ =	swait.ge [sflag:s14], $0x2400  }
0x356: {  	[sflag:s14] =	ssyncset.done $0x0  }
0x357: {  	[sflag:s14] =	ssyncadd.s32 $0xFFFFDC00  }
0x358: {  	_ =	swait.ge [sflag:s20], $0x48  }
0x359: {  	[sflag:s20] =	ssyncset.done $0x0  }
0x35a: {  	[sflag:s20] =	ssyncadd.s32 $0xFFFFFFB8  }
0x35b: {  	[spmem:s3] =	stream.indirect.scatter.add.f32 [tilespmem:s30], [sflag:$0x2], $0x80, s0, s31, $0xb8;
	[tilespmem:$0x1F180] =	vst v63  }
0x35c: {  	_ =	swait.ge [sflag:s19], $0x2400  }
0x35d: {  	[sflag:s19] =	ssyncset.done $0x0  }
0x35e: {  	s9 =	simm.s32 $0x2880;
	[sflag:s19] =	ssyncadd.s32 $0xFFFFDC00  }
0x35f: {  	[tilespmem:s9], [sflag:$0x6] =	stream.linear.gather [hbm4b:s21+s4], $0x40, $0x38;
	[tilespmem:$0x1F180] =	vst v63  }
0x360: {  	_ =	swait.ge [sflag:s28], $0x40  }
0x361: {  	[sflag:s28] =	ssyncset.done $0x0  }
0x362: {  	s11 =	simm.s32 $0x40;
	[sflag:s28] =	ssyncadd.s32 $0xFFFFFFC0  }
0x363: {  	[spmem:s3] =	stream.indirect.scatter.add.f32 [tilespmem:s30], [sflag:$0x6], $0x80, s9, s11, $0xb8;
	[tilespmem:$0x1F180] =	vst v63  }
0x364: {  	_ =	swait.ge [sflag:s28], $0x2000  }
0x365: {  	[sflag:s28] =	ssyncset.done $0x0  }
0x366: {  	[sflag:s28] =	ssyncadd.s32 $0xFFFFE000  }
0x367: {  	[bflag:$0x0] =	sbarrier.arrive $0xFFFF  }
0x368: {  	s15 =	rddreg [dreg:$0xe]  }
0x369: {  	s21 =	rddreg [dreg:$0x14]  }
0x36a: {  	[hbm:s15], [sflag:s10] =	dma.local [spmem:s21], $0x2700  }
0x36b: {  	_ =	swait.ge [sflag:s28], $0x2700  }
0x36c: {  	[sflag:s28] =	ssyncset.done $0x0  }
0x36d: {  	s9 =	rddreg [dreg:$0xf];
	[sflag:s28] =	ssyncadd.s32 $0xFFFFD900  }
0x36e: {  	[hbm:s9], [sflag:s10] =	dma.local @!p0 [spmem:s22], $0x100  }
0x36f: {  	s9 =	simm.s32 @!p0 $0x6  }
0x370: {  	_ =	swait.ge @!p0 [sflag:s9], $0x100  }
0x371: {  	s23 =	sadd.s32 $0x1, s23;
	s22 =	rddreg [dreg:$0x11]  }
0x372: {  	p1 =	sne.s32 s23, s22  }
.Ltmp8:
0x373: {  	_ = 	snop;
	(pc) =	sbr.rel @p1 .LBB2_1-.Ltmp8, $3  }
0x374: {  	_ =	sdelay $0x1  }
0x375: {  	[sflag:s9] =	ssyncset.done @!p0 $0x0  }
0x376: {  	s26 =	simm.s32 $0x2880;
	[sflag:s9] =	ssyncadd.s32 @!p0 $0xFFFFFF00  }
0x377: {  	_ =	sfence.sel $0x180000  }
0x378: {  	[bflag:$0x0] =	sbarrier.arrive $0xFFFF  }
0x379: {  	_ =	strace $0x90000047  }
0x37a: {  	s0 =	stileid.u32;
	[bflag:$0x2] =	sbarrier.arrive $0xFFFF  }
0x37b: {  	p0 =	sne.s32 s0, $0x0;
	s0 =	rddreg [dreg:$0x3]  }
0x37c: {  	s0 =	sadd.s32 @!p0 $0x100000, s0  }
0x37d: {  	[sflag:s0] =	ssyncadd.tile.s32 @!p0 $0x1;
	_ =	shalt  }
.Lfunc_end2:
_tile_overlayer_lowered:
.L_overlay_start_2:
0x37e: {  	(tag) =	ssettag $0x2  }
0x37f: {  	s0 =	rddreg [dreg:$0x0];
	s2 =	stileid.u32  }
0x380: {  	s1 =	rddreg [dreg:$0x1];
	p0 =	sne.s32 s2, $0x0  }
0x381: {  	s3 =	rddreg [dreg:$0x2];
	[bflag:$0x3] =	sbarrier.arrive $0xFFFF;
	s2 =	simm.s32 @!p0 $0x1C06  }
0x382: {  	[timem:s3], [sflag:s2] =	dma.local @!p0 [hbm:s0], s1  }
0x383: {  	s0 =	simm.s32 @!p0 $0x6  }
0x384: {  	_ =	swait.ge @!p0 [sflag:s0], s1  }
0x385: {  	s1 =	ssub.s32 @!p0 $0x0, s1;
	[sflag:s0] =	ssyncset.done @!p0 $0x0  }
0x386: {  	[sflag:s0] =	ssyncadd.s32 @!p0 s1  }
0x387: {  	[bflag:$0x3] =	sbarrier.arrive $0xFFFF  }
0x388: {  	_ =	shalt  }

</sc_bundles>
